<compile_context>
chip_gen: v7x
topology: tpu7x:2x2x1
jax: 0.10.2.dev20260603
libtpu: 0.0.44.dev20260713+nightly
codegen_flags: <defaults>
</compile_context>

<pallas_src>
import functools

import jax
import jax.numpy as jnp
from jax import lax
from jax.experimental import pallas as pl
from jax.experimental.pallas import tpu as pltpu
from jax.experimental.pallas import tpu_sc as plsc

_K = 4335206
_ROWS = 8
_ROWLEN = 96 * 224 * 224


def _f32_from_key(k):
    u = jnp.where((k >> 31) == 1, k ^ jnp.uint32(0x80000000), ~k)
    return jax.lax.bitcast_convert_type(u, jnp.float32)


def _mask_body(x_ref, thr_ref, o_ref):
    t = thr_ref[0, 0, 0]
    x = x_ref[...]
    o_ref[...] = x * (x >= t).astype(jnp.float32)


def _apply_mask(xv, thr16, rows, sub, lanes, nb, sub_blk):
    return pl.pallas_call(
        _mask_body,
        grid=(rows, nb),
        in_specs=[
            pl.BlockSpec((1, sub_blk, lanes), lambda r, b: (r, b, 0)),
            pl.BlockSpec((1, 1, 16), lambda r, b: (r, 0, 0)),
        ],
        out_specs=pl.BlockSpec((1, sub_blk, lanes), lambda r, b: (r, b, 0)),
        out_shape=jax.ShapeDtypeStruct((rows, sub, lanes), jnp.float32),
    )(xv, thr16)


def _make_sc_thresh(rowlen, chunk, kth, interpret=False):
    qlen = rowlen // 4
    nchunk = qlen // chunk
    assert nchunk * chunk == qlen
    nb = 4096
    cap = 32768

    mesh = plsc.VectorSubcoreMesh(core_axis_name="c", subcore_axis_name="s",
                                  num_cores=2, num_subcores=16)
    signbit = jnp.int32(-2147483648)

    @functools.partial(
        pl.kernel,
        out_type=jax.ShapeDtypeStruct((8, 16), jnp.int32),
        mesh=mesh,
        scratch_types=[
            pltpu.VMEM((nb,), jnp.int32),
            pltpu.VMEM((chunk,), jnp.int32),
            pltpu.VMEM((nb,), jnp.int32),
            pltpu.VMEM((4, nb), jnp.int32),
            pltpu.VMEM((16,), jnp.int32),
            pltpu.VMEM((cap + 16,), jnp.int32),
            pltpu.VMEM_SHARED((16, nb), jnp.int32),
        ],
        compiler_params=pltpu.CompilerParams(needs_layout_passes=False),
        interpret=interpret,
    )
    def sc_thresh(x_hbm, out_hbm, hist, buf, red, grp, obuf, cbuf, shist):
        c = lax.axis_index("c")
        s = lax.axis_index("s")
        lrow = s // 4
        row = c * 4 + lrow
        q = s % 4
        base = row * rowlen + q * qlen
        iota16 = lax.iota(jnp.int32, 16)
        ones = jnp.ones((16,), jnp.int32)

        def monotone(u):
            return u ^ ((u >> jnp.int32(31)) | signbit)

        def zero_hist():
            def zbody(i, _):
                hist[pl.ds(i * 16, 16)] = jnp.zeros((16,), jnp.int32)
                return 0
            lax.fori_loop(0, nb // 16, zbody, 0, unroll=8)

        def merge_and_scan(krem_s):
            pltpu.sync_copy(hist, shist.at[s])
            plsc.subcore_barrier()
            pltpu.sync_copy(shist.at[pl.ds(lrow * 4, 4)], grp)

            def mbody(vi, _):
                acc = (grp[0, pl.ds(vi * 16, 16)] +
                       grp[1, pl.ds(vi * 16, 16)] +
                       grp[2, pl.ds(vi * 16, 16)] +
                       grp[3, pl.ds(vi * 16, 16)])
                red[pl.ds(vi * 16, 16)] = acc
                return 0
            lax.fori_loop(0, nb // 16, mbody, 0)
            plsc.subcore_barrier()

            def sbody(vi, carry):
                done, binv, below, tot = carry
                vec = red[pl.ds(vi * 16, 16)]
                cum = plsc.cumsum(vec)
                g = tot + cum
                m = g >= krem_s
                many = jnp.sum(m.astype(jnp.int32))
                ffs = jnp.min(jnp.where(m, iota16, jnp.int32(16)))
                below_here = tot + jnp.sum(jnp.where(iota16 < ffs, vec, 0))
                found_now = (many > 0) & (done == 0)
                binv = jnp.where(found_now, vi * 16 + ffs, binv)
                below = jnp.where(found_now, below_here, below)
                done = jnp.where(many > 0, jnp.int32(1), done)
                tot = tot + jnp.sum(vec)
                return (done, binv, below, tot)

            init = (jnp.int32(0), jnp.int32(0), jnp.int32(0), jnp.int32(0))
            _, binv, below, _ = lax.fori_loop(0, nb // 16, sbody, init)
            return binv, below

        zero_hist()

        def cbody1(ci, _):
            pltpu.sync_copy(x_hbm.at[pl.ds(base + ci * chunk, chunk)], buf)

            def vbody(j, _):
                key = monotone(buf[pl.ds(j * 16, 16)])
                idx = (key >> jnp.int32(20)) & jnp.int32(0xFFF)
                plsc.addupdate_scatter(hist, [idx], ones)
                return 0
            lax.fori_loop(0, chunk // 16, vbody, 0, unroll=8)
            return 0
        lax.fori_loop(0, nchunk, cbody1, 0)

        b1, below1 = merge_and_scan(jnp.int32(kth))
        krem1 = jnp.int32(kth) - below1

        zero_hist()
        b1v = jnp.full((16,), b1, jnp.int32)

        def cbody2(ci, off):
            pltpu.sync_copy(x_hbm.at[pl.ds(base + ci * chunk, chunk)], buf)

            def vbody(j, off):
                key = monotone(buf[pl.ds(j * 16, 16)])
                m = ((key >> jnp.int32(20)) & jnp.int32(0xFFF)) == b1v
                idx = (key >> jnp.int32(8)) & jnp.int32(0xFFF)
                plsc.addupdate_scatter(hist, [idx], ones, mask=m)
                plsc.store_compressed(cbuf.at[pl.ds(jnp.minimum(off, cap), 16)],
                                      key, mask=m)
                return off + jnp.sum(m.astype(jnp.int32))
            return lax.fori_loop(0, chunk // 16, vbody, off, unroll=8)
        off = lax.fori_loop(0, nchunk, cbody2, jnp.int32(0))

        b2, below2 = merge_and_scan(krem1)
        krem2 = krem1 - below2

        zero_hist()
        b2v = jnp.full((16,), b2, jnp.int32)

        @pl.when(off <= cap)
        def _fast():
            def vbody(j, _):
                key = cbuf[pl.ds(j * 16, 16)]
                valid = (j * 16 + iota16) < off
                m = (((key >> jnp.int32(8)) & jnp.int32(0xFFF)) == b2v) & valid
                idx = key & jnp.int32(0xFF)
                plsc.addupdate_scatter(hist, [idx], ones, mask=m)
                return 0
            lax.fori_loop(0, cap // 16, vbody, 0, unroll=8)

        @pl.when(off > cap)
        def _slow():
            p24 = jnp.full((16,), (b1 << jnp.int32(12)) | b2, jnp.int32)

            def cbody3(ci, _):
                pltpu.sync_copy(x_hbm.at[pl.ds(base + ci * chunk, chunk)], buf)

                def vbody(j, _):
                    key = monotone(buf[pl.ds(j * 16, 16)])
                    m = ((key >> jnp.int32(8)) & jnp.int32(0xFFFFFF)) == p24
                    idx = key & jnp.int32(0xFF)
                    plsc.addupdate_scatter(hist, [idx], ones, mask=m)
                    return 0
                lax.fori_loop(0, chunk // 16, vbody, 0, unroll=8)
                return 0
            lax.fori_loop(0, nchunk, cbody3, 0)

        b3, below3 = merge_and_scan(krem2)
        del below3

        prefix = (b1 << jnp.int32(20)) | (b2 << jnp.int32(8)) | b3

        @pl.when(q == 0)
        def _emit():
            obuf[...] = jnp.full((16,), prefix, jnp.int32)
            pltpu.sync_copy(obuf, out_hbm.at[row])

    return sc_thresh


def kernel(inputs):
    b = inputs.shape[0]
    flat = inputs.reshape(b, _ROWLEN)
    bits = jax.lax.bitcast_convert_type(flat, jnp.int32)
    key16 = _make_sc_thresh(_ROWLEN, 8192, _K)(bits.reshape(-1))
    thr16 = _f32_from_key(jax.lax.bitcast_convert_type(key16, jnp.uint32))
    xv = flat.reshape(b, 768, 6272)
    out = _apply_mask(xv, thr16.reshape(b, 1, 16), b, 768, 6272, 8, 96)
    return out.reshape(inputs.shape)

# --- scband reference (transcript-rebuilt; emitter-appended) ---
"""Pipeline reference for scband-ksparse-torch-87428354278007 (READ-ONLY COPY).

The authoritative reference and input builder live on the scoring server;
editing this copy changes nothing except your own understanding.
"""

import jax, jax.numpy as jnp
import numpy as np

K = 4335206  # k-th smallest kept as threshold; keeps ~10% largest of N=4,816,896

def setup_inputs(seed: int = 0) -> dict:
    key = jax.random.key(seed)
    inputs = jax.random.normal(key, (8, 96, 224, 224), dtype=jnp.float32)
    return {"inputs": inputs}

def reference(inputs):
    # torch.kthvalue(flat, k) returns the k-th SMALLEST value per row
    b = inputs.shape[0]
    flat = inputs.reshape(b, -1)
    srt = jnp.sort(flat, axis=-1)
    kth_largest = srt[:, K - 1].reshape(-1, 1, 1, 1)
    sparse_inputs = inputs * (inputs >= kth_largest).astype(jnp.float32)
    return sparse_inputs

if __name__ == "__main__":
    import jax
    _d = setup_inputs()
    print(jax.jit(kernel)(*tuple(_d.values())))

</pallas_src>

<mosaic_0001>
#map = affine_map<(d0, d1) -> (0)>
#map1 = affine_map<(d0, d1) -> (0, 0)>
module attributes {stable_mosaic.version = 14 : i64} {
  func.func @_rewritten_body(%arg0: i32, %arg1: i32, %arg2: memref<38535168xi32, #tpu.memory_space<hbm>>, %arg3: memref<1xi32, #tpu.memory_space<hbm>>, %arg4: memref<8x16xi32, #tpu.memory_space<hbm>>, %arg5: memref<4096xi32, #tpu.memory_space<vmem>>, %arg6: memref<8192xi32, #tpu.memory_space<vmem>>, %arg7: memref<4096xi32, #tpu.memory_space<vmem>>, %arg8: memref<4x4096xi32, #tpu.memory_space<vmem>>, %arg9: memref<16xi32, #tpu.memory_space<vmem>>, %arg10: memref<32784xi32, #tpu.memory_space<vmem>>, %arg11: memref<16x4096xi32, #tpu.memory_space<vmem_shared>>) attributes {dimension_semantics = [#tpu.dimension_semantics<core_parallel>, #tpu.dimension_semantics<subcore_parallel>], iteration_bounds = array<i64: 2, 16>, scalar_prefetch = 0 : i64, scratch_operands = 7 : i64, tpu.core_type = #tpu.core_type<sc_vector_subcore>, window_params = [{transform_indices = #map}, {transform_indices = #map}, {transform_indices = #map1}]} {
    %empty_ref3A = memref.alloca() : memref<16xi32, #tpu.memory_space<vmem>>
    "tpu.region"() ({
      %run_scoped3A = tpu.sem_alloc : memref<!tpu.dma_semaphore, #tpu.memory_space<semaphore_mem>>
      %dma_start3A = arith.constant 0 : i32
      %dma_start3A_155 = tpu.memref_slice %empty_ref3A[%dma_start3A] : memref<16xi32, #tpu.memory_space<vmem>> -> memref<1xi32, #tpu.memory_space<vmem>>
      %dma_start3A_156 = arith.constant 0 : i32
      %dma_start3A_157 = tpu.memref_slice %empty_ref3A[%dma_start3A_156] : memref<16xi32, #tpu.memory_space<vmem>> -> memref<1xi32, #tpu.memory_space<vmem>>
      tpu.enqueue_dma source(%arg3 : memref<1xi32, #tpu.memory_space<hbm>>) target(%dma_start3A_157 : memref<1xi32, #tpu.memory_space<vmem>>) target_semaphore(%run_scoped3A : memref<!tpu.dma_semaphore, #tpu.memory_space<semaphore_mem>>)
      %dma_wait3A = arith.constant 0 : i32
      %dma_wait3A_158 = tpu.memref_slice %empty_ref3A[%dma_wait3A] : memref<16xi32, #tpu.memory_space<vmem>> -> memref<1xi32, #tpu.memory_space<vmem>>
      %dma_wait3A_159 = arith.constant 0 : i32
      %dma_wait3A_160 = tpu.memref_slice %empty_ref3A[%dma_wait3A_159] : memref<16xi32, #tpu.memory_space<vmem>> -> memref<1xi32, #tpu.memory_space<vmem>>
      tpu.wait_dma2 semaphore(%run_scoped3A : memref<!tpu.dma_semaphore, #tpu.memory_space<semaphore_mem>>) src(%arg3 : memref<1xi32, #tpu.memory_space<hbm>>) dst(%dma_wait3A_160 : memref<1xi32, #tpu.memory_space<vmem>>)
      tpu.yield
    }) : () -> ()
    %get3A = arith.constant 0 : index
    %get3A_0 = tpu.vector_load %empty_ref3A[%get3A] {strides = array<i32>} : memref<16xi32, #tpu.memory_space<vmem>>, vector<16xi32>,
    %slice3A = vector.extract_strided_slice %get3A_0 {offsets = [0], sizes = [1], strides = [1]} : vector<16xi32> to vector<1xi32>
    %squeeze3A = vector.extract %slice3A[0] : i32 from vector<1xi32>
    %jit3A = arith.constant 4 : i32
    %div3A = arith.divsi %arg1, %jit3A : i32
    %sign3A = arith.constant 0 : i32
    %sign3A_1 = arith.cmpi sgt, %arg1, %sign3A : i32
    %sign3A_2 = arith.extui %sign3A_1 : i1 to i32
    %sign3A_3 = arith.constant 0 : i32
    %sign3A_4 = arith.cmpi slt, %arg1, %sign3A_3 : i32
    %sign3A_5 = arith.extui %sign3A_4 : i1 to i32
    %sign3A_6 = arith.subi %sign3A_2, %sign3A_5 : i32
    %sign3A_7 = arith.constant 0 : i32
    %sign3A_8 = arith.cmpi sgt, %jit3A, %sign3A_7 : i32
    %sign3A_9 = arith.extui %sign3A_8 : i1 to i32
    %sign3A_10 = arith.constant 0 : i32
    %sign3A_11 = arith.cmpi slt, %jit3A, %sign3A_10 : i32
    %sign3A_12 = arith.extui %sign3A_11 : i1 to i32
    %sign3A_13 = arith.subi %sign3A_9, %sign3A_12 : i32
    %ne3A = arith.cmpi ne, %sign3A_6, %sign3A_13 : i32
    %rem3A = arith.remsi %arg1, %jit3A : i32
    %ne3A_14 = arith.constant 0 : i32
    %ne3A_15 = arith.cmpi ne, %rem3A, %ne3A_14 : i32
    %and3A = arith.andi %ne3A, %ne3A_15 : i1
    %sub3A = arith.constant 1 : i32
    %sub3A_16 = arith.subi %div3A, %sub3A : i32
    %select_n3A = arith.select %and3A, %sub3A_16, %div3A : i32
    %mul3A = arith.constant 4 : i32
    %mul3A_17 = arith.muli %arg0, %mul3A : i32
    %add3A = arith.addi %mul3A_17, %select_n3A : i32
    %jit3A_18 = arith.constant 4 : i32
    %eq3A = arith.constant 0 : i32
    %eq3A_19 = arith.cmpi eq, %jit3A_18, %eq3A : i32
    %jit3A_20 = arith.constant 1 : i32
    %select_n3A_21 = arith.select %eq3A_19, %jit3A_20, %jit3A_18 : i32
    %rem3A_22 = arith.remsi %arg1, %select_n3A_21 : i32
    %ne3A_23 = arith.constant 0 : i32
    %ne3A_24 = arith.cmpi ne, %rem3A_22, %ne3A_23 : i32
    %lt3A = arith.constant 0 : i32
    %lt3A_25 = arith.cmpi slt, %rem3A_22, %lt3A : i32
    %lt3A_26 = arith.constant 0 : i32
    %lt3A_27 = arith.cmpi slt, %select_n3A_21, %lt3A_26 : i32
    %ne3A_28 = arith.xori %lt3A_25, %lt3A_27 : i1
    %and3A_29 = arith.andi %ne3A_28, %ne3A_24 : i1
    %add3A_30 = arith.addi %rem3A_22, %select_n3A_21 : i32
    %select_n3A_31 = arith.select %and3A_29, %add3A_30, %rem3A_22 : i32
    %mul3A_32 = arith.constant 4816896 : i32
    %mul3A_33 = arith.muli %add3A, %mul3A_32 : i32
    %mul3A_34 = arith.constant 1204224 : i32
    %mul3A_35 = arith.muli %select_n3A_31, %mul3A_34 : i32
    %add3A_36 = arith.addi %mul3A_33, %mul3A_35 : i32
    %iota3A = tpu.iota {dimensions = array<i32: 0>} : vector<16xi32>
    %broadcast_in_dim3A = arith.constant 1 : i32
    %broadcast_in_dim3A_37 = vector.broadcast %broadcast_in_dim3A : i32 to vector<16xi32>
    %scan3A = arith.constant 0 : i32
    %scan3A_38 = arith.constant 0 : i32
    %scan3A_39 = arith.constant 256 : i32
    %scan3A_40 = arith.addi %scan3A_38, %scan3A_39 : i32
    %scan3A_41 = arith.constant 8 : i32
    %scan3A_42 = scf.for %scan3A_155 = %scan3A_38 to %scan3A_40 step %scan3A_41 iter_args(%scan3A_156 = %scan3A) -> (i32)  : i32 {
      %broadcast_in_dim3A_157 = arith.constant 0 : i32
      %broadcast_in_dim3A_158 = vector.broadcast %broadcast_in_dim3A_157 : i32 to vector<16xi32>
      %mul3A_159 = arith.constant 16 : i32
      %mul3A_160 = arith.muli %scan3A_155, %mul3A_159 : i32
      %swap3A = arith.index_cast %mul3A_160 : i32 to index
      %swap3A_161 = tpu.vector_load %arg5[%swap3A] {strides = array<i32>} : memref<4096xi32, #tpu.memory_space<vmem>>, vector<16xi32>,
      tpu.vector_store %arg5[%swap3A], %broadcast_in_dim3A_158 {strides = array<i32>} : memref<4096xi32, #tpu.memory_space<vmem>>, vector<16xi32>,
      %scan3A_162 = arith.constant 0 : i32
      %scan3A_163 = arith.constant 1 : i32
      %scan3A_164 = arith.addi %scan3A_155, %scan3A_163 : i32
      %broadcast_in_dim3A_165 = arith.constant 0 : i32
      %broadcast_in_dim3A_166 = vector.broadcast %broadcast_in_dim3A_165 : i32 to vector<16xi32>
      %mul3A_167 = arith.constant 16 : i32
      %mul3A_168 = arith.muli %scan3A_164, %mul3A_167 : i32
      %swap3A_169 = arith.index_cast %mul3A_168 : i32 to index
      %swap3A_170 = tpu.vector_load %arg5[%swap3A_169] {strides = array<i32>} : memref<4096xi32, #tpu.memory_space<vmem>>, vector<16xi32>,
      tpu.vector_store %arg5[%swap3A_169], %broadcast_in_dim3A_166 {strides = array<i32>} : memref<4096xi32, #tpu.memory_space<vmem>>, vector<16xi32>,
      %scan3A_171 = arith.constant 0 : i32
      %scan3A_172 = arith.constant 2 : i32
      %scan3A_173 = arith.addi %scan3A_155, %scan3A_172 : i32
      %broadcast_in_dim3A_174 = arith.constant 0 : i32
      %broadcast_in_dim3A_175 = vector.broadcast %broadcast_in_dim3A_174 : i32 to vector<16xi32>
      %mul3A_176 = arith.constant 16 : i32
      %mul3A_177 = arith.muli %scan3A_173, %mul3A_176 : i32
      %swap3A_178 = arith.index_cast %mul3A_177 : i32 to index
      %swap3A_179 = tpu.vector_load %arg5[%swap3A_178] {strides = array<i32>} : memref<4096xi32, #tpu.memory_space<vmem>>, vector<16xi32>,
      tpu.vector_store %arg5[%swap3A_178], %broadcast_in_dim3A_175 {strides = array<i32>} : memref<4096xi32, #tpu.memory_space<vmem>>, vector<16xi32>,
      %scan3A_180 = arith.constant 0 : i32
      %scan3A_181 = arith.constant 3 : i32
      %scan3A_182 = arith.addi %scan3A_155, %scan3A_181 : i32
      %broadcast_in_dim3A_183 = arith.constant 0 : i32
      %broadcast_in_dim3A_184 = vector.broadcast %broadcast_in_dim3A_183 : i32 to vector<16xi32>
      %mul3A_185 = arith.constant 16 : i32
      %mul3A_186 = arith.muli %scan3A_182, %mul3A_185 : i32
      %swap3A_187 = arith.index_cast %mul3A_186 : i32 to index
      %swap3A_188 = tpu.vector_load %arg5[%swap3A_187] {strides = array<i32>} : memref<4096xi32, #tpu.memory_space<vmem>>, vector<16xi32>,
      tpu.vector_store %arg5[%swap3A_187], %broadcast_in_dim3A_184 {strides = array<i32>} : memref<4096xi32, #tpu.memory_space<vmem>>, vector<16xi32>,
      %scan3A_189 = arith.constant 0 : i32
      %scan3A_190 = arith.constant 4 : i32
      %scan3A_191 = arith.addi %scan3A_155, %scan3A_190 : i32
      %broadcast_in_dim3A_192 = arith.constant 0 : i32
      %broadcast_in_dim3A_193 = vector.broadcast %broadcast_in_dim3A_192 : i32 to vector<16xi32>
      %mul3A_194 = arith.constant 16 : i32
      %mul3A_195 = arith.muli %scan3A_191, %mul3A_194 : i32
      %swap3A_196 = arith.index_cast %mul3A_195 : i32 to index
      %swap3A_197 = tpu.vector_load %arg5[%swap3A_196] {strides = array<i32>} : memref<4096xi32, #tpu.memory_space<vmem>>, vector<16xi32>,
      tpu.vector_store %arg5[%swap3A_196], %broadcast_in_dim3A_193 {strides = array<i32>} : memref<4096xi32, #tpu.memory_space<vmem>>, vector<16xi32>,
      %scan3A_198 = arith.constant 0 : i32
      %scan3A_199 = arith.constant 5 : i32
      %scan3A_200 = arith.addi %scan3A_155, %scan3A_199 : i32
      %broadcast_in_dim3A_201 = arith.constant 0 : i32
      %broadcast_in_dim3A_202 = vector.broadcast %broadcast_in_dim3A_201 : i32 to vector<16xi32>
      %mul3A_203 = arith.constant 16 : i32
      %mul3A_204 = arith.muli %scan3A_200, %mul3A_203 : i32
      %swap3A_205 = arith.index_cast %mul3A_204 : i32 to index
      %swap3A_206 = tpu.vector_load %arg5[%swap3A_205] {strides = array<i32>} : memref<4096xi32, #tpu.memory_space<vmem>>, vector<16xi32>,
      tpu.vector_store %arg5[%swap3A_205], %broadcast_in_dim3A_202 {strides = array<i32>} : memref<4096xi32, #tpu.memory_space<vmem>>, vector<16xi32>,
      %scan3A_207 = arith.constant 0 : i32
      %scan3A_208 = arith.constant 6 : i32
      %scan3A_209 = arith.addi %scan3A_155, %scan3A_208 : i32
      %broadcast_in_dim3A_210 = arith.constant 0 : i32
      %broadcast_in_dim3A_211 = vector.broadcast %broadcast_in_dim3A_210 : i32 to vector<16xi32>
      %mul3A_212 = arith.constant 16 : i32
      %mul3A_213 = arith.muli %scan3A_209, %mul3A_212 : i32
      %swap3A_214 = arith.index_cast %mul3A_213 : i32 to index
      %swap3A_215 = tpu.vector_load %arg5[%swap3A_214] {strides = array<i32>} : memref<4096xi32, #tpu.memory_space<vmem>>, vector<16xi32>,
      tpu.vector_store %arg5[%swap3A_214], %broadcast_in_dim3A_211 {strides = array<i32>} : memref<4096xi32, #tpu.memory_space<vmem>>, vector<16xi32>,
      %scan3A_216 = arith.constant 0 : i32
      %scan3A_217 = arith.constant 7 : i32
      %scan3A_218 = arith.addi %scan3A_155, %scan3A_217 : i32
      %broadcast_in_dim3A_219 = arith.constant 0 : i32
      %broadcast_in_dim3A_220 = vector.broadcast %broadcast_in_dim3A_219 : i32 to vector<16xi32>
      %mul3A_221 = arith.constant 16 : i32
      %mul3A_222 = arith.muli %scan3A_218, %mul3A_221 : i32
      %swap3A_223 = arith.index_cast %mul3A_222 : i32 to index
      %swap3A_224 = tpu.vector_load %arg5[%swap3A_223] {strides = array<i32>} : memref<4096xi32, #tpu.memory_space<vmem>>, vector<16xi32>,
      tpu.vector_store %arg5[%swap3A_223], %broadcast_in_dim3A_220 {strides = array<i32>} : memref<4096xi32, #tpu.memory_space<vmem>>, vector<16xi32>,
      %scan3A_225 = arith.constant 0 : i32
      scf.yield %scan3A_225 : i32
    }
    %scan3A_43 = arith.constant 256 : i32
    %scan3A_44 = arith.constant 0 : i32
    %scan3A_45 = arith.constant 0 : i32
    %scan3A_46 = arith.constant 147 : i32
    %scan3A_47 = arith.addi %scan3A_45, %scan3A_46 : i32
    %scan3A_48 = arith.constant 1 : i32
    %scan3A_49 = scf.for %scan3A_155 = %scan3A_45 to %scan3A_47 step %scan3A_48 iter_args(%scan3A_156 = %scan3A_44) -> (i32)  : i32 {
      %mul3A_157 = arith.constant 8192 : i32
      %mul3A_158 = arith.muli %scan3A_155, %mul3A_157 : i32
      %add3A_159 = arith.addi %add3A_36, %mul3A_158 : i32
      "tpu.region"() ({
        %run_scoped3A = tpu.sem_alloc : memref<!tpu.dma_semaphore, #tpu.memory_space<semaphore_mem>>
        %dma_start3A = tpu.memref_slice %arg2[%add3A_159] : memref<38535168xi32, #tpu.memory_space<hbm>> -> memref<8192xi32, #tpu.memory_space<hbm>>
        %dma_start3A_168 = tpu.memref_slice %arg2[%add3A_159] : memref<38535168xi32, #tpu.memory_space<hbm>> -> memref<8192xi32, #tpu.memory_space<hbm>>
        tpu.enqueue_dma source(%dma_start3A_168 : memref<8192xi32, #tpu.memory_space<hbm>>) target(%arg6 : memref<8192xi32, #tpu.memory_space<vmem>>) target_semaphore(%run_scoped3A : memref<!tpu.dma_semaphore, #tpu.memory_space<semaphore_mem>>)
        %dma_wait3A = tpu.memref_slice %arg2[%add3A_159] : memref<38535168xi32, #tpu.memory_space<hbm>> -> memref<8192xi32, #tpu.memory_space<hbm>>
        %dma_wait3A_169 = tpu.memref_slice %arg2[%add3A_159] : memref<38535168xi32, #tpu.memory_space<hbm>> -> memref<8192xi32, #tpu.memory_space<hbm>>
        tpu.wait_dma2 semaphore(%run_scoped3A : memref<!tpu.dma_semaphore, #tpu.memory_space<semaphore_mem>>) src(%dma_wait3A_169 : memref<8192xi32, #tpu.memory_space<hbm>>) dst(%arg6 : memref<8192xi32, #tpu.memory_space<vmem>>)
        tpu.yield
      }) : () -> ()
      %scan3A_160 = arith.constant 0 : i32
      %scan3A_161 = arith.constant 0 : i32
      %scan3A_162 = arith.constant 512 : i32
      %scan3A_163 = arith.addi %scan3A_161, %scan3A_162 : i32
      %scan3A_164 = arith.constant 8 : i32
      %scan3A_165 = scf.for %scan3A_168 = %scan3A_161 to %scan3A_163 step %scan3A_164 iter_args(%scan3A_169 = %scan3A_160) -> (i32)  : i32 {
        %mul3A_170 = arith.constant 16 : i32
        %mul3A_171 = arith.muli %scan3A_168, %mul3A_170 : i32
        %get3A_172 = arith.index_cast %mul3A_171 : i32 to index
        %get3A_173 = tpu.vector_load %arg6[%get3A_172] {strides = array<i32>} : memref<8192xi32, #tpu.memory_space<vmem>>, vector<16xi32>,
        %shift_right_arithmetic3A = arith.constant 31 : i32
        %shift_right_arithmetic3A_174 = vector.broadcast %shift_right_arithmetic3A : i32 to vector<16xi32>
        %shift_right_arithmetic3A_175 = arith.shrsi %get3A_173, %shift_right_arithmetic3A_174 : vector<16xi32>
        %or3A_176 = vector.broadcast %squeeze3A : i32 to vector<16xi32>
        %or3A_177 = arith.ori %shift_right_arithmetic3A_175, %or3A_176 : vector<16xi32>
        %xor3A = arith.xori %get3A_173, %or3A_177 : vector<16xi32>
        %shift_right_arithmetic3A_178 = arith.constant 20 : i32
        %shift_right_arithmetic3A_179 = vector.broadcast %shift_right_arithmetic3A_178 : i32 to vector<16xi32>
        %shift_right_arithmetic3A_180 = arith.shrsi %xor3A, %shift_right_arithmetic3A_179 : vector<16xi32>
        %and3A_181 = arith.constant 4095 : i32
        %and3A_182 = vector.broadcast %and3A_181 : i32 to vector<16xi32>
        %and3A_183 = arith.andi %shift_right_arithmetic3A_180, %and3A_182 : vector<16xi32>
        tpu.vector_store_idx %arg5[%and3A_183], %broadcast_in_dim3A_37 {add = true} : memref<4096xi32, #tpu.memory_space<vmem>>[vector<16xi32>], vector<16xi32>,
        %scan3A_184 = arith.constant 0 : i32
        %scan3A_185 = arith.constant 1 : i32
        %scan3A_186 = arith.addi %scan3A_168, %scan3A_185 : i32
        %mul3A_187 = arith.constant 16 : i32
        %mul3A_188 = arith.muli %scan3A_186, %mul3A_187 : i32
        %get3A_189 = arith.index_cast %mul3A_188 : i32 to index
        %get3A_190 = tpu.vector_load %arg6[%get3A_189] {strides = array<i32>} : memref<8192xi32, #tpu.memory_space<vmem>>, vector<16xi32>,
        %shift_right_arithmetic3A_191 = arith.constant 31 : i32
        %shift_right_arithmetic3A_192 = vector.broadcast %shift_right_arithmetic3A_191 : i32 to vector<16xi32>
        %shift_right_arithmetic3A_193 = arith.shrsi %get3A_190, %shift_right_arithmetic3A_192 : vector<16xi32>
        %or3A_194 = vector.broadcast %squeeze3A : i32 to vector<16xi32>
        %or3A_195 = arith.ori %shift_right_arithmetic3A_193, %or3A_194 : vector<16xi32>
        %xor3A_196 = arith.xori %get3A_190, %or3A_195 : vector<16xi32>
        %shift_right_arithmetic3A_197 = arith.constant 20 : i32
        %shift_right_arithmetic3A_198 = vector.broadcast %shift_right_arithmetic3A_197 : i32 to vector<16xi32>
        %shift_right_arithmetic3A_199 = arith.shrsi %xor3A_196, %shift_right_arithmetic3A_198 : vector<16xi32>
        %and3A_200 = arith.constant 4095 : i32
        %and3A_201 = vector.broadcast %and3A_200 : i32 to vector<16xi32>
        %and3A_202 = arith.andi %shift_right_arithmetic3A_199, %and3A_201 : vector<16xi32>
        tpu.vector_store_idx %arg5[%and3A_202], %broadcast_in_dim3A_37 {add = true} : memref<4096xi32, #tpu.memory_space<vmem>>[vector<16xi32>], vector<16xi32>,
        %scan3A_203 = arith.constant 0 : i32
        %scan3A_204 = arith.constant 2 : i32
        %scan3A_205 = arith.addi %scan3A_168, %scan3A_204 : i32
        %mul3A_206 = arith.constant 16 : i32
        %mul3A_207 = arith.muli %scan3A_205, %mul3A_206 : i32
        %get3A_208 = arith.index_cast %mul3A_207 : i32 to index
        %get3A_209 = tpu.vector_load %arg6[%get3A_208] {strides = array<i32>} : memref<8192xi32, #tpu.memory_space<vmem>>, vector<16xi32>,
        %shift_right_arithmetic3A_210 = arith.constant 31 : i32
        %shift_right_arithmetic3A_211 = vector.broadcast %shift_right_arithmetic3A_210 : i32 to vector<16xi32>
        %shift_right_arithmetic3A_212 = arith.shrsi %get3A_209, %shift_right_arithmetic3A_211 : vector<16xi32>
        %or3A_213 = vector.broadcast %squeeze3A : i32 to vector<16xi32>
        %or3A_214 = arith.ori %shift_right_arithmetic3A_212, %or3A_213 : vector<16xi32>
        %xor3A_215 = arith.xori %get3A_209, %or3A_214 : vector<16xi32>
        %shift_right_arithmetic3A_216 = arith.constant 20 : i32
        %shift_right_arithmetic3A_217 = vector.broadcast %shift_right_arithmetic3A_216 : i32 to vector<16xi32>
        %shift_right_arithmetic3A_218 = arith.shrsi %xor3A_215, %shift_right_arithmetic3A_217 : vector<16xi32>
        %and3A_219 = arith.constant 4095 : i32
        %and3A_220 = vector.broadcast %and3A_219 : i32 to vector<16xi32>
        %and3A_221 = arith.andi %shift_right_arithmetic3A_218, %and3A_220 : vector<16xi32>
        tpu.vector_store_idx %arg5[%and3A_221], %broadcast_in_dim3A_37 {add = true} : memref<4096xi32, #tpu.memory_space<vmem>>[vector<16xi32>], vector<16xi32>,
        %scan3A_222 = arith.constant 0 : i32
        %scan3A_223 = arith.constant 3 : i32
        %scan3A_224 = arith.addi %scan3A_168, %scan3A_223 : i32
        %mul3A_225 = arith.constant 16 : i32
        %mul3A_226 = arith.muli %scan3A_224, %mul3A_225 : i32
        %get3A_227 = arith.index_cast %mul3A_226 : i32 to index
        %get3A_228 = tpu.vector_load %arg6[%get3A_227] {strides = array<i32>} : memref<8192xi32, #tpu.memory_space<vmem>>, vector<16xi32>,
        %shift_right_arithmetic3A_229 = arith.constant 31 : i32
        %shift_right_arithmetic3A_230 = vector.broadcast %shift_right_arithmetic3A_229 : i32 to vector<16xi32>
        %shift_right_arithmetic3A_231 = arith.shrsi %get3A_228, %shift_right_arithmetic3A_230 : vector<16xi32>
        %or3A_232 = vector.broadcast %squeeze3A : i32 to vector<16xi32>
        %or3A_233 = arith.ori %shift_right_arithmetic3A_231, %or3A_232 : vector<16xi32>
        %xor3A_234 = arith.xori %get3A_228, %or3A_233 : vector<16xi32>
        %shift_right_arithmetic3A_235 = arith.constant 20 : i32
        %shift_right_arithmetic3A_236 = vector.broadcast %shift_right_arithmetic3A_235 : i32 to vector<16xi32>
        %shift_right_arithmetic3A_237 = arith.shrsi %xor3A_234, %shift_right_arithmetic3A_236 : vector<16xi32>
        %and3A_238 = arith.constant 4095 : i32
        %and3A_239 = vector.broadcast %and3A_238 : i32 to vector<16xi32>
        %and3A_240 = arith.andi %shift_right_arithmetic3A_237, %and3A_239 : vector<16xi32>
        tpu.vector_store_idx %arg5[%and3A_240], %broadcast_in_dim3A_37 {add = true} : memref<4096xi32, #tpu.memory_space<vmem>>[vector<16xi32>], vector<16xi32>,
        %scan3A_241 = arith.constant 0 : i32
        %scan3A_242 = arith.constant 4 : i32
        %scan3A_243 = arith.addi %scan3A_168, %scan3A_242 : i32
        %mul3A_244 = arith.constant 16 : i32
        %mul3A_245 = arith.muli %scan3A_243, %mul3A_244 : i32
        %get3A_246 = arith.index_cast %mul3A_245 : i32 to index
        %get3A_247 = tpu.vector_load %arg6[%get3A_246] {strides = array<i32>} : memref<8192xi32, #tpu.memory_space<vmem>>, vector<16xi32>,
        %shift_right_arithmetic3A_248 = arith.constant 31 : i32
        %shift_right_arithmetic3A_249 = vector.broadcast %shift_right_arithmetic3A_248 : i32 to vector<16xi32>
        %shift_right_arithmetic3A_250 = arith.shrsi %get3A_247, %shift_right_arithmetic3A_249 : vector<16xi32>
        %or3A_251 = vector.broadcast %squeeze3A : i32 to vector<16xi32>
        %or3A_252 = arith.ori %shift_right_arithmetic3A_250, %or3A_251 : vector<16xi32>
        %xor3A_253 = arith.xori %get3A_247, %or3A_252 : vector<16xi32>
        %shift_right_arithmetic3A_254 = arith.constant 20 : i32
        %shift_right_arithmetic3A_255 = vector.broadcast %shift_right_arithmetic3A_254 : i32 to vector<16xi32>
        %shift_right_arithmetic3A_256 = arith.shrsi %xor3A_253, %shift_right_arithmetic3A_255 : vector<16xi32>
        %and3A_257 = arith.constant 4095 : i32
        %and3A_258 = vector.broadcast %and3A_257 : i32 to vector<16xi32>
        %and3A_259 = arith.andi %shift_right_arithmetic3A_256, %and3A_258 : vector<16xi32>
        tpu.vector_store_idx %arg5[%and3A_259], %broadcast_in_dim3A_37 {add = true} : memref<4096xi32, #tpu.memory_space<vmem>>[vector<16xi32>], vector<16xi32>,
        %scan3A_260 = arith.constant 0 : i32
        %scan3A_261 = arith.constant 5 : i32
        %scan3A_262 = arith.addi %scan3A_168, %scan3A_261 : i32
        %mul3A_263 = arith.constant 16 : i32
        %mul3A_264 = arith.muli %scan3A_262, %mul3A_263 : i32
        %get3A_265 = arith.index_cast %mul3A_264 : i32 to index
        %get3A_266 = tpu.vector_load %arg6[%get3A_265] {strides = array<i32>} : memref<8192xi32, #tpu.memory_space<vmem>>, vector<16xi32>,
        %shift_right_arithmetic3A_267 = arith.constant 31 : i32
        %shift_right_arithmetic3A_268 = vector.broadcast %shift_right_arithmetic3A_267 : i32 to vector<16xi32>
        %shift_right_arithmetic3A_269 = arith.shrsi %get3A_266, %shift_right_arithmetic3A_268 : vector<16xi32>
        %or3A_270 = vector.broadcast %squeeze3A : i32 to vector<16xi32>
        %or3A_271 = arith.ori %shift_right_arithmetic3A_269, %or3A_270 : vector<16xi32>
        %xor3A_272 = arith.xori %get3A_266, %or3A_271 : vector<16xi32>
        %shift_right_arithmetic3A_273 = arith.constant 20 : i32
        %shift_right_arithmetic3A_274 = vector.broadcast %shift_right_arithmetic3A_273 : i32 to vector<16xi32>
        %shift_right_arithmetic3A_275 = arith.shrsi %xor3A_272, %shift_right_arithmetic3A_274 : vector<16xi32>
        %and3A_276 = arith.constant 4095 : i32
        %and3A_277 = vector.broadcast %and3A_276 : i32 to vector<16xi32>
        %and3A_278 = arith.andi %shift_right_arithmetic3A_275, %and3A_277 : vector<16xi32>
        tpu.vector_store_idx %arg5[%and3A_278], %broadcast_in_dim3A_37 {add = true} : memref<4096xi32, #tpu.memory_space<vmem>>[vector<16xi32>], vector<16xi32>,
        %scan3A_279 = arith.constant 0 : i32
        %scan3A_280 = arith.constant 6 : i32
        %scan3A_281 = arith.addi %scan3A_168, %scan3A_280 : i32
        %mul3A_282 = arith.constant 16 : i32
        %mul3A_283 = arith.muli %scan3A_281, %mul3A_282 : i32
        %get3A_284 = arith.index_cast %mul3A_283 : i32 to index
        %get3A_285 = tpu.vector_load %arg6[%get3A_284] {strides = array<i32>} : memref<8192xi32, #tpu.memory_space<vmem>>, vector<16xi32>,
        %shift_right_arithmetic3A_286 = arith.constant 31 : i32
        %shift_right_arithmetic3A_287 = vector.broadcast %shift_right_arithmetic3A_286 : i32 to vector<16xi32>
        %shift_right_arithmetic3A_288 = arith.shrsi %get3A_285, %shift_right_arithmetic3A_287 : vector<16xi32>
        %or3A_289 = vector.broadcast %squeeze3A : i32 to vector<16xi32>
        %or3A_290 = arith.ori %shift_right_arithmetic3A_288, %or3A_289 : vector<16xi32>
        %xor3A_291 = arith.xori %get3A_285, %or3A_290 : vector<16xi32>
        %shift_right_arithmetic3A_292 = arith.constant 20 : i32
        %shift_right_arithmetic3A_293 = vector.broadcast %shift_right_arithmetic3A_292 : i32 to vector<16xi32>
        %shift_right_arithmetic3A_294 = arith.shrsi %xor3A_291, %shift_right_arithmetic3A_293 : vector<16xi32>
        %and3A_295 = arith.constant 4095 : i32
        %and3A_296 = vector.broadcast %and3A_295 : i32 to vector<16xi32>
        %and3A_297 = arith.andi %shift_right_arithmetic3A_294, %and3A_296 : vector<16xi32>
        tpu.vector_store_idx %arg5[%and3A_297], %broadcast_in_dim3A_37 {add = true} : memref<4096xi32, #tpu.memory_space<vmem>>[vector<16xi32>], vector<16xi32>,
        %scan3A_298 = arith.constant 0 : i32
        %scan3A_299 = arith.constant 7 : i32
        %scan3A_300 = arith.addi %scan3A_168, %scan3A_299 : i32
        %mul3A_301 = arith.constant 16 : i32
        %mul3A_302 = arith.muli %scan3A_300, %mul3A_301 : i32
        %get3A_303 = arith.index_cast %mul3A_302 : i32 to index
        %get3A_304 = tpu.vector_load %arg6[%get3A_303] {strides = array<i32>} : memref<8192xi32, #tpu.memory_space<vmem>>, vector<16xi32>,
        %shift_right_arithmetic3A_305 = arith.constant 31 : i32
        %shift_right_arithmetic3A_306 = vector.broadcast %shift_right_arithmetic3A_305 : i32 to vector<16xi32>
        %shift_right_arithmetic3A_307 = arith.shrsi %get3A_304, %shift_right_arithmetic3A_306 : vector<16xi32>
        %or3A_308 = vector.broadcast %squeeze3A : i32 to vector<16xi32>
        %or3A_309 = arith.ori %shift_right_arithmetic3A_307, %or3A_308 : vector<16xi32>
        %xor3A_310 = arith.xori %get3A_304, %or3A_309 : vector<16xi32>
        %shift_right_arithmetic3A_311 = arith.constant 20 : i32
        %shift_right_arithmetic3A_312 = vector.broadcast %shift_right_arithmetic3A_311 : i32 to vector<16xi32>
        %shift_right_arithmetic3A_313 = arith.shrsi %xor3A_310, %shift_right_arithmetic3A_312 : vector<16xi32>
        %and3A_314 = arith.constant 4095 : i32
        %and3A_315 = vector.broadcast %and3A_314 : i32 to vector<16xi32>
        %and3A_316 = arith.andi %shift_right_arithmetic3A_313, %and3A_315 : vector<16xi32>
        tpu.vector_store_idx %arg5[%and3A_316], %broadcast_in_dim3A_37 {add = true} : memref<4096xi32, #tpu.memory_space<vmem>>[vector<16xi32>], vector<16xi32>,
        %scan3A_317 = arith.constant 0 : i32
        scf.yield %scan3A_317 : i32
      }
      %scan3A_166 = arith.constant 512 : i32
      %scan3A_167 = arith.constant 0 : i32
      scf.yield %scan3A_167 : i32
    }
    %scan3A_50 = arith.constant 147 : i32
    "tpu.region"() ({
      %run_scoped3A = tpu.sem_alloc : memref<!tpu.dma_semaphore, #tpu.memory_space<semaphore_mem>>
      %dma_start3A = arith.constant 0 : i32
      %dma_start3A_155 = tpu.memref_slice %arg11[%arg1, %dma_start3A] : memref<16x4096xi32, #tpu.memory_space<vmem_shared>> -> memref<1x4096xi32, #tpu.memory_space<vmem_shared>>
      %dma_start3A_156 = tpu.memref_squeeze %dma_start3A_155 : memref<1x4096xi32, #tpu.memory_space<vmem_shared>> -> memref<4096xi32, #tpu.memory_space<vmem_shared>>
      %dma_start3A_157 = arith.constant 0 : i32
      %dma_start3A_158 = tpu.memref_slice %arg11[%arg1, %dma_start3A_157] : memref<16x4096xi32, #tpu.memory_space<vmem_shared>> -> memref<1x4096xi32, #tpu.memory_space<vmem_shared>>
      %dma_start3A_159 = tpu.memref_squeeze %dma_start3A_158 : memref<1x4096xi32, #tpu.memory_space<vmem_shared>> -> memref<4096xi32, #tpu.memory_space<vmem_shared>>
      tpu.enqueue_dma source(%arg5 : memref<4096xi32, #tpu.memory_space<vmem>>) target(%dma_start3A_159 : memref<4096xi32, #tpu.memory_space<vmem_shared>>) target_semaphore(%run_scoped3A : memref<!tpu.dma_semaphore, #tpu.memory_space<semaphore_mem>>)
      %dma_wait3A = arith.constant 0 : i32
      %dma_wait3A_160 = tpu.memref_slice %arg11[%arg1, %dma_wait3A] : memref<16x4096xi32, #tpu.memory_space<vmem_shared>> -> memref<1x4096xi32, #tpu.memory_space<vmem_shared>>
      %dma_wait3A_161 = tpu.memref_squeeze %dma_wait3A_160 : memref<1x4096xi32, #tpu.memory_space<vmem_shared>> -> memref<4096xi32, #tpu.memory_space<vmem_shared>>
      %dma_wait3A_162 = arith.constant 0 : i32
      %dma_wait3A_163 = tpu.memref_slice %arg11[%arg1, %dma_wait3A_162] : memref<16x4096xi32, #tpu.memory_space<vmem_shared>> -> memref<1x4096xi32, #tpu.memory_space<vmem_shared>>
      %dma_wait3A_164 = tpu.memref_squeeze %dma_wait3A_163 : memref<1x4096xi32, #tpu.memory_space<vmem_shared>> -> memref<4096xi32, #tpu.memory_space<vmem_shared>>
      tpu.wait_dma2 semaphore(%run_scoped3A : memref<!tpu.dma_semaphore, #tpu.memory_space<semaphore_mem>>) src(%arg5 : memref<4096xi32, #tpu.memory_space<vmem>>) dst(%dma_wait3A_164 : memref<4096xi32, #tpu.memory_space<vmem_shared>>)
      tpu.yield
    }) : () -> ()
    %barrier3A = arith.constant 0 : index
    tpu.barrier barrier_id(%barrier3A)
    %mul3A_51 = arith.constant 4 : i32
    %mul3A_52 = arith.muli %select_n3A, %mul3A_51 : i32
    "tpu.region"() ({
      %run_scoped3A = tpu.sem_alloc : memref<!tpu.dma_semaphore, #tpu.memory_space<semaphore_mem>>
      %dma_start3A = arith.constant 0 : i32
      %dma_start3A_155 = tpu.memref_slice %arg11[%mul3A_52, %dma_start3A] : memref<16x4096xi32, #tpu.memory_space<vmem_shared>> -> memref<4x4096xi32, #tpu.memory_space<vmem_shared>>
      %dma_start3A_156 = arith.constant 0 : i32
      %dma_start3A_157 = tpu.memref_slice %arg11[%mul3A_52, %dma_start3A_156] : memref<16x4096xi32, #tpu.memory_space<vmem_shared>> -> memref<4x4096xi32, #tpu.memory_space<vmem_shared>>
      tpu.enqueue_dma source(%dma_start3A_157 : memref<4x4096xi32, #tpu.memory_space<vmem_shared>>) target(%arg8 : memref<4x4096xi32, #tpu.memory_space<vmem>>) target_semaphore(%run_scoped3A : memref<!tpu.dma_semaphore, #tpu.memory_space<semaphore_mem>>)
      %dma_wait3A = arith.constant 0 : i32
      %dma_wait3A_158 = tpu.memref_slice %arg11[%mul3A_52, %dma_wait3A] : memref<16x4096xi32, #tpu.memory_space<vmem_shared>> -> memref<4x4096xi32, #tpu.memory_space<vmem_shared>>
      %dma_wait3A_159 = arith.constant 0 : i32
      %dma_wait3A_160 = tpu.memref_slice %arg11[%mul3A_52, %dma_wait3A_159] : memref<16x4096xi32, #tpu.memory_space<vmem_shared>> -> memref<4x4096xi32, #tpu.memory_space<vmem_shared>>
      tpu.wait_dma2 semaphore(%run_scoped3A : memref<!tpu.dma_semaphore, #tpu.memory_space<semaphore_mem>>) src(%dma_wait3A_160 : memref<4x4096xi32, #tpu.memory_space<vmem_shared>>) dst(%arg8 : memref<4x4096xi32, #tpu.memory_space<vmem>>)
      tpu.yield
    }) : () -> ()
    %scan3A_53 = arith.constant 0 : i32
    %scan3A_54 = arith.constant 0 : i32
    %scan3A_55 = arith.constant 256 : i32
    %scan3A_56 = arith.addi %scan3A_54, %scan3A_55 : i32
    %scan3A_57 = arith.constant 1 : i32
    %scan3A_58 = scf.for %scan3A_155 = %scan3A_54 to %scan3A_56 step %scan3A_57 iter_args(%scan3A_156 = %scan3A_53) -> (i32)  : i32 {
      %mul3A_157 = arith.constant 16 : i32
      %mul3A_158 = arith.muli %scan3A_155, %mul3A_157 : i32
      %get3A_159 = arith.constant 0 : i32
      %get3A_160 = arith.index_cast %get3A_159 : i32 to index
      %get3A_161 = arith.index_cast %mul3A_158 : i32 to index
      %get3A_162 = tpu.vector_load %arg8[%get3A_160, %get3A_161] {strides = array<i32>} : memref<4x4096xi32, #tpu.memory_space<vmem>>, vector<16xi32>,
      %mul3A_163 = arith.constant 16 : i32
      %mul3A_164 = arith.muli %scan3A_155, %mul3A_163 : i32
      %get3A_165 = arith.constant 1 : i32
      %get3A_166 = arith.index_cast %get3A_165 : i32 to index
      %get3A_167 = arith.index_cast %mul3A_164 : i32 to index
      %get3A_168 = tpu.vector_load %arg8[%get3A_166, %get3A_167] {strides = array<i32>} : memref<4x4096xi32, #tpu.memory_space<vmem>>, vector<16xi32>,
      %add3A_169 = arith.addi %get3A_162, %get3A_168 : vector<16xi32>
      %mul3A_170 = arith.constant 16 : i32
      %mul3A_171 = arith.muli %scan3A_155, %mul3A_170 : i32
      %get3A_172 = arith.constant 2 : i32
      %get3A_173 = arith.index_cast %get3A_172 : i32 to index
      %get3A_174 = arith.index_cast %mul3A_171 : i32 to index
      %get3A_175 = tpu.vector_load %arg8[%get3A_173, %get3A_174] {strides = array<i32>} : memref<4x4096xi32, #tpu.memory_space<vmem>>, vector<16xi32>,
      %add3A_176 = arith.addi %add3A_169, %get3A_175 : vector<16xi32>
      %mul3A_177 = arith.constant 16 : i32
      %mul3A_178 = arith.muli %scan3A_155, %mul3A_177 : i32
      %get3A_179 = arith.constant 3 : i32
      %get3A_180 = arith.index_cast %get3A_179 : i32 to index
      %get3A_181 = arith.index_cast %mul3A_178 : i32 to index
      %get3A_182 = tpu.vector_load %arg8[%get3A_180, %get3A_181] {strides = array<i32>} : memref<4x4096xi32, #tpu.memory_space<vmem>>, vector<16xi32>,
      %add3A_183 = arith.addi %add3A_176, %get3A_182 : vector<16xi32>
      %mul3A_184 = arith.constant 16 : i32
      %mul3A_185 = arith.muli %scan3A_155, %mul3A_184 : i32
      %swap3A = arith.index_cast %mul3A_185 : i32 to index
      %swap3A_186 = tpu.vector_load %arg7[%swap3A] {strides = array<i32>} : memref<4096xi32, #tpu.memory_space<vmem>>, vector<16xi32>,
      tpu.vector_store %arg7[%swap3A], %add3A_183 {strides = array<i32>} : memref<4096xi32, #tpu.memory_space<vmem>>, vector<16xi32>,
      %scan3A_187 = arith.constant 0 : i32
      scf.yield %scan3A_187 : i32
    }
    %scan3A_59 = arith.constant 256 : i32
    %barrier3A_60 = arith.constant 0 : index
    tpu.barrier barrier_id(%barrier3A_60)
    %scan3A_61 = arith.constant 4335206 : i32
    %scan3A_62 = arith.constant 0 : i32
    %scan3A_63 = arith.constant 0 : i32
    %scan3A_64 = arith.constant 0 : i32
    %scan3A_65 = arith.constant 0 : i32
    %scan3A_66 = arith.constant 0 : i32
    %scan3A_67 = arith.constant 256 : i32
    %scan3A_68 = arith.addi %scan3A_66, %scan3A_67 : i32
    %scan3A_69 = arith.constant 1 : i32
    %scan3A_70:4 = scf.for %scan3A_155 = %scan3A_66 to %scan3A_68 step %scan3A_69 iter_args(%scan3A_156 = %scan3A_62, %scan3A_157 = %scan3A_63, %scan3A_158 = %scan3A_64, %scan3A_159 = %scan3A_65) -> (i32, i32, i32, i32)  : i32 {
      %mul3A_160 = arith.constant 16 : i32
      %mul3A_161 = arith.muli %scan3A_155, %mul3A_160 : i32
      %get3A_162 = arith.index_cast %mul3A_161 : i32 to index
      %get3A_163 = tpu.vector_load %arg7[%get3A_162] {strides = array<i32>} : memref<4096xi32, #tpu.memory_space<vmem>>, vector<16xi32>,
      %broadcast_in_dim3A_164 = arith.constant true
      %broadcast_in_dim3A_165 = vector.broadcast %broadcast_in_dim3A_164 : i1 to vector<16xi1>
      %masked_cumsum3A = tpu.scan <sum>, %get3A_163 masked %broadcast_in_dim3A_165 : vector<16xi32>, vector<16xi1> -> vector<16xi32>
      %add3A_166 = vector.broadcast %scan3A_159 : i32 to vector<16xi32>
      %add3A_167 = arith.addi %add3A_166, %masked_cumsum3A : vector<16xi32>
      %ge3A = vector.broadcast %scan3A_61 : i32 to vector<16xi32>
      %ge3A_168 = arith.cmpi sge, %add3A_167, %ge3A : vector<16xi32>
      %convert_element_type3A_169 = arith.extui %ge3A_168 : vector<16xi1> to vector<16xi32>
      %reduce_sum3A = arith.constant true
      %reduce_sum3A_170 = vector.broadcast %reduce_sum3A : i1 to vector<16xi1>
      %reduce_sum3A_171 = tpu.scan <sum>, %convert_element_type3A_169 masked %reduce_sum3A_170 : vector<16xi32>, vector<16xi1> -> vector<16xi32>
      %reduce_sum3A_172 = vector.extract %reduce_sum3A_171[15] : i32 from vector<16xi32>
      %jit3A_173 = arith.constant 16 : i32
      %broadcast_in_dim3A_174 = vector.broadcast %jit3A_173 : i32 to vector<16xi32>
      %select_n3A_175 = arith.select %ge3A_168, %iota3A, %broadcast_in_dim3A_174 : vector<16xi1>, vector<16xi32>
      %reduce_min3A = arith.constant true
      %reduce_min3A_176 = vector.broadcast %reduce_min3A : i1 to vector<16xi1>
      %reduce_min3A_177 = arith.constant -2147483648 : i32
      %reduce_min3A_178 = vector.broadcast %reduce_min3A_177 : i32 to vector<16xi32>
      %reduce_min3A_179 = arith.xori %select_n3A_175, %reduce_min3A_178 : vector<16xi32>
      %reduce_min3A_180 = tpu.scan <min>, %reduce_min3A_179 masked %reduce_min3A_176 : vector<16xi32>, vector<16xi1> -> vector<16xi32>
      %reduce_min3A_181 = arith.xori %reduce_min3A_180, %reduce_min3A_178 : vector<16xi32>
      %reduce_min3A_182 = vector.extract %reduce_min3A_181[15] : i32 from vector<16xi32>
      %lt3A_183 = vector.broadcast %reduce_min3A_182 : i32 to vector<16xi32>
      %lt3A_184 = arith.cmpi slt, %iota3A, %lt3A_183 : vector<16xi32>
      %jit3A_185 = arith.constant 0 : i32
      %broadcast_in_dim3A_186 = vector.broadcast %jit3A_185 : i32 to vector<16xi32>
      %select_n3A_187 = arith.select %lt3A_184, %get3A_163, %broadcast_in_dim3A_186 : vector<16xi1>, vector<16xi32>
      %reduce_sum3A_188 = arith.constant true
      %reduce_sum3A_189 = vector.broadcast %reduce_sum3A_188 : i1 to vector<16xi1>
      %reduce_sum3A_190 = tpu.scan <sum>, %select_n3A_187 masked %reduce_sum3A_189 : vector<16xi32>, vector<16xi1> -> vector<16xi32>
      %reduce_sum3A_191 = vector.extract %reduce_sum3A_190[15] : i32 from vector<16xi32>
      %add3A_192 = arith.addi %scan3A_159, %reduce_sum3A_191 : i32
      %gt3A_193 = arith.constant 0 : i32
      %gt3A_194 = arith.cmpi sgt, %reduce_sum3A_172, %gt3A_193 : i32
      %eq3A_195 = arith.constant 0 : i32
      %eq3A_196 = arith.cmpi eq, %scan3A_156, %eq3A_195 : i32
      %and3A_197 = arith.andi %gt3A_194, %eq3A_196 : i1
      %mul3A_198 = arith.constant 16 : i32
      %mul3A_199 = arith.muli %scan3A_155, %mul3A_198 : i32
      %add3A_200 = arith.addi %mul3A_199, %reduce_min3A_182 : i32
      %select_n3A_201 = arith.select %and3A_197, %add3A_200, %scan3A_157 : i32
      %select_n3A_202 = arith.select %and3A_197, %add3A_192, %scan3A_158 : i32
      %gt3A_203 = arith.constant 0 : i32
      %gt3A_204 = arith.cmpi sgt, %reduce_sum3A_172, %gt3A_203 : i32
      %jit3A_205 = arith.constant 1 : i32
      %select_n3A_206 = arith.select %gt3A_204, %jit3A_205, %scan3A_156 : i32
      %reduce_sum3A_207 = arith.constant true
      %reduce_sum3A_208 = vector.broadcast %reduce_sum3A_207 : i1 to vector<16xi1>
      %reduce_sum3A_209 = tpu.scan <sum>, %get3A_163 masked %reduce_sum3A_208 : vector<16xi32>, vector<16xi1> -> vector<16xi32>
      %reduce_sum3A_210 = vector.extract %reduce_sum3A_209[15] : i32 from vector<16xi32>
      %add3A_211 = arith.addi %scan3A_159, %reduce_sum3A_210 : i32
      scf.yield %select_n3A_206, %select_n3A_201, %select_n3A_202, %add3A_211 : i32, i32, i32, i32
    }
    %scan3A_71 = arith.constant 256 : i32
    %sub3A_72 = arith.constant 4335206 : i32
    %sub3A_73 = arith.subi %sub3A_72, %scan3A_70#2 : i32
    %scan3A_74 = arith.constant 0 : i32
    %scan3A_75 = arith.constant 0 : i32
    %scan3A_76 = arith.constant 256 : i32
    %scan3A_77 = arith.addi %scan3A_75, %scan3A_76 : i32
    %scan3A_78 = arith.constant 8 : i32
    %scan3A_79 = scf.for %scan3A_155 = %scan3A_75 to %scan3A_77 step %scan3A_78 iter_args(%scan3A_156 = %scan3A_74) -> (i32)  : i32 {
      %broadcast_in_dim3A_157 = arith.constant 0 : i32
      %broadcast_in_dim3A_158 = vector.broadcast %broadcast_in_dim3A_157 : i32 to vector<16xi32>
      %mul3A_159 = arith.constant 16 : i32
      %mul3A_160 = arith.muli %scan3A_155, %mul3A_159 : i32
      %swap3A = arith.index_cast %mul3A_160 : i32 to index
      %swap3A_161 = tpu.vector_load %arg5[%swap3A] {strides = array<i32>} : memref<4096xi32, #tpu.memory_space<vmem>>, vector<16xi32>,
      tpu.vector_store %arg5[%swap3A], %broadcast_in_dim3A_158 {strides = array<i32>} : memref<4096xi32, #tpu.memory_space<vmem>>, vector<16xi32>,
      %scan3A_162 = arith.constant 0 : i32
      %scan3A_163 = arith.constant 1 : i32
      %scan3A_164 = arith.addi %scan3A_155, %scan3A_163 : i32
      %broadcast_in_dim3A_165 = arith.constant 0 : i32
      %broadcast_in_dim3A_166 = vector.broadcast %broadcast_in_dim3A_165 : i32 to vector<16xi32>
      %mul3A_167 = arith.constant 16 : i32
      %mul3A_168 = arith.muli %scan3A_164, %mul3A_167 : i32
      %swap3A_169 = arith.index_cast %mul3A_168 : i32 to index
      %swap3A_170 = tpu.vector_load %arg5[%swap3A_169] {strides = array<i32>} : memref<4096xi32, #tpu.memory_space<vmem>>, vector<16xi32>,
      tpu.vector_store %arg5[%swap3A_169], %broadcast_in_dim3A_166 {strides = array<i32>} : memref<4096xi32, #tpu.memory_space<vmem>>, vector<16xi32>,
      %scan3A_171 = arith.constant 0 : i32
      %scan3A_172 = arith.constant 2 : i32
      %scan3A_173 = arith.addi %scan3A_155, %scan3A_172 : i32
      %broadcast_in_dim3A_174 = arith.constant 0 : i32
      %broadcast_in_dim3A_175 = vector.broadcast %broadcast_in_dim3A_174 : i32 to vector<16xi32>
      %mul3A_176 = arith.constant 16 : i32
      %mul3A_177 = arith.muli %scan3A_173, %mul3A_176 : i32
      %swap3A_178 = arith.index_cast %mul3A_177 : i32 to index
      %swap3A_179 = tpu.vector_load %arg5[%swap3A_178] {strides = array<i32>} : memref<4096xi32, #tpu.memory_space<vmem>>, vector<16xi32>,
      tpu.vector_store %arg5[%swap3A_178], %broadcast_in_dim3A_175 {strides = array<i32>} : memref<4096xi32, #tpu.memory_space<vmem>>, vector<16xi32>,
      %scan3A_180 = arith.constant 0 : i32
      %scan3A_181 = arith.constant 3 : i32
      %scan3A_182 = arith.addi %scan3A_155, %scan3A_181 : i32
      %broadcast_in_dim3A_183 = arith.constant 0 : i32
      %broadcast_in_dim3A_184 = vector.broadcast %broadcast_in_dim3A_183 : i32 to vector<16xi32>
      %mul3A_185 = arith.constant 16 : i32
      %mul3A_186 = arith.muli %scan3A_182, %mul3A_185 : i32
      %swap3A_187 = arith.index_cast %mul3A_186 : i32 to index
      %swap3A_188 = tpu.vector_load %arg5[%swap3A_187] {strides = array<i32>} : memref<4096xi32, #tpu.memory_space<vmem>>, vector<16xi32>,
      tpu.vector_store %arg5[%swap3A_187], %broadcast_in_dim3A_184 {strides = array<i32>} : memref<4096xi32, #tpu.memory_space<vmem>>, vector<16xi32>,
      %scan3A_189 = arith.constant 0 : i32
      %scan3A_190 = arith.constant 4 : i32
      %scan3A_191 = arith.addi %scan3A_155, %scan3A_190 : i32
      %broadcast_in_dim3A_192 = arith.constant 0 : i32
      %broadcast_in_dim3A_193 = vector.broadcast %broadcast_in_dim3A_192 : i32 to vector<16xi32>
      %mul3A_194 = arith.constant 16 : i32
      %mul3A_195 = arith.muli %scan3A_191, %mul3A_194 : i32
      %swap3A_196 = arith.index_cast %mul3A_195 : i32 to index
      %swap3A_197 = tpu.vector_load %arg5[%swap3A_196] {strides = array<i32>} : memref<4096xi32, #tpu.memory_space<vmem>>, vector<16xi32>,
      tpu.vector_store %arg5[%swap3A_196], %broadcast_in_dim3A_193 {strides = array<i32>} : memref<4096xi32, #tpu.memory_space<vmem>>, vector<16xi32>,
      %scan3A_198 = arith.constant 0 : i32
      %scan3A_199 = arith.constant 5 : i32
      %scan3A_200 = arith.addi %scan3A_155, %scan3A_199 : i32
      %broadcast_in_dim3A_201 = arith.constant 0 : i32
      %broadcast_in_dim3A_202 = vector.broadcast %broadcast_in_dim3A_201 : i32 to vector<16xi32>
      %mul3A_203 = arith.constant 16 : i32
      %mul3A_204 = arith.muli %scan3A_200, %mul3A_203 : i32
      %swap3A_205 = arith.index_cast %mul3A_204 : i32 to index
      %swap3A_206 = tpu.vector_load %arg5[%swap3A_205] {strides = array<i32>} : memref<4096xi32, #tpu.memory_space<vmem>>, vector<16xi32>,
      tpu.vector_store %arg5[%swap3A_205], %broadcast_in_dim3A_202 {strides = array<i32>} : memref<4096xi32, #tpu.memory_space<vmem>>, vector<16xi32>,
      %scan3A_207 = arith.constant 0 : i32
      %scan3A_208 = arith.constant 6 : i32
      %scan3A_209 = arith.addi %scan3A_155, %scan3A_208 : i32
      %broadcast_in_dim3A_210 = arith.constant 0 : i32
      %broadcast_in_dim3A_211 = vector.broadcast %broadcast_in_dim3A_210 : i32 to vector<16xi32>
      %mul3A_212 = arith.constant 16 : i32
      %mul3A_213 = arith.muli %scan3A_209, %mul3A_212 : i32
      %swap3A_214 = arith.index_cast %mul3A_213 : i32 to index
      %swap3A_215 = tpu.vector_load %arg5[%swap3A_214] {strides = array<i32>} : memref<4096xi32, #tpu.memory_space<vmem>>, vector<16xi32>,
      tpu.vector_store %arg5[%swap3A_214], %broadcast_in_dim3A_211 {strides = array<i32>} : memref<4096xi32, #tpu.memory_space<vmem>>, vector<16xi32>,
      %scan3A_216 = arith.constant 0 : i32
      %scan3A_217 = arith.constant 7 : i32
      %scan3A_218 = arith.addi %scan3A_155, %scan3A_217 : i32
      %broadcast_in_dim3A_219 = arith.constant 0 : i32
      %broadcast_in_dim3A_220 = vector.broadcast %broadcast_in_dim3A_219 : i32 to vector<16xi32>
      %mul3A_221 = arith.constant 16 : i32
      %mul3A_222 = arith.muli %scan3A_218, %mul3A_221 : i32
      %swap3A_223 = arith.index_cast %mul3A_222 : i32 to index
      %swap3A_224 = tpu.vector_load %arg5[%swap3A_223] {strides = array<i32>} : memref<4096xi32, #tpu.memory_space<vmem>>, vector<16xi32>,
      tpu.vector_store %arg5[%swap3A_223], %broadcast_in_dim3A_220 {strides = array<i32>} : memref<4096xi32, #tpu.memory_space<vmem>>, vector<16xi32>,
      %scan3A_225 = arith.constant 0 : i32
      scf.yield %scan3A_225 : i32
    }
    %scan3A_80 = arith.constant 256 : i32
    %broadcast_in_dim3A_81 = vector.broadcast %scan3A_70#1 : i32 to vector<16xi32>
    %scan3A_82 = arith.constant 0 : i32
    %scan3A_83 = arith.constant 0 : i32
    %scan3A_84 = arith.constant 147 : i32
    %scan3A_85 = arith.addi %scan3A_83, %scan3A_84 : i32
    %scan3A_86 = arith.constant 1 : i32
    %scan3A_87 = scf.for %scan3A_155 = %scan3A_83 to %scan3A_85 step %scan3A_86 iter_args(%scan3A_156 = %scan3A_82) -> (i32)  : i32 {
      %mul3A_157 = arith.constant 8192 : i32
      %mul3A_158 = arith.muli %scan3A_155, %mul3A_157 : i32
      %add3A_159 = arith.addi %add3A_36, %mul3A_158 : i32
      "tpu.region"() ({
        %run_scoped3A = tpu.sem_alloc : memref<!tpu.dma_semaphore, #tpu.memory_space<semaphore_mem>>
        %dma_start3A = tpu.memref_slice %arg2[%add3A_159] : memref<38535168xi32, #tpu.memory_space<hbm>> -> memref<8192xi32, #tpu.memory_space<hbm>>
        %dma_start3A_166 = tpu.memref_slice %arg2[%add3A_159] : memref<38535168xi32, #tpu.memory_space<hbm>> -> memref<8192xi32, #tpu.memory_space<hbm>>
        tpu.enqueue_dma source(%dma_start3A_166 : memref<8192xi32, #tpu.memory_space<hbm>>) target(%arg6 : memref<8192xi32, #tpu.memory_space<vmem>>) target_semaphore(%run_scoped3A : memref<!tpu.dma_semaphore, #tpu.memory_space<semaphore_mem>>)
        %dma_wait3A = tpu.memref_slice %arg2[%add3A_159] : memref<38535168xi32, #tpu.memory_space<hbm>> -> memref<8192xi32, #tpu.memory_space<hbm>>
        %dma_wait3A_167 = tpu.memref_slice %arg2[%add3A_159] : memref<38535168xi32, #tpu.memory_space<hbm>> -> memref<8192xi32, #tpu.memory_space<hbm>>
        tpu.wait_dma2 semaphore(%run_scoped3A : memref<!tpu.dma_semaphore, #tpu.memory_space<semaphore_mem>>) src(%dma_wait3A_167 : memref<8192xi32, #tpu.memory_space<hbm>>) dst(%arg6 : memref<8192xi32, #tpu.memory_space<vmem>>)
        tpu.yield
      }) : () -> ()
      %scan3A_160 = arith.constant 0 : i32
      %scan3A_161 = arith.constant 512 : i32
      %scan3A_162 = arith.addi %scan3A_160, %scan3A_161 : i32
      %scan3A_163 = arith.constant 8 : i32
      %scan3A_164 = scf.for %scan3A_166 = %scan3A_160 to %scan3A_162 step %scan3A_163 iter_args(%scan3A_167 = %scan3A_156) -> (i32)  : i32 {
        %mul3A_168 = arith.constant 16 : i32
        %mul3A_169 = arith.muli %scan3A_166, %mul3A_168 : i32
        %get3A_170 = arith.index_cast %mul3A_169 : i32 to index
        %get3A_171 = tpu.vector_load %arg6[%get3A_170] {strides = array<i32>} : memref<8192xi32, #tpu.memory_space<vmem>>, vector<16xi32>,
        %shift_right_arithmetic3A = arith.constant 31 : i32
        %shift_right_arithmetic3A_172 = vector.broadcast %shift_right_arithmetic3A : i32 to vector<16xi32>
        %shift_right_arithmetic3A_173 = arith.shrsi %get3A_171, %shift_right_arithmetic3A_172 : vector<16xi32>
        %or3A_174 = vector.broadcast %squeeze3A : i32 to vector<16xi32>
        %or3A_175 = arith.ori %shift_right_arithmetic3A_173, %or3A_174 : vector<16xi32>
        %xor3A = arith.xori %get3A_171, %or3A_175 : vector<16xi32>
        %shift_right_arithmetic3A_176 = arith.constant 20 : i32
        %shift_right_arithmetic3A_177 = vector.broadcast %shift_right_arithmetic3A_176 : i32 to vector<16xi32>
        %shift_right_arithmetic3A_178 = arith.shrsi %xor3A, %shift_right_arithmetic3A_177 : vector<16xi32>
        %and3A_179 = arith.constant 4095 : i32
        %and3A_180 = vector.broadcast %and3A_179 : i32 to vector<16xi32>
        %and3A_181 = arith.andi %shift_right_arithmetic3A_178, %and3A_180 : vector<16xi32>
        %eq3A_182 = arith.cmpi eq, %and3A_181, %broadcast_in_dim3A_81 : vector<16xi32>
        %shift_right_arithmetic3A_183 = arith.constant 8 : i32
        %shift_right_arithmetic3A_184 = vector.broadcast %shift_right_arithmetic3A_183 : i32 to vector<16xi32>
        %shift_right_arithmetic3A_185 = arith.shrsi %xor3A, %shift_right_arithmetic3A_184 : vector<16xi32>
        %and3A_186 = arith.constant 4095 : i32
        %and3A_187 = vector.broadcast %and3A_186 : i32 to vector<16xi32>
        %and3A_188 = arith.andi %shift_right_arithmetic3A_185, %and3A_187 : vector<16xi32>
        tpu.vector_store_idx %arg5[%and3A_188], %broadcast_in_dim3A_37 masked %eq3A_182 {add = true} : memref<4096xi32, #tpu.memory_space<vmem>>[vector<16xi32>], vector<16xi32>, vector<16xi1>
        %min3A = arith.constant 32768 : i32
        %min3A_189 = arith.minsi %scan3A_167, %min3A : i32
        %swap3A = arith.index_cast %min3A_189 : i32 to index
        %swap3A_190 = tpu.vector_load %arg10[%swap3A] masked %eq3A_182 {strides = array<i32>} : memref<32784xi32, #tpu.memory_space<vmem>>, vector<16xi32>, vector<16xi1>
        tpu.vector_store %arg10[%swap3A], %xor3A masked %eq3A_182 {strides = array<i32>} : memref<32784xi32, #tpu.memory_space<vmem>>, vector<16xi32>, vector<16xi1>
        %convert_element_type3A_191 = arith.extui %eq3A_182 : vector<16xi1> to vector<16xi32>
        %reduce_sum3A = arith.constant true
        %reduce_sum3A_192 = vector.broadcast %reduce_sum3A : i1 to vector<16xi1>
        %reduce_sum3A_193 = tpu.scan <sum>, %convert_element_type3A_191 masked %reduce_sum3A_192 : vector<16xi32>, vector<16xi1> -> vector<16xi32>
        %reduce_sum3A_194 = vector.extract %reduce_sum3A_193[15] : i32 from vector<16xi32>
        %add3A_195 = arith.addi %scan3A_167, %reduce_sum3A_194 : i32
        %scan3A_196 = arith.constant 1 : i32
        %scan3A_197 = arith.addi %scan3A_166, %scan3A_196 : i32
        %mul3A_198 = arith.constant 16 : i32
        %mul3A_199 = arith.muli %scan3A_197, %mul3A_198 : i32
        %get3A_200 = arith.index_cast %mul3A_199 : i32 to index
        %get3A_201 = tpu.vector_load %arg6[%get3A_200] {strides = array<i32>} : memref<8192xi32, #tpu.memory_space<vmem>>, vector<16xi32>,
        %shift_right_arithmetic3A_202 = arith.constant 31 : i32
        %shift_right_arithmetic3A_203 = vector.broadcast %shift_right_arithmetic3A_202 : i32 to vector<16xi32>
        %shift_right_arithmetic3A_204 = arith.shrsi %get3A_201, %shift_right_arithmetic3A_203 : vector<16xi32>
        %or3A_205 = vector.broadcast %squeeze3A : i32 to vector<16xi32>
        %or3A_206 = arith.ori %shift_right_arithmetic3A_204, %or3A_205 : vector<16xi32>
        %xor3A_207 = arith.xori %get3A_201, %or3A_206 : vector<16xi32>
        %shift_right_arithmetic3A_208 = arith.constant 20 : i32
        %shift_right_arithmetic3A_209 = vector.broadcast %shift_right_arithmetic3A_208 : i32 to vector<16xi32>
        %shift_right_arithmetic3A_210 = arith.shrsi %xor3A_207, %shift_right_arithmetic3A_209 : vector<16xi32>
        %and3A_211 = arith.constant 4095 : i32
        %and3A_212 = vector.broadcast %and3A_211 : i32 to vector<16xi32>
        %and3A_213 = arith.andi %shift_right_arithmetic3A_210, %and3A_212 : vector<16xi32>
        %eq3A_214 = arith.cmpi eq, %and3A_213, %broadcast_in_dim3A_81 : vector<16xi32>
        %shift_right_arithmetic3A_215 = arith.constant 8 : i32
        %shift_right_arithmetic3A_216 = vector.broadcast %shift_right_arithmetic3A_215 : i32 to vector<16xi32>
        %shift_right_arithmetic3A_217 = arith.shrsi %xor3A_207, %shift_right_arithmetic3A_216 : vector<16xi32>
        %and3A_218 = arith.constant 4095 : i32
        %and3A_219 = vector.broadcast %and3A_218 : i32 to vector<16xi32>
        %and3A_220 = arith.andi %shift_right_arithmetic3A_217, %and3A_219 : vector<16xi32>
        tpu.vector_store_idx %arg5[%and3A_220], %broadcast_in_dim3A_37 masked %eq3A_214 {add = true} : memref<4096xi32, #tpu.memory_space<vmem>>[vector<16xi32>], vector<16xi32>, vector<16xi1>
        %min3A_221 = arith.constant 32768 : i32
        %min3A_222 = arith.minsi %add3A_195, %min3A_221 : i32
        %swap3A_223 = arith.index_cast %min3A_222 : i32 to index
        %swap3A_224 = tpu.vector_load %arg10[%swap3A_223] masked %eq3A_214 {strides = array<i32>} : memref<32784xi32, #tpu.memory_space<vmem>>, vector<16xi32>, vector<16xi1>
        tpu.vector_store %arg10[%swap3A_223], %xor3A_207 masked %eq3A_214 {strides = array<i32>} : memref<32784xi32, #tpu.memory_space<vmem>>, vector<16xi32>, vector<16xi1>
        %convert_element_type3A_225 = arith.extui %eq3A_214 : vector<16xi1> to vector<16xi32>
        %reduce_sum3A_226 = arith.constant true
        %reduce_sum3A_227 = vector.broadcast %reduce_sum3A_226 : i1 to vector<16xi1>
        %reduce_sum3A_228 = tpu.scan <sum>, %convert_element_type3A_225 masked %reduce_sum3A_227 : vector<16xi32>, vector<16xi1> -> vector<16xi32>
        %reduce_sum3A_229 = vector.extract %reduce_sum3A_228[15] : i32 from vector<16xi32>
        %add3A_230 = arith.addi %add3A_195, %reduce_sum3A_229 : i32
        %scan3A_231 = arith.constant 2 : i32
        %scan3A_232 = arith.addi %scan3A_166, %scan3A_231 : i32
        %mul3A_233 = arith.constant 16 : i32
        %mul3A_234 = arith.muli %scan3A_232, %mul3A_233 : i32
        %get3A_235 = arith.index_cast %mul3A_234 : i32 to index
        %get3A_236 = tpu.vector_load %arg6[%get3A_235] {strides = array<i32>} : memref<8192xi32, #tpu.memory_space<vmem>>, vector<16xi32>,
        %shift_right_arithmetic3A_237 = arith.constant 31 : i32
        %shift_right_arithmetic3A_238 = vector.broadcast %shift_right_arithmetic3A_237 : i32 to vector<16xi32>
        %shift_right_arithmetic3A_239 = arith.shrsi %get3A_236, %shift_right_arithmetic3A_238 : vector<16xi32>
        %or3A_240 = vector.broadcast %squeeze3A : i32 to vector<16xi32>
        %or3A_241 = arith.ori %shift_right_arithmetic3A_239, %or3A_240 : vector<16xi32>
        %xor3A_242 = arith.xori %get3A_236, %or3A_241 : vector<16xi32>
        %shift_right_arithmetic3A_243 = arith.constant 20 : i32
        %shift_right_arithmetic3A_244 = vector.broadcast %shift_right_arithmetic3A_243 : i32 to vector<16xi32>
        %shift_right_arithmetic3A_245 = arith.shrsi %xor3A_242, %shift_right_arithmetic3A_244 : vector<16xi32>
        %and3A_246 = arith.constant 4095 : i32
        %and3A_247 = vector.broadcast %and3A_246 : i32 to vector<16xi32>
        %and3A_248 = arith.andi %shift_right_arithmetic3A_245, %and3A_247 : vector<16xi32>
        %eq3A_249 = arith.cmpi eq, %and3A_248, %broadcast_in_dim3A_81 : vector<16xi32>
        %shift_right_arithmetic3A_250 = arith.constant 8 : i32
        %shift_right_arithmetic3A_251 = vector.broadcast %shift_right_arithmetic3A_250 : i32 to vector<16xi32>
        %shift_right_arithmetic3A_252 = arith.shrsi %xor3A_242, %shift_right_arithmetic3A_251 : vector<16xi32>
        %and3A_253 = arith.constant 4095 : i32
        %and3A_254 = vector.broadcast %and3A_253 : i32 to vector<16xi32>
        %and3A_255 = arith.andi %shift_right_arithmetic3A_252, %and3A_254 : vector<16xi32>
        tpu.vector_store_idx %arg5[%and3A_255], %broadcast_in_dim3A_37 masked %eq3A_249 {add = true} : memref<4096xi32, #tpu.memory_space<vmem>>[vector<16xi32>], vector<16xi32>, vector<16xi1>
        %min3A_256 = arith.constant 32768 : i32
        %min3A_257 = arith.minsi %add3A_230, %min3A_256 : i32
        %swap3A_258 = arith.index_cast %min3A_257 : i32 to index
        %swap3A_259 = tpu.vector_load %arg10[%swap3A_258] masked %eq3A_249 {strides = array<i32>} : memref<32784xi32, #tpu.memory_space<vmem>>, vector<16xi32>, vector<16xi1>
        tpu.vector_store %arg10[%swap3A_258], %xor3A_242 masked %eq3A_249 {strides = array<i32>} : memref<32784xi32, #tpu.memory_space<vmem>>, vector<16xi32>, vector<16xi1>
        %convert_element_type3A_260 = arith.extui %eq3A_249 : vector<16xi1> to vector<16xi32>
        %reduce_sum3A_261 = arith.constant true
        %reduce_sum3A_262 = vector.broadcast %reduce_sum3A_261 : i1 to vector<16xi1>
        %reduce_sum3A_263 = tpu.scan <sum>, %convert_element_type3A_260 masked %reduce_sum3A_262 : vector<16xi32>, vector<16xi1> -> vector<16xi32>
        %reduce_sum3A_264 = vector.extract %reduce_sum3A_263[15] : i32 from vector<16xi32>
        %add3A_265 = arith.addi %add3A_230, %reduce_sum3A_264 : i32
        %scan3A_266 = arith.constant 3 : i32
        %scan3A_267 = arith.addi %scan3A_166, %scan3A_266 : i32
        %mul3A_268 = arith.constant 16 : i32
        %mul3A_269 = arith.muli %scan3A_267, %mul3A_268 : i32
        %get3A_270 = arith.index_cast %mul3A_269 : i32 to index
        %get3A_271 = tpu.vector_load %arg6[%get3A_270] {strides = array<i32>} : memref<8192xi32, #tpu.memory_space<vmem>>, vector<16xi32>,
        %shift_right_arithmetic3A_272 = arith.constant 31 : i32
        %shift_right_arithmetic3A_273 = vector.broadcast %shift_right_arithmetic3A_272 : i32 to vector<16xi32>
        %shift_right_arithmetic3A_274 = arith.shrsi %get3A_271, %shift_right_arithmetic3A_273 : vector<16xi32>
        %or3A_275 = vector.broadcast %squeeze3A : i32 to vector<16xi32>
        %or3A_276 = arith.ori %shift_right_arithmetic3A_274, %or3A_275 : vector<16xi32>
        %xor3A_277 = arith.xori %get3A_271, %or3A_276 : vector<16xi32>
        %shift_right_arithmetic3A_278 = arith.constant 20 : i32
        %shift_right_arithmetic3A_279 = vector.broadcast %shift_right_arithmetic3A_278 : i32 to vector<16xi32>
        %shift_right_arithmetic3A_280 = arith.shrsi %xor3A_277, %shift_right_arithmetic3A_279 : vector<16xi32>
        %and3A_281 = arith.constant 4095 : i32
        %and3A_282 = vector.broadcast %and3A_281 : i32 to vector<16xi32>
        %and3A_283 = arith.andi %shift_right_arithmetic3A_280, %and3A_282 : vector<16xi32>
        %eq3A_284 = arith.cmpi eq, %and3A_283, %broadcast_in_dim3A_81 : vector<16xi32>
        %shift_right_arithmetic3A_285 = arith.constant 8 : i32
        %shift_right_arithmetic3A_286 = vector.broadcast %shift_right_arithmetic3A_285 : i32 to vector<16xi32>
        %shift_right_arithmetic3A_287 = arith.shrsi %xor3A_277, %shift_right_arithmetic3A_286 : vector<16xi32>
        %and3A_288 = arith.constant 4095 : i32
        %and3A_289 = vector.broadcast %and3A_288 : i32 to vector<16xi32>
        %and3A_290 = arith.andi %shift_right_arithmetic3A_287, %and3A_289 : vector<16xi32>
        tpu.vector_store_idx %arg5[%and3A_290], %broadcast_in_dim3A_37 masked %eq3A_284 {add = true} : memref<4096xi32, #tpu.memory_space<vmem>>[vector<16xi32>], vector<16xi32>, vector<16xi1>
        %min3A_291 = arith.constant 32768 : i32
        %min3A_292 = arith.minsi %add3A_265, %min3A_291 : i32
        %swap3A_293 = arith.index_cast %min3A_292 : i32 to index
        %swap3A_294 = tpu.vector_load %arg10[%swap3A_293] masked %eq3A_284 {strides = array<i32>} : memref<32784xi32, #tpu.memory_space<vmem>>, vector<16xi32>, vector<16xi1>
        tpu.vector_store %arg10[%swap3A_293], %xor3A_277 masked %eq3A_284 {strides = array<i32>} : memref<32784xi32, #tpu.memory_space<vmem>>, vector<16xi32>, vector<16xi1>
        %convert_element_type3A_295 = arith.extui %eq3A_284 : vector<16xi1> to vector<16xi32>
        %reduce_sum3A_296 = arith.constant true
        %reduce_sum3A_297 = vector.broadcast %reduce_sum3A_296 : i1 to vector<16xi1>
        %reduce_sum3A_298 = tpu.scan <sum>, %convert_element_type3A_295 masked %reduce_sum3A_297 : vector<16xi32>, vector<16xi1> -> vector<16xi32>
        %reduce_sum3A_299 = vector.extract %reduce_sum3A_298[15] : i32 from vector<16xi32>
        %add3A_300 = arith.addi %add3A_265, %reduce_sum3A_299 : i32
        %scan3A_301 = arith.constant 4 : i32
        %scan3A_302 = arith.addi %scan3A_166, %scan3A_301 : i32
        %mul3A_303 = arith.constant 16 : i32
        %mul3A_304 = arith.muli %scan3A_302, %mul3A_303 : i32
        %get3A_305 = arith.index_cast %mul3A_304 : i32 to index
        %get3A_306 = tpu.vector_load %arg6[%get3A_305] {strides = array<i32>} : memref<8192xi32, #tpu.memory_space<vmem>>, vector<16xi32>,
        %shift_right_arithmetic3A_307 = arith.constant 31 : i32
        %shift_right_arithmetic3A_308 = vector.broadcast %shift_right_arithmetic3A_307 : i32 to vector<16xi32>
        %shift_right_arithmetic3A_309 = arith.shrsi %get3A_306, %shift_right_arithmetic3A_308 : vector<16xi32>
        %or3A_310 = vector.broadcast %squeeze3A : i32 to vector<16xi32>
        %or3A_311 = arith.ori %shift_right_arithmetic3A_309, %or3A_310 : vector<16xi32>
        %xor3A_312 = arith.xori %get3A_306, %or3A_311 : vector<16xi32>
        %shift_right_arithmetic3A_313 = arith.constant 20 : i32
        %shift_right_arithmetic3A_314 = vector.broadcast %shift_right_arithmetic3A_313 : i32 to vector<16xi32>
        %shift_right_arithmetic3A_315 = arith.shrsi %xor3A_312, %shift_right_arithmetic3A_314 : vector<16xi32>
        %and3A_316 = arith.constant 4095 : i32
        %and3A_317 = vector.broadcast %and3A_316 : i32 to vector<16xi32>
        %and3A_318 = arith.andi %shift_right_arithmetic3A_315, %and3A_317 : vector<16xi32>
        %eq3A_319 = arith.cmpi eq, %and3A_318, %broadcast_in_dim3A_81 : vector<16xi32>
        %shift_right_arithmetic3A_320 = arith.constant 8 : i32
        %shift_right_arithmetic3A_321 = vector.broadcast %shift_right_arithmetic3A_320 : i32 to vector<16xi32>
        %shift_right_arithmetic3A_322 = arith.shrsi %xor3A_312, %shift_right_arithmetic3A_321 : vector<16xi32>
        %and3A_323 = arith.constant 4095 : i32
        %and3A_324 = vector.broadcast %and3A_323 : i32 to vector<16xi32>
        %and3A_325 = arith.andi %shift_right_arithmetic3A_322, %and3A_324 : vector<16xi32>
        tpu.vector_store_idx %arg5[%and3A_325], %broadcast_in_dim3A_37 masked %eq3A_319 {add = true} : memref<4096xi32, #tpu.memory_space<vmem>>[vector<16xi32>], vector<16xi32>, vector<16xi1>
        %min3A_326 = arith.constant 32768 : i32
        %min3A_327 = arith.minsi %add3A_300, %min3A_326 : i32
        %swap3A_328 = arith.index_cast %min3A_327 : i32 to index
        %swap3A_329 = tpu.vector_load %arg10[%swap3A_328] masked %eq3A_319 {strides = array<i32>} : memref<32784xi32, #tpu.memory_space<vmem>>, vector<16xi32>, vector<16xi1>
        tpu.vector_store %arg10[%swap3A_328], %xor3A_312 masked %eq3A_319 {strides = array<i32>} : memref<32784xi32, #tpu.memory_space<vmem>>, vector<16xi32>, vector<16xi1>
        %convert_element_type3A_330 = arith.extui %eq3A_319 : vector<16xi1> to vector<16xi32>
        %reduce_sum3A_331 = arith.constant true
        %reduce_sum3A_332 = vector.broadcast %reduce_sum3A_331 : i1 to vector<16xi1>
        %reduce_sum3A_333 = tpu.scan <sum>, %convert_element_type3A_330 masked %reduce_sum3A_332 : vector<16xi32>, vector<16xi1> -> vector<16xi32>
        %reduce_sum3A_334 = vector.extract %reduce_sum3A_333[15] : i32 from vector<16xi32>
        %add3A_335 = arith.addi %add3A_300, %reduce_sum3A_334 : i32
        %scan3A_336 = arith.constant 5 : i32
        %scan3A_337 = arith.addi %scan3A_166, %scan3A_336 : i32
        %mul3A_338 = arith.constant 16 : i32
        %mul3A_339 = arith.muli %scan3A_337, %mul3A_338 : i32
        %get3A_340 = arith.index_cast %mul3A_339 : i32 to index
        %get3A_341 = tpu.vector_load %arg6[%get3A_340] {strides = array<i32>} : memref<8192xi32, #tpu.memory_space<vmem>>, vector<16xi32>,
        %shift_right_arithmetic3A_342 = arith.constant 31 : i32
        %shift_right_arithmetic3A_343 = vector.broadcast %shift_right_arithmetic3A_342 : i32 to vector<16xi32>
        %shift_right_arithmetic3A_344 = arith.shrsi %get3A_341, %shift_right_arithmetic3A_343 : vector<16xi32>
        %or3A_345 = vector.broadcast %squeeze3A : i32 to vector<16xi32>
        %or3A_346 = arith.ori %shift_right_arithmetic3A_344, %or3A_345 : vector<16xi32>
        %xor3A_347 = arith.xori %get3A_341, %or3A_346 : vector<16xi32>
        %shift_right_arithmetic3A_348 = arith.constant 20 : i32
        %shift_right_arithmetic3A_349 = vector.broadcast %shift_right_arithmetic3A_348 : i32 to vector<16xi32>
        %shift_right_arithmetic3A_350 = arith.shrsi %xor3A_347, %shift_right_arithmetic3A_349 : vector<16xi32>
        %and3A_351 = arith.constant 4095 : i32
        %and3A_352 = vector.broadcast %and3A_351 : i32 to vector<16xi32>
        %and3A_353 = arith.andi %shift_right_arithmetic3A_350, %and3A_352 : vector<16xi32>
        %eq3A_354 = arith.cmpi eq, %and3A_353, %broadcast_in_dim3A_81 : vector<16xi32>
        %shift_right_arithmetic3A_355 = arith.constant 8 : i32
        %shift_right_arithmetic3A_356 = vector.broadcast %shift_right_arithmetic3A_355 : i32 to vector<16xi32>
        %shift_right_arithmetic3A_357 = arith.shrsi %xor3A_347, %shift_right_arithmetic3A_356 : vector<16xi32>
        %and3A_358 = arith.constant 4095 : i32
        %and3A_359 = vector.broadcast %and3A_358 : i32 to vector<16xi32>
        %and3A_360 = arith.andi %shift_right_arithmetic3A_357, %and3A_359 : vector<16xi32>
        tpu.vector_store_idx %arg5[%and3A_360], %broadcast_in_dim3A_37 masked %eq3A_354 {add = true} : memref<4096xi32, #tpu.memory_space<vmem>>[vector<16xi32>], vector<16xi32>, vector<16xi1>
        %min3A_361 = arith.constant 32768 : i32
        %min3A_362 = arith.minsi %add3A_335, %min3A_361 : i32
        %swap3A_363 = arith.index_cast %min3A_362 : i32 to index
        %swap3A_364 = tpu.vector_load %arg10[%swap3A_363] masked %eq3A_354 {strides = array<i32>} : memref<32784xi32, #tpu.memory_space<vmem>>, vector<16xi32>, vector<16xi1>
        tpu.vector_store %arg10[%swap3A_363], %xor3A_347 masked %eq3A_354 {strides = array<i32>} : memref<32784xi32, #tpu.memory_space<vmem>>, vector<16xi32>, vector<16xi1>
        %convert_element_type3A_365 = arith.extui %eq3A_354 : vector<16xi1> to vector<16xi32>
        %reduce_sum3A_366 = arith.constant true
        %reduce_sum3A_367 = vector.broadcast %reduce_sum3A_366 : i1 to vector<16xi1>
        %reduce_sum3A_368 = tpu.scan <sum>, %convert_element_type3A_365 masked %reduce_sum3A_367 : vector<16xi32>, vector<16xi1> -> vector<16xi32>
        %reduce_sum3A_369 = vector.extract %reduce_sum3A_368[15] : i32 from vector<16xi32>
        %add3A_370 = arith.addi %add3A_335, %reduce_sum3A_369 : i32
        %scan3A_371 = arith.constant 6 : i32
        %scan3A_372 = arith.addi %scan3A_166, %scan3A_371 : i32
        %mul3A_373 = arith.constant 16 : i32
        %mul3A_374 = arith.muli %scan3A_372, %mul3A_373 : i32
        %get3A_375 = arith.index_cast %mul3A_374 : i32 to index
        %get3A_376 = tpu.vector_load %arg6[%get3A_375] {strides = array<i32>} : memref<8192xi32, #tpu.memory_space<vmem>>, vector<16xi32>,
        %shift_right_arithmetic3A_377 = arith.constant 31 : i32
        %shift_right_arithmetic3A_378 = vector.broadcast %shift_right_arithmetic3A_377 : i32 to vector<16xi32>
        %shift_right_arithmetic3A_379 = arith.shrsi %get3A_376, %shift_right_arithmetic3A_378 : vector<16xi32>
        %or3A_380 = vector.broadcast %squeeze3A : i32 to vector<16xi32>
        %or3A_381 = arith.ori %shift_right_arithmetic3A_379, %or3A_380 : vector<16xi32>
        %xor3A_382 = arith.xori %get3A_376, %or3A_381 : vector<16xi32>
        %shift_right_arithmetic3A_383 = arith.constant 20 : i32
        %shift_right_arithmetic3A_384 = vector.broadcast %shift_right_arithmetic3A_383 : i32 to vector<16xi32>
        %shift_right_arithmetic3A_385 = arith.shrsi %xor3A_382, %shift_right_arithmetic3A_384 : vector<16xi32>
        %and3A_386 = arith.constant 4095 : i32
        %and3A_387 = vector.broadcast %and3A_386 : i32 to vector<16xi32>
        %and3A_388 = arith.andi %shift_right_arithmetic3A_385, %and3A_387 : vector<16xi32>
        %eq3A_389 = arith.cmpi eq, %and3A_388, %broadcast_in_dim3A_81 : vector<16xi32>
        %shift_right_arithmetic3A_390 = arith.constant 8 : i32
        %shift_right_arithmetic3A_391 = vector.broadcast %shift_right_arithmetic3A_390 : i32 to vector<16xi32>
        %shift_right_arithmetic3A_392 = arith.shrsi %xor3A_382, %shift_right_arithmetic3A_391 : vector<16xi32>
        %and3A_393 = arith.constant 4095 : i32
        %and3A_394 = vector.broadcast %and3A_393 : i32 to vector<16xi32>
        %and3A_395 = arith.andi %shift_right_arithmetic3A_392, %and3A_394 : vector<16xi32>
        tpu.vector_store_idx %arg5[%and3A_395], %broadcast_in_dim3A_37 masked %eq3A_389 {add = true} : memref<4096xi32, #tpu.memory_space<vmem>>[vector<16xi32>], vector<16xi32>, vector<16xi1>
        %min3A_396 = arith.constant 32768 : i32
        %min3A_397 = arith.minsi %add3A_370, %min3A_396 : i32
        %swap3A_398 = arith.index_cast %min3A_397 : i32 to index
        %swap3A_399 = tpu.vector_load %arg10[%swap3A_398] masked %eq3A_389 {strides = array<i32>} : memref<32784xi32, #tpu.memory_space<vmem>>, vector<16xi32>, vector<16xi1>
        tpu.vector_store %arg10[%swap3A_398], %xor3A_382 masked %eq3A_389 {strides = array<i32>} : memref<32784xi32, #tpu.memory_space<vmem>>, vector<16xi32>, vector<16xi1>
        %convert_element_type3A_400 = arith.extui %eq3A_389 : vector<16xi1> to vector<16xi32>
        %reduce_sum3A_401 = arith.constant true
        %reduce_sum3A_402 = vector.broadcast %reduce_sum3A_401 : i1 to vector<16xi1>
        %reduce_sum3A_403 = tpu.scan <sum>, %convert_element_type3A_400 masked %reduce_sum3A_402 : vector<16xi32>, vector<16xi1> -> vector<16xi32>
        %reduce_sum3A_404 = vector.extract %reduce_sum3A_403[15] : i32 from vector<16xi32>
        %add3A_405 = arith.addi %add3A_370, %reduce_sum3A_404 : i32
        %scan3A_406 = arith.constant 7 : i32
        %scan3A_407 = arith.addi %scan3A_166, %scan3A_406 : i32
        %mul3A_408 = arith.constant 16 : i32
        %mul3A_409 = arith.muli %scan3A_407, %mul3A_408 : i32
        %get3A_410 = arith.index_cast %mul3A_409 : i32 to index
        %get3A_411 = tpu.vector_load %arg6[%get3A_410] {strides = array<i32>} : memref<8192xi32, #tpu.memory_space<vmem>>, vector<16xi32>,
        %shift_right_arithmetic3A_412 = arith.constant 31 : i32
        %shift_right_arithmetic3A_413 = vector.broadcast %shift_right_arithmetic3A_412 : i32 to vector<16xi32>
        %shift_right_arithmetic3A_414 = arith.shrsi %get3A_411, %shift_right_arithmetic3A_413 : vector<16xi32>
        %or3A_415 = vector.broadcast %squeeze3A : i32 to vector<16xi32>
        %or3A_416 = arith.ori %shift_right_arithmetic3A_414, %or3A_415 : vector<16xi32>
        %xor3A_417 = arith.xori %get3A_411, %or3A_416 : vector<16xi32>
        %shift_right_arithmetic3A_418 = arith.constant 20 : i32
        %shift_right_arithmetic3A_419 = vector.broadcast %shift_right_arithmetic3A_418 : i32 to vector<16xi32>
        %shift_right_arithmetic3A_420 = arith.shrsi %xor3A_417, %shift_right_arithmetic3A_419 : vector<16xi32>
        %and3A_421 = arith.constant 4095 : i32
        %and3A_422 = vector.broadcast %and3A_421 : i32 to vector<16xi32>
        %and3A_423 = arith.andi %shift_right_arithmetic3A_420, %and3A_422 : vector<16xi32>
        %eq3A_424 = arith.cmpi eq, %and3A_423, %broadcast_in_dim3A_81 : vector<16xi32>
        %shift_right_arithmetic3A_425 = arith.constant 8 : i32
        %shift_right_arithmetic3A_426 = vector.broadcast %shift_right_arithmetic3A_425 : i32 to vector<16xi32>
        %shift_right_arithmetic3A_427 = arith.shrsi %xor3A_417, %shift_right_arithmetic3A_426 : vector<16xi32>
        %and3A_428 = arith.constant 4095 : i32
        %and3A_429 = vector.broadcast %and3A_428 : i32 to vector<16xi32>
        %and3A_430 = arith.andi %shift_right_arithmetic3A_427, %and3A_429 : vector<16xi32>
        tpu.vector_store_idx %arg5[%and3A_430], %broadcast_in_dim3A_37 masked %eq3A_424 {add = true} : memref<4096xi32, #tpu.memory_space<vmem>>[vector<16xi32>], vector<16xi32>, vector<16xi1>
        %min3A_431 = arith.constant 32768 : i32
        %min3A_432 = arith.minsi %add3A_405, %min3A_431 : i32
        %swap3A_433 = arith.index_cast %min3A_432 : i32 to index
        %swap3A_434 = tpu.vector_load %arg10[%swap3A_433] masked %eq3A_424 {strides = array<i32>} : memref<32784xi32, #tpu.memory_space<vmem>>, vector<16xi32>, vector<16xi1>
        tpu.vector_store %arg10[%swap3A_433], %xor3A_417 masked %eq3A_424 {strides = array<i32>} : memref<32784xi32, #tpu.memory_space<vmem>>, vector<16xi32>, vector<16xi1>
        %convert_element_type3A_435 = arith.extui %eq3A_424 : vector<16xi1> to vector<16xi32>
        %reduce_sum3A_436 = arith.constant true
        %reduce_sum3A_437 = vector.broadcast %reduce_sum3A_436 : i1 to vector<16xi1>
        %reduce_sum3A_438 = tpu.scan <sum>, %convert_element_type3A_435 masked %reduce_sum3A_437 : vector<16xi32>, vector<16xi1> -> vector<16xi32>
        %reduce_sum3A_439 = vector.extract %reduce_sum3A_438[15] : i32 from vector<16xi32>
        %add3A_440 = arith.addi %add3A_405, %reduce_sum3A_439 : i32
        scf.yield %add3A_440 : i32
      }
      %scan3A_165 = arith.constant 512 : i32
      scf.yield %scan3A_164 : i32
    }
    %scan3A_88 = arith.constant 147 : i32
    "tpu.region"() ({
      %run_scoped3A = tpu.sem_alloc : memref<!tpu.dma_semaphore, #tpu.memory_space<semaphore_mem>>
      %dma_start3A = arith.constant 0 : i32
      %dma_start3A_155 = tpu.memref_slice %arg11[%arg1, %dma_start3A] : memref<16x4096xi32, #tpu.memory_space<vmem_shared>> -> memref<1x4096xi32, #tpu.memory_space<vmem_shared>>
      %dma_start3A_156 = tpu.memref_squeeze %dma_start3A_155 : memref<1x4096xi32, #tpu.memory_space<vmem_shared>> -> memref<4096xi32, #tpu.memory_space<vmem_shared>>
      %dma_start3A_157 = arith.constant 0 : i32
      %dma_start3A_158 = tpu.memref_slice %arg11[%arg1, %dma_start3A_157] : memref<16x4096xi32, #tpu.memory_space<vmem_shared>> -> memref<1x4096xi32, #tpu.memory_space<vmem_shared>>
      %dma_start3A_159 = tpu.memref_squeeze %dma_start3A_158 : memref<1x4096xi32, #tpu.memory_space<vmem_shared>> -> memref<4096xi32, #tpu.memory_space<vmem_shared>>
      tpu.enqueue_dma source(%arg5 : memref<4096xi32, #tpu.memory_space<vmem>>) target(%dma_start3A_159 : memref<4096xi32, #tpu.memory_space<vmem_shared>>) target_semaphore(%run_scoped3A : memref<!tpu.dma_semaphore, #tpu.memory_space<semaphore_mem>>)
      %dma_wait3A = arith.constant 0 : i32
      %dma_wait3A_160 = tpu.memref_slice %arg11[%arg1, %dma_wait3A] : memref<16x4096xi32, #tpu.memory_space<vmem_shared>> -> memref<1x4096xi32, #tpu.memory_space<vmem_shared>>
      %dma_wait3A_161 = tpu.memref_squeeze %dma_wait3A_160 : memref<1x4096xi32, #tpu.memory_space<vmem_shared>> -> memref<4096xi32, #tpu.memory_space<vmem_shared>>
      %dma_wait3A_162 = arith.constant 0 : i32
      %dma_wait3A_163 = tpu.memref_slice %arg11[%arg1, %dma_wait3A_162] : memref<16x4096xi32, #tpu.memory_space<vmem_shared>> -> memref<1x4096xi32, #tpu.memory_space<vmem_shared>>
      %dma_wait3A_164 = tpu.memref_squeeze %dma_wait3A_163 : memref<1x4096xi32, #tpu.memory_space<vmem_shared>> -> memref<4096xi32, #tpu.memory_space<vmem_shared>>
      tpu.wait_dma2 semaphore(%run_scoped3A : memref<!tpu.dma_semaphore, #tpu.memory_space<semaphore_mem>>) src(%arg5 : memref<4096xi32, #tpu.memory_space<vmem>>) dst(%dma_wait3A_164 : memref<4096xi32, #tpu.memory_space<vmem_shared>>)
      tpu.yield
    }) : () -> ()
    %barrier3A_89 = arith.constant 0 : index
    tpu.barrier barrier_id(%barrier3A_89)
    %mul3A_90 = arith.constant 4 : i32
    %mul3A_91 = arith.muli %select_n3A, %mul3A_90 : i32
    "tpu.region"() ({
      %run_scoped3A = tpu.sem_alloc : memref<!tpu.dma_semaphore, #tpu.memory_space<semaphore_mem>>
      %dma_start3A = arith.constant 0 : i32
      %dma_start3A_155 = tpu.memref_slice %arg11[%mul3A_91, %dma_start3A] : memref<16x4096xi32, #tpu.memory_space<vmem_shared>> -> memref<4x4096xi32, #tpu.memory_space<vmem_shared>>
      %dma_start3A_156 = arith.constant 0 : i32
      %dma_start3A_157 = tpu.memref_slice %arg11[%mul3A_91, %dma_start3A_156] : memref<16x4096xi32, #tpu.memory_space<vmem_shared>> -> memref<4x4096xi32, #tpu.memory_space<vmem_shared>>
      tpu.enqueue_dma source(%dma_start3A_157 : memref<4x4096xi32, #tpu.memory_space<vmem_shared>>) target(%arg8 : memref<4x4096xi32, #tpu.memory_space<vmem>>) target_semaphore(%run_scoped3A : memref<!tpu.dma_semaphore, #tpu.memory_space<semaphore_mem>>)
      %dma_wait3A = arith.constant 0 : i32
      %dma_wait3A_158 = tpu.memref_slice %arg11[%mul3A_91, %dma_wait3A] : memref<16x4096xi32, #tpu.memory_space<vmem_shared>> -> memref<4x4096xi32, #tpu.memory_space<vmem_shared>>
      %dma_wait3A_159 = arith.constant 0 : i32
      %dma_wait3A_160 = tpu.memref_slice %arg11[%mul3A_91, %dma_wait3A_159] : memref<16x4096xi32, #tpu.memory_space<vmem_shared>> -> memref<4x4096xi32, #tpu.memory_space<vmem_shared>>
      tpu.wait_dma2 semaphore(%run_scoped3A : memref<!tpu.dma_semaphore, #tpu.memory_space<semaphore_mem>>) src(%dma_wait3A_160 : memref<4x4096xi32, #tpu.memory_space<vmem_shared>>) dst(%arg8 : memref<4x4096xi32, #tpu.memory_space<vmem>>)
      tpu.yield
    }) : () -> ()
    %scan3A_92 = arith.constant 0 : i32
    %scan3A_93 = arith.constant 0 : i32
    %scan3A_94 = arith.constant 256 : i32
    %scan3A_95 = arith.addi %scan3A_93, %scan3A_94 : i32
    %scan3A_96 = arith.constant 1 : i32
    %scan3A_97 = scf.for %scan3A_155 = %scan3A_93 to %scan3A_95 step %scan3A_96 iter_args(%scan3A_156 = %scan3A_92) -> (i32)  : i32 {
      %mul3A_157 = arith.constant 16 : i32
      %mul3A_158 = arith.muli %scan3A_155, %mul3A_157 : i32
      %get3A_159 = arith.constant 0 : i32
      %get3A_160 = arith.index_cast %get3A_159 : i32 to index
      %get3A_161 = arith.index_cast %mul3A_158 : i32 to index
      %get3A_162 = tpu.vector_load %arg8[%get3A_160, %get3A_161] {strides = array<i32>} : memref<4x4096xi32, #tpu.memory_space<vmem>>, vector<16xi32>,
      %mul3A_163 = arith.constant 16 : i32
      %mul3A_164 = arith.muli %scan3A_155, %mul3A_163 : i32
      %get3A_165 = arith.constant 1 : i32
      %get3A_166 = arith.index_cast %get3A_165 : i32 to index
      %get3A_167 = arith.index_cast %mul3A_164 : i32 to index
      %get3A_168 = tpu.vector_load %arg8[%get3A_166, %get3A_167] {strides = array<i32>} : memref<4x4096xi32, #tpu.memory_space<vmem>>, vector<16xi32>,
      %add3A_169 = arith.addi %get3A_162, %get3A_168 : vector<16xi32>
      %mul3A_170 = arith.constant 16 : i32
      %mul3A_171 = arith.muli %scan3A_155, %mul3A_170 : i32
      %get3A_172 = arith.constant 2 : i32
      %get3A_173 = arith.index_cast %get3A_172 : i32 to index
      %get3A_174 = arith.index_cast %mul3A_171 : i32 to index
      %get3A_175 = tpu.vector_load %arg8[%get3A_173, %get3A_174] {strides = array<i32>} : memref<4x4096xi32, #tpu.memory_space<vmem>>, vector<16xi32>,
      %add3A_176 = arith.addi %add3A_169, %get3A_175 : vector<16xi32>
      %mul3A_177 = arith.constant 16 : i32
      %mul3A_178 = arith.muli %scan3A_155, %mul3A_177 : i32
      %get3A_179 = arith.constant 3 : i32
      %get3A_180 = arith.index_cast %get3A_179 : i32 to index
      %get3A_181 = arith.index_cast %mul3A_178 : i32 to index
      %get3A_182 = tpu.vector_load %arg8[%get3A_180, %get3A_181] {strides = array<i32>} : memref<4x4096xi32, #tpu.memory_space<vmem>>, vector<16xi32>,
      %add3A_183 = arith.addi %add3A_176, %get3A_182 : vector<16xi32>
      %mul3A_184 = arith.constant 16 : i32
      %mul3A_185 = arith.muli %scan3A_155, %mul3A_184 : i32
      %swap3A = arith.index_cast %mul3A_185 : i32 to index
      %swap3A_186 = tpu.vector_load %arg7[%swap3A] {strides = array<i32>} : memref<4096xi32, #tpu.memory_space<vmem>>, vector<16xi32>,
      tpu.vector_store %arg7[%swap3A], %add3A_183 {strides = array<i32>} : memref<4096xi32, #tpu.memory_space<vmem>>, vector<16xi32>,
      %scan3A_187 = arith.constant 0 : i32
      scf.yield %scan3A_187 : i32
    }
    %scan3A_98 = arith.constant 256 : i32
    %barrier3A_99 = arith.constant 0 : index
    tpu.barrier barrier_id(%barrier3A_99)
    %scan3A_100 = arith.constant 0 : i32
    %scan3A_101 = arith.constant 0 : i32
    %scan3A_102 = arith.constant 0 : i32
    %scan3A_103 = arith.constant 0 : i32
    %scan3A_104 = arith.constant 0 : i32
    %scan3A_105 = arith.constant 256 : i32
    %scan3A_106 = arith.addi %scan3A_104, %scan3A_105 : i32
    %scan3A_107 = arith.constant 1 : i32
    %scan3A_108:4 = scf.for %scan3A_155 = %scan3A_104 to %scan3A_106 step %scan3A_107 iter_args(%scan3A_156 = %scan3A_100, %scan3A_157 = %scan3A_101, %scan3A_158 = %scan3A_102, %scan3A_159 = %scan3A_103) -> (i32, i32, i32, i32)  : i32 {
      %mul3A_160 = arith.constant 16 : i32
      %mul3A_161 = arith.muli %scan3A_155, %mul3A_160 : i32
      %get3A_162 = arith.index_cast %mul3A_161 : i32 to index
      %get3A_163 = tpu.vector_load %arg7[%get3A_162] {strides = array<i32>} : memref<4096xi32, #tpu.memory_space<vmem>>, vector<16xi32>,
      %broadcast_in_dim3A_164 = arith.constant true
      %broadcast_in_dim3A_165 = vector.broadcast %broadcast_in_dim3A_164 : i1 to vector<16xi1>
      %masked_cumsum3A = tpu.scan <sum>, %get3A_163 masked %broadcast_in_dim3A_165 : vector<16xi32>, vector<16xi1> -> vector<16xi32>
      %add3A_166 = vector.broadcast %scan3A_159 : i32 to vector<16xi32>
      %add3A_167 = arith.addi %add3A_166, %masked_cumsum3A : vector<16xi32>
      %ge3A = vector.broadcast %sub3A_73 : i32 to vector<16xi32>
      %ge3A_168 = arith.cmpi sge, %add3A_167, %ge3A : vector<16xi32>
      %convert_element_type3A_169 = arith.extui %ge3A_168 : vector<16xi1> to vector<16xi32>
      %reduce_sum3A = arith.constant true
      %reduce_sum3A_170 = vector.broadcast %reduce_sum3A : i1 to vector<16xi1>
      %reduce_sum3A_171 = tpu.scan <sum>, %convert_element_type3A_169 masked %reduce_sum3A_170 : vector<16xi32>, vector<16xi1> -> vector<16xi32>
      %reduce_sum3A_172 = vector.extract %reduce_sum3A_171[15] : i32 from vector<16xi32>
      %jit3A_173 = arith.constant 16 : i32
      %broadcast_in_dim3A_174 = vector.broadcast %jit3A_173 : i32 to vector<16xi32>
      %select_n3A_175 = arith.select %ge3A_168, %iota3A, %broadcast_in_dim3A_174 : vector<16xi1>, vector<16xi32>
      %reduce_min3A = arith.constant true
      %reduce_min3A_176 = vector.broadcast %reduce_min3A : i1 to vector<16xi1>
      %reduce_min3A_177 = arith.constant -2147483648 : i32
      %reduce_min3A_178 = vector.broadcast %reduce_min3A_177 : i32 to vector<16xi32>
      %reduce_min3A_179 = arith.xori %select_n3A_175, %reduce_min3A_178 : vector<16xi32>
      %reduce_min3A_180 = tpu.scan <min>, %reduce_min3A_179 masked %reduce_min3A_176 : vector<16xi32>, vector<16xi1> -> vector<16xi32>
      %reduce_min3A_181 = arith.xori %reduce_min3A_180, %reduce_min3A_178 : vector<16xi32>
      %reduce_min3A_182 = vector.extract %reduce_min3A_181[15] : i32 from vector<16xi32>
      %lt3A_183 = vector.broadcast %reduce_min3A_182 : i32 to vector<16xi32>
      %lt3A_184 = arith.cmpi slt, %iota3A, %lt3A_183 : vector<16xi32>
      %jit3A_185 = arith.constant 0 : i32
      %broadcast_in_dim3A_186 = vector.broadcast %jit3A_185 : i32 to vector<16xi32>
      %select_n3A_187 = arith.select %lt3A_184, %get3A_163, %broadcast_in_dim3A_186 : vector<16xi1>, vector<16xi32>
      %reduce_sum3A_188 = arith.constant true
      %reduce_sum3A_189 = vector.broadcast %reduce_sum3A_188 : i1 to vector<16xi1>
      %reduce_sum3A_190 = tpu.scan <sum>, %select_n3A_187 masked %reduce_sum3A_189 : vector<16xi32>, vector<16xi1> -> vector<16xi32>
      %reduce_sum3A_191 = vector.extract %reduce_sum3A_190[15] : i32 from vector<16xi32>
      %add3A_192 = arith.addi %scan3A_159, %reduce_sum3A_191 : i32
      %gt3A_193 = arith.constant 0 : i32
      %gt3A_194 = arith.cmpi sgt, %reduce_sum3A_172, %gt3A_193 : i32
      %eq3A_195 = arith.constant 0 : i32
      %eq3A_196 = arith.cmpi eq, %scan3A_156, %eq3A_195 : i32
      %and3A_197 = arith.andi %gt3A_194, %eq3A_196 : i1
      %mul3A_198 = arith.constant 16 : i32
      %mul3A_199 = arith.muli %scan3A_155, %mul3A_198 : i32
      %add3A_200 = arith.addi %mul3A_199, %reduce_min3A_182 : i32
      %select_n3A_201 = arith.select %and3A_197, %add3A_200, %scan3A_157 : i32
      %select_n3A_202 = arith.select %and3A_197, %add3A_192, %scan3A_158 : i32
      %gt3A_203 = arith.constant 0 : i32
      %gt3A_204 = arith.cmpi sgt, %reduce_sum3A_172, %gt3A_203 : i32
      %jit3A_205 = arith.constant 1 : i32
      %select_n3A_206 = arith.select %gt3A_204, %jit3A_205, %scan3A_156 : i32
      %reduce_sum3A_207 = arith.constant true
      %reduce_sum3A_208 = vector.broadcast %reduce_sum3A_207 : i1 to vector<16xi1>
      %reduce_sum3A_209 = tpu.scan <sum>, %get3A_163 masked %reduce_sum3A_208 : vector<16xi32>, vector<16xi1> -> vector<16xi32>
      %reduce_sum3A_210 = vector.extract %reduce_sum3A_209[15] : i32 from vector<16xi32>
      %add3A_211 = arith.addi %scan3A_159, %reduce_sum3A_210 : i32
      scf.yield %select_n3A_206, %select_n3A_201, %select_n3A_202, %add3A_211 : i32, i32, i32, i32
    }
    %scan3A_109 = arith.constant 256 : i32
    %sub3A_110 = arith.subi %sub3A_73, %scan3A_108#2 : i32
    %scan3A_111 = arith.constant 0 : i32
    %scan3A_112 = arith.constant 0 : i32
    %scan3A_113 = arith.constant 256 : i32
    %scan3A_114 = arith.addi %scan3A_112, %scan3A_113 : i32
    %scan3A_115 = arith.constant 8 : i32
    %scan3A_116 = scf.for %scan3A_155 = %scan3A_112 to %scan3A_114 step %scan3A_115 iter_args(%scan3A_156 = %scan3A_111) -> (i32)  : i32 {
      %broadcast_in_dim3A_157 = arith.constant 0 : i32
      %broadcast_in_dim3A_158 = vector.broadcast %broadcast_in_dim3A_157 : i32 to vector<16xi32>
      %mul3A_159 = arith.constant 16 : i32
      %mul3A_160 = arith.muli %scan3A_155, %mul3A_159 : i32
      %swap3A = arith.index_cast %mul3A_160 : i32 to index
      %swap3A_161 = tpu.vector_load %arg5[%swap3A] {strides = array<i32>} : memref<4096xi32, #tpu.memory_space<vmem>>, vector<16xi32>,
      tpu.vector_store %arg5[%swap3A], %broadcast_in_dim3A_158 {strides = array<i32>} : memref<4096xi32, #tpu.memory_space<vmem>>, vector<16xi32>,
      %scan3A_162 = arith.constant 0 : i32
      %scan3A_163 = arith.constant 1 : i32
      %scan3A_164 = arith.addi %scan3A_155, %scan3A_163 : i32
      %broadcast_in_dim3A_165 = arith.constant 0 : i32
      %broadcast_in_dim3A_166 = vector.broadcast %broadcast_in_dim3A_165 : i32 to vector<16xi32>
      %mul3A_167 = arith.constant 16 : i32
      %mul3A_168 = arith.muli %scan3A_164, %mul3A_167 : i32
      %swap3A_169 = arith.index_cast %mul3A_168 : i32 to index
      %swap3A_170 = tpu.vector_load %arg5[%swap3A_169] {strides = array<i32>} : memref<4096xi32, #tpu.memory_space<vmem>>, vector<16xi32>,
      tpu.vector_store %arg5[%swap3A_169], %broadcast_in_dim3A_166 {strides = array<i32>} : memref<4096xi32, #tpu.memory_space<vmem>>, vector<16xi32>,
      %scan3A_171 = arith.constant 0 : i32
      %scan3A_172 = arith.constant 2 : i32
      %scan3A_173 = arith.addi %scan3A_155, %scan3A_172 : i32
      %broadcast_in_dim3A_174 = arith.constant 0 : i32
      %broadcast_in_dim3A_175 = vector.broadcast %broadcast_in_dim3A_174 : i32 to vector<16xi32>
      %mul3A_176 = arith.constant 16 : i32
      %mul3A_177 = arith.muli %scan3A_173, %mul3A_176 : i32
      %swap3A_178 = arith.index_cast %mul3A_177 : i32 to index
      %swap3A_179 = tpu.vector_load %arg5[%swap3A_178] {strides = array<i32>} : memref<4096xi32, #tpu.memory_space<vmem>>, vector<16xi32>,
      tpu.vector_store %arg5[%swap3A_178], %broadcast_in_dim3A_175 {strides = array<i32>} : memref<4096xi32, #tpu.memory_space<vmem>>, vector<16xi32>,
      %scan3A_180 = arith.constant 0 : i32
      %scan3A_181 = arith.constant 3 : i32
      %scan3A_182 = arith.addi %scan3A_155, %scan3A_181 : i32
      %broadcast_in_dim3A_183 = arith.constant 0 : i32
      %broadcast_in_dim3A_184 = vector.broadcast %broadcast_in_dim3A_183 : i32 to vector<16xi32>
      %mul3A_185 = arith.constant 16 : i32
      %mul3A_186 = arith.muli %scan3A_182, %mul3A_185 : i32
      %swap3A_187 = arith.index_cast %mul3A_186 : i32 to index
      %swap3A_188 = tpu.vector_load %arg5[%swap3A_187] {strides = array<i32>} : memref<4096xi32, #tpu.memory_space<vmem>>, vector<16xi32>,
      tpu.vector_store %arg5[%swap3A_187], %broadcast_in_dim3A_184 {strides = array<i32>} : memref<4096xi32, #tpu.memory_space<vmem>>, vector<16xi32>,
      %scan3A_189 = arith.constant 0 : i32
      %scan3A_190 = arith.constant 4 : i32
      %scan3A_191 = arith.addi %scan3A_155, %scan3A_190 : i32
      %broadcast_in_dim3A_192 = arith.constant 0 : i32
      %broadcast_in_dim3A_193 = vector.broadcast %broadcast_in_dim3A_192 : i32 to vector<16xi32>
      %mul3A_194 = arith.constant 16 : i32
      %mul3A_195 = arith.muli %scan3A_191, %mul3A_194 : i32
      %swap3A_196 = arith.index_cast %mul3A_195 : i32 to index
      %swap3A_197 = tpu.vector_load %arg5[%swap3A_196] {strides = array<i32>} : memref<4096xi32, #tpu.memory_space<vmem>>, vector<16xi32>,
      tpu.vector_store %arg5[%swap3A_196], %broadcast_in_dim3A_193 {strides = array<i32>} : memref<4096xi32, #tpu.memory_space<vmem>>, vector<16xi32>,
      %scan3A_198 = arith.constant 0 : i32
      %scan3A_199 = arith.constant 5 : i32
      %scan3A_200 = arith.addi %scan3A_155, %scan3A_199 : i32
      %broadcast_in_dim3A_201 = arith.constant 0 : i32
      %broadcast_in_dim3A_202 = vector.broadcast %broadcast_in_dim3A_201 : i32 to vector<16xi32>
      %mul3A_203 = arith.constant 16 : i32
      %mul3A_204 = arith.muli %scan3A_200, %mul3A_203 : i32
      %swap3A_205 = arith.index_cast %mul3A_204 : i32 to index
      %swap3A_206 = tpu.vector_load %arg5[%swap3A_205] {strides = array<i32>} : memref<4096xi32, #tpu.memory_space<vmem>>, vector<16xi32>,
      tpu.vector_store %arg5[%swap3A_205], %broadcast_in_dim3A_202 {strides = array<i32>} : memref<4096xi32, #tpu.memory_space<vmem>>, vector<16xi32>,
      %scan3A_207 = arith.constant 0 : i32
      %scan3A_208 = arith.constant 6 : i32
      %scan3A_209 = arith.addi %scan3A_155, %scan3A_208 : i32
      %broadcast_in_dim3A_210 = arith.constant 0 : i32
      %broadcast_in_dim3A_211 = vector.broadcast %broadcast_in_dim3A_210 : i32 to vector<16xi32>
      %mul3A_212 = arith.constant 16 : i32
      %mul3A_213 = arith.muli %scan3A_209, %mul3A_212 : i32
      %swap3A_214 = arith.index_cast %mul3A_213 : i32 to index
      %swap3A_215 = tpu.vector_load %arg5[%swap3A_214] {strides = array<i32>} : memref<4096xi32, #tpu.memory_space<vmem>>, vector<16xi32>,
      tpu.vector_store %arg5[%swap3A_214], %broadcast_in_dim3A_211 {strides = array<i32>} : memref<4096xi32, #tpu.memory_space<vmem>>, vector<16xi32>,
      %scan3A_216 = arith.constant 0 : i32
      %scan3A_217 = arith.constant 7 : i32
      %scan3A_218 = arith.addi %scan3A_155, %scan3A_217 : i32
      %broadcast_in_dim3A_219 = arith.constant 0 : i32
      %broadcast_in_dim3A_220 = vector.broadcast %broadcast_in_dim3A_219 : i32 to vector<16xi32>
      %mul3A_221 = arith.constant 16 : i32
      %mul3A_222 = arith.muli %scan3A_218, %mul3A_221 : i32
      %swap3A_223 = arith.index_cast %mul3A_222 : i32 to index
      %swap3A_224 = tpu.vector_load %arg5[%swap3A_223] {strides = array<i32>} : memref<4096xi32, #tpu.memory_space<vmem>>, vector<16xi32>,
      tpu.vector_store %arg5[%swap3A_223], %broadcast_in_dim3A_220 {strides = array<i32>} : memref<4096xi32, #tpu.memory_space<vmem>>, vector<16xi32>,
      %scan3A_225 = arith.constant 0 : i32
      scf.yield %scan3A_225 : i32
    }
    %scan3A_117 = arith.constant 256 : i32
    %broadcast_in_dim3A_118 = vector.broadcast %scan3A_108#1 : i32 to vector<16xi32>
    %le3A = arith.constant 32768 : i32
    %le3A_119 = arith.cmpi sle, %scan3A_87, %le3A : i32
    %convert_element_type3A = arith.extui %le3A_119 : i1 to i32
    %cond3A = arith.constant 0 : i32
    %cond3A_120 = arith.cmpi ne, %convert_element_type3A, %cond3A : i32
    scf.if %cond3A_120 {
      %scan3A_155 = arith.constant 0 : i32
      %scan3A_156 = arith.constant 0 : i32
      %scan3A_157 = arith.constant 2048 : i32
      %scan3A_158 = arith.addi %scan3A_156, %scan3A_157 : i32
      %scan3A_159 = arith.constant 8 : i32
      %scan3A_160 = scf.for %scan3A_162 = %scan3A_156 to %scan3A_158 step %scan3A_159 iter_args(%scan3A_163 = %scan3A_155) -> (i32)  : i32 {
        %mul3A_164 = arith.constant 16 : i32
        %mul3A_165 = arith.muli %scan3A_162, %mul3A_164 : i32
        %get3A_166 = arith.index_cast %mul3A_165 : i32 to index
        %get3A_167 = tpu.vector_load %arg10[%get3A_166] {strides = array<i32>} : memref<32784xi32, #tpu.memory_space<vmem>>, vector<16xi32>,
        %mul3A_168 = arith.constant 16 : i32
        %mul3A_169 = arith.muli %scan3A_162, %mul3A_168 : i32
        %add3A_170 = vector.broadcast %mul3A_169 : i32 to vector<16xi32>
        %add3A_171 = arith.addi %add3A_170, %iota3A : vector<16xi32>
        %lt3A_172 = vector.broadcast %scan3A_87 : i32 to vector<16xi32>
        %lt3A_173 = arith.cmpi slt, %add3A_171, %lt3A_172 : vector<16xi32>
        %shift_right_arithmetic3A = arith.constant 8 : i32
        %shift_right_arithmetic3A_174 = vector.broadcast %shift_right_arithmetic3A : i32 to vector<16xi32>
        %shift_right_arithmetic3A_175 = arith.shrsi %get3A_167, %shift_right_arithmetic3A_174 : vector<16xi32>
        %and3A_176 = arith.constant 4095 : i32
        %and3A_177 = vector.broadcast %and3A_176 : i32 to vector<16xi32>
        %and3A_178 = arith.andi %shift_right_arithmetic3A_175, %and3A_177 : vector<16xi32>
        %eq3A_179 = arith.cmpi eq, %and3A_178, %broadcast_in_dim3A_118 : vector<16xi32>
        %and3A_180 = arith.andi %eq3A_179, %lt3A_173 : vector<16xi1>
        %and3A_181 = arith.constant 255 : i32
        %and3A_182 = vector.broadcast %and3A_181 : i32 to vector<16xi32>
        %and3A_183 = arith.andi %get3A_167, %and3A_182 : vector<16xi32>
        tpu.vector_store_idx %arg5[%and3A_183], %broadcast_in_dim3A_37 masked %and3A_180 {add = true} : memref<4096xi32, #tpu.memory_space<vmem>>[vector<16xi32>], vector<16xi32>, vector<16xi1>
        %scan3A_184 = arith.constant 0 : i32
        %scan3A_185 = arith.constant 1 : i32
        %scan3A_186 = arith.addi %scan3A_162, %scan3A_185 : i32
        %mul3A_187 = arith.constant 16 : i32
        %mul3A_188 = arith.muli %scan3A_186, %mul3A_187 : i32
        %get3A_189 = arith.index_cast %mul3A_188 : i32 to index
        %get3A_190 = tpu.vector_load %arg10[%get3A_189] {strides = array<i32>} : memref<32784xi32, #tpu.memory_space<vmem>>, vector<16xi32>,
        %mul3A_191 = arith.constant 16 : i32
        %mul3A_192 = arith.muli %scan3A_186, %mul3A_191 : i32
        %add3A_193 = vector.broadcast %mul3A_192 : i32 to vector<16xi32>
        %add3A_194 = arith.addi %add3A_193, %iota3A : vector<16xi32>
        %lt3A_195 = vector.broadcast %scan3A_87 : i32 to vector<16xi32>
        %lt3A_196 = arith.cmpi slt, %add3A_194, %lt3A_195 : vector<16xi32>
        %shift_right_arithmetic3A_197 = arith.constant 8 : i32
        %shift_right_arithmetic3A_198 = vector.broadcast %shift_right_arithmetic3A_197 : i32 to vector<16xi32>
        %shift_right_arithmetic3A_199 = arith.shrsi %get3A_190, %shift_right_arithmetic3A_198 : vector<16xi32>
        %and3A_200 = arith.constant 4095 : i32
        %and3A_201 = vector.broadcast %and3A_200 : i32 to vector<16xi32>
        %and3A_202 = arith.andi %shift_right_arithmetic3A_199, %and3A_201 : vector<16xi32>
        %eq3A_203 = arith.cmpi eq, %and3A_202, %broadcast_in_dim3A_118 : vector<16xi32>
        %and3A_204 = arith.andi %eq3A_203, %lt3A_196 : vector<16xi1>
        %and3A_205 = arith.constant 255 : i32
        %and3A_206 = vector.broadcast %and3A_205 : i32 to vector<16xi32>
        %and3A_207 = arith.andi %get3A_190, %and3A_206 : vector<16xi32>
        tpu.vector_store_idx %arg5[%and3A_207], %broadcast_in_dim3A_37 masked %and3A_204 {add = true} : memref<4096xi32, #tpu.memory_space<vmem>>[vector<16xi32>], vector<16xi32>, vector<16xi1>
        %scan3A_208 = arith.constant 0 : i32
        %scan3A_209 = arith.constant 2 : i32
        %scan3A_210 = arith.addi %scan3A_162, %scan3A_209 : i32
        %mul3A_211 = arith.constant 16 : i32
        %mul3A_212 = arith.muli %scan3A_210, %mul3A_211 : i32
        %get3A_213 = arith.index_cast %mul3A_212 : i32 to index
        %get3A_214 = tpu.vector_load %arg10[%get3A_213] {strides = array<i32>} : memref<32784xi32, #tpu.memory_space<vmem>>, vector<16xi32>,
        %mul3A_215 = arith.constant 16 : i32
        %mul3A_216 = arith.muli %scan3A_210, %mul3A_215 : i32
        %add3A_217 = vector.broadcast %mul3A_216 : i32 to vector<16xi32>
        %add3A_218 = arith.addi %add3A_217, %iota3A : vector<16xi32>
        %lt3A_219 = vector.broadcast %scan3A_87 : i32 to vector<16xi32>
        %lt3A_220 = arith.cmpi slt, %add3A_218, %lt3A_219 : vector<16xi32>
        %shift_right_arithmetic3A_221 = arith.constant 8 : i32
        %shift_right_arithmetic3A_222 = vector.broadcast %shift_right_arithmetic3A_221 : i32 to vector<16xi32>
        %shift_right_arithmetic3A_223 = arith.shrsi %get3A_214, %shift_right_arithmetic3A_222 : vector<16xi32>
        %and3A_224 = arith.constant 4095 : i32
        %and3A_225 = vector.broadcast %and3A_224 : i32 to vector<16xi32>
        %and3A_226 = arith.andi %shift_right_arithmetic3A_223, %and3A_225 : vector<16xi32>
        %eq3A_227 = arith.cmpi eq, %and3A_226, %broadcast_in_dim3A_118 : vector<16xi32>
        %and3A_228 = arith.andi %eq3A_227, %lt3A_220 : vector<16xi1>
        %and3A_229 = arith.constant 255 : i32
        %and3A_230 = vector.broadcast %and3A_229 : i32 to vector<16xi32>
        %and3A_231 = arith.andi %get3A_214, %and3A_230 : vector<16xi32>
        tpu.vector_store_idx %arg5[%and3A_231], %broadcast_in_dim3A_37 masked %and3A_228 {add = true} : memref<4096xi32, #tpu.memory_space<vmem>>[vector<16xi32>], vector<16xi32>, vector<16xi1>
        %scan3A_232 = arith.constant 0 : i32
        %scan3A_233 = arith.constant 3 : i32
        %scan3A_234 = arith.addi %scan3A_162, %scan3A_233 : i32
        %mul3A_235 = arith.constant 16 : i32
        %mul3A_236 = arith.muli %scan3A_234, %mul3A_235 : i32
        %get3A_237 = arith.index_cast %mul3A_236 : i32 to index
        %get3A_238 = tpu.vector_load %arg10[%get3A_237] {strides = array<i32>} : memref<32784xi32, #tpu.memory_space<vmem>>, vector<16xi32>,
        %mul3A_239 = arith.constant 16 : i32
        %mul3A_240 = arith.muli %scan3A_234, %mul3A_239 : i32
        %add3A_241 = vector.broadcast %mul3A_240 : i32 to vector<16xi32>
        %add3A_242 = arith.addi %add3A_241, %iota3A : vector<16xi32>
        %lt3A_243 = vector.broadcast %scan3A_87 : i32 to vector<16xi32>
        %lt3A_244 = arith.cmpi slt, %add3A_242, %lt3A_243 : vector<16xi32>
        %shift_right_arithmetic3A_245 = arith.constant 8 : i32
        %shift_right_arithmetic3A_246 = vector.broadcast %shift_right_arithmetic3A_245 : i32 to vector<16xi32>
        %shift_right_arithmetic3A_247 = arith.shrsi %get3A_238, %shift_right_arithmetic3A_246 : vector<16xi32>
        %and3A_248 = arith.constant 4095 : i32
        %and3A_249 = vector.broadcast %and3A_248 : i32 to vector<16xi32>
        %and3A_250 = arith.andi %shift_right_arithmetic3A_247, %and3A_249 : vector<16xi32>
        %eq3A_251 = arith.cmpi eq, %and3A_250, %broadcast_in_dim3A_118 : vector<16xi32>
        %and3A_252 = arith.andi %eq3A_251, %lt3A_244 : vector<16xi1>
        %and3A_253 = arith.constant 255 : i32
        %and3A_254 = vector.broadcast %and3A_253 : i32 to vector<16xi32>
        %and3A_255 = arith.andi %get3A_238, %and3A_254 : vector<16xi32>
        tpu.vector_store_idx %arg5[%and3A_255], %broadcast_in_dim3A_37 masked %and3A_252 {add = true} : memref<4096xi32, #tpu.memory_space<vmem>>[vector<16xi32>], vector<16xi32>, vector<16xi1>
        %scan3A_256 = arith.constant 0 : i32
        %scan3A_257 = arith.constant 4 : i32
        %scan3A_258 = arith.addi %scan3A_162, %scan3A_257 : i32
        %mul3A_259 = arith.constant 16 : i32
        %mul3A_260 = arith.muli %scan3A_258, %mul3A_259 : i32
        %get3A_261 = arith.index_cast %mul3A_260 : i32 to index
        %get3A_262 = tpu.vector_load %arg10[%get3A_261] {strides = array<i32>} : memref<32784xi32, #tpu.memory_space<vmem>>, vector<16xi32>,
        %mul3A_263 = arith.constant 16 : i32
        %mul3A_264 = arith.muli %scan3A_258, %mul3A_263 : i32
        %add3A_265 = vector.broadcast %mul3A_264 : i32 to vector<16xi32>
        %add3A_266 = arith.addi %add3A_265, %iota3A : vector<16xi32>
        %lt3A_267 = vector.broadcast %scan3A_87 : i32 to vector<16xi32>
        %lt3A_268 = arith.cmpi slt, %add3A_266, %lt3A_267 : vector<16xi32>
        %shift_right_arithmetic3A_269 = arith.constant 8 : i32
        %shift_right_arithmetic3A_270 = vector.broadcast %shift_right_arithmetic3A_269 : i32 to vector<16xi32>
        %shift_right_arithmetic3A_271 = arith.shrsi %get3A_262, %shift_right_arithmetic3A_270 : vector<16xi32>
        %and3A_272 = arith.constant 4095 : i32
        %and3A_273 = vector.broadcast %and3A_272 : i32 to vector<16xi32>
        %and3A_274 = arith.andi %shift_right_arithmetic3A_271, %and3A_273 : vector<16xi32>
        %eq3A_275 = arith.cmpi eq, %and3A_274, %broadcast_in_dim3A_118 : vector<16xi32>
        %and3A_276 = arith.andi %eq3A_275, %lt3A_268 : vector<16xi1>
        %and3A_277 = arith.constant 255 : i32
        %and3A_278 = vector.broadcast %and3A_277 : i32 to vector<16xi32>
        %and3A_279 = arith.andi %get3A_262, %and3A_278 : vector<16xi32>
        tpu.vector_store_idx %arg5[%and3A_279], %broadcast_in_dim3A_37 masked %and3A_276 {add = true} : memref<4096xi32, #tpu.memory_space<vmem>>[vector<16xi32>], vector<16xi32>, vector<16xi1>
        %scan3A_280 = arith.constant 0 : i32
        %scan3A_281 = arith.constant 5 : i32
        %scan3A_282 = arith.addi %scan3A_162, %scan3A_281 : i32
        %mul3A_283 = arith.constant 16 : i32
        %mul3A_284 = arith.muli %scan3A_282, %mul3A_283 : i32
        %get3A_285 = arith.index_cast %mul3A_284 : i32 to index
        %get3A_286 = tpu.vector_load %arg10[%get3A_285] {strides = array<i32>} : memref<32784xi32, #tpu.memory_space<vmem>>, vector<16xi32>,
        %mul3A_287 = arith.constant 16 : i32
        %mul3A_288 = arith.muli %scan3A_282, %mul3A_287 : i32
        %add3A_289 = vector.broadcast %mul3A_288 : i32 to vector<16xi32>
        %add3A_290 = arith.addi %add3A_289, %iota3A : vector<16xi32>
        %lt3A_291 = vector.broadcast %scan3A_87 : i32 to vector<16xi32>
        %lt3A_292 = arith.cmpi slt, %add3A_290, %lt3A_291 : vector<16xi32>
        %shift_right_arithmetic3A_293 = arith.constant 8 : i32
        %shift_right_arithmetic3A_294 = vector.broadcast %shift_right_arithmetic3A_293 : i32 to vector<16xi32>
        %shift_right_arithmetic3A_295 = arith.shrsi %get3A_286, %shift_right_arithmetic3A_294 : vector<16xi32>
        %and3A_296 = arith.constant 4095 : i32
        %and3A_297 = vector.broadcast %and3A_296 : i32 to vector<16xi32>
        %and3A_298 = arith.andi %shift_right_arithmetic3A_295, %and3A_297 : vector<16xi32>
        %eq3A_299 = arith.cmpi eq, %and3A_298, %broadcast_in_dim3A_118 : vector<16xi32>
        %and3A_300 = arith.andi %eq3A_299, %lt3A_292 : vector<16xi1>
        %and3A_301 = arith.constant 255 : i32
        %and3A_302 = vector.broadcast %and3A_301 : i32 to vector<16xi32>
        %and3A_303 = arith.andi %get3A_286, %and3A_302 : vector<16xi32>
        tpu.vector_store_idx %arg5[%and3A_303], %broadcast_in_dim3A_37 masked %and3A_300 {add = true} : memref<4096xi32, #tpu.memory_space<vmem>>[vector<16xi32>], vector<16xi32>, vector<16xi1>
        %scan3A_304 = arith.constant 0 : i32
        %scan3A_305 = arith.constant 6 : i32
        %scan3A_306 = arith.addi %scan3A_162, %scan3A_305 : i32
        %mul3A_307 = arith.constant 16 : i32
        %mul3A_308 = arith.muli %scan3A_306, %mul3A_307 : i32
        %get3A_309 = arith.index_cast %mul3A_308 : i32 to index
        %get3A_310 = tpu.vector_load %arg10[%get3A_309] {strides = array<i32>} : memref<32784xi32, #tpu.memory_space<vmem>>, vector<16xi32>,
        %mul3A_311 = arith.constant 16 : i32
        %mul3A_312 = arith.muli %scan3A_306, %mul3A_311 : i32
        %add3A_313 = vector.broadcast %mul3A_312 : i32 to vector<16xi32>
        %add3A_314 = arith.addi %add3A_313, %iota3A : vector<16xi32>
        %lt3A_315 = vector.broadcast %scan3A_87 : i32 to vector<16xi32>
        %lt3A_316 = arith.cmpi slt, %add3A_314, %lt3A_315 : vector<16xi32>
        %shift_right_arithmetic3A_317 = arith.constant 8 : i32
        %shift_right_arithmetic3A_318 = vector.broadcast %shift_right_arithmetic3A_317 : i32 to vector<16xi32>
        %shift_right_arithmetic3A_319 = arith.shrsi %get3A_310, %shift_right_arithmetic3A_318 : vector<16xi32>
        %and3A_320 = arith.constant 4095 : i32
        %and3A_321 = vector.broadcast %and3A_320 : i32 to vector<16xi32>
        %and3A_322 = arith.andi %shift_right_arithmetic3A_319, %and3A_321 : vector<16xi32>
        %eq3A_323 = arith.cmpi eq, %and3A_322, %broadcast_in_dim3A_118 : vector<16xi32>
        %and3A_324 = arith.andi %eq3A_323, %lt3A_316 : vector<16xi1>
        %and3A_325 = arith.constant 255 : i32
        %and3A_326 = vector.broadcast %and3A_325 : i32 to vector<16xi32>
        %and3A_327 = arith.andi %get3A_310, %and3A_326 : vector<16xi32>
        tpu.vector_store_idx %arg5[%and3A_327], %broadcast_in_dim3A_37 masked %and3A_324 {add = true} : memref<4096xi32, #tpu.memory_space<vmem>>[vector<16xi32>], vector<16xi32>, vector<16xi1>
        %scan3A_328 = arith.constant 0 : i32
        %scan3A_329 = arith.constant 7 : i32
        %scan3A_330 = arith.addi %scan3A_162, %scan3A_329 : i32
        %mul3A_331 = arith.constant 16 : i32
        %mul3A_332 = arith.muli %scan3A_330, %mul3A_331 : i32
        %get3A_333 = arith.index_cast %mul3A_332 : i32 to index
        %get3A_334 = tpu.vector_load %arg10[%get3A_333] {strides = array<i32>} : memref<32784xi32, #tpu.memory_space<vmem>>, vector<16xi32>,
        %mul3A_335 = arith.constant 16 : i32
        %mul3A_336 = arith.muli %scan3A_330, %mul3A_335 : i32
        %add3A_337 = vector.broadcast %mul3A_336 : i32 to vector<16xi32>
        %add3A_338 = arith.addi %add3A_337, %iota3A : vector<16xi32>
        %lt3A_339 = vector.broadcast %scan3A_87 : i32 to vector<16xi32>
        %lt3A_340 = arith.cmpi slt, %add3A_338, %lt3A_339 : vector<16xi32>
        %shift_right_arithmetic3A_341 = arith.constant 8 : i32
        %shift_right_arithmetic3A_342 = vector.broadcast %shift_right_arithmetic3A_341 : i32 to vector<16xi32>
        %shift_right_arithmetic3A_343 = arith.shrsi %get3A_334, %shift_right_arithmetic3A_342 : vector<16xi32>
        %and3A_344 = arith.constant 4095 : i32
        %and3A_345 = vector.broadcast %and3A_344 : i32 to vector<16xi32>
        %and3A_346 = arith.andi %shift_right_arithmetic3A_343, %and3A_345 : vector<16xi32>
        %eq3A_347 = arith.cmpi eq, %and3A_346, %broadcast_in_dim3A_118 : vector<16xi32>
        %and3A_348 = arith.andi %eq3A_347, %lt3A_340 : vector<16xi1>
        %and3A_349 = arith.constant 255 : i32
        %and3A_350 = vector.broadcast %and3A_349 : i32 to vector<16xi32>
        %and3A_351 = arith.andi %get3A_334, %and3A_350 : vector<16xi32>
        tpu.vector_store_idx %arg5[%and3A_351], %broadcast_in_dim3A_37 masked %and3A_348 {add = true} : memref<4096xi32, #tpu.memory_space<vmem>>[vector<16xi32>], vector<16xi32>, vector<16xi1>
        %scan3A_352 = arith.constant 0 : i32
        scf.yield %scan3A_352 : i32
      }
      %scan3A_161 = arith.constant 2048 : i32
    } else {
    }
    %gt3A = arith.constant 32768 : i32
    %gt3A_121 = arith.cmpi sgt, %scan3A_87, %gt3A : i32
    %convert_element_type3A_122 = arith.extui %gt3A_121 : i1 to i32
    %cond3A_123 = arith.constant 0 : i32
    %cond3A_124 = arith.cmpi ne, %convert_element_type3A_122, %cond3A_123 : i32
    scf.if %cond3A_124 {
      %shift_left3A_155 = arith.constant 12 : i32
      %shift_left3A_156 = arith.shli %scan3A_70#1, %shift_left3A_155 : i32
      %or3A_157 = arith.ori %shift_left3A_156, %scan3A_108#1 : i32
      %broadcast_in_dim3A_158 = vector.broadcast %or3A_157 : i32 to vector<16xi32>
      %scan3A_159 = arith.constant 0 : i32
      %scan3A_160 = arith.constant 0 : i32
      %scan3A_161 = arith.constant 147 : i32
      %scan3A_162 = arith.addi %scan3A_160, %scan3A_161 : i32
      %scan3A_163 = arith.constant 1 : i32
      %scan3A_164 = scf.for %scan3A_166 = %scan3A_160 to %scan3A_162 step %scan3A_163 iter_args(%scan3A_167 = %scan3A_159) -> (i32)  : i32 {
        %mul3A_168 = arith.constant 8192 : i32
        %mul3A_169 = arith.muli %scan3A_166, %mul3A_168 : i32
        %add3A_170 = arith.addi %add3A_36, %mul3A_169 : i32
        "tpu.region"() ({
          %run_scoped3A = tpu.sem_alloc : memref<!tpu.dma_semaphore, #tpu.memory_space<semaphore_mem>>
          %dma_start3A = tpu.memref_slice %arg2[%add3A_170] : memref<38535168xi32, #tpu.memory_space<hbm>> -> memref<8192xi32, #tpu.memory_space<hbm>>
          %dma_start3A_179 = tpu.memref_slice %arg2[%add3A_170] : memref<38535168xi32, #tpu.memory_space<hbm>> -> memref<8192xi32, #tpu.memory_space<hbm>>
          tpu.enqueue_dma source(%dma_start3A_179 : memref<8192xi32, #tpu.memory_space<hbm>>) target(%arg6 : memref<8192xi32, #tpu.memory_space<vmem>>) target_semaphore(%run_scoped3A : memref<!tpu.dma_semaphore, #tpu.memory_space<semaphore_mem>>)
          %dma_wait3A = tpu.memref_slice %arg2[%add3A_170] : memref<38535168xi32, #tpu.memory_space<hbm>> -> memref<8192xi32, #tpu.memory_space<hbm>>
          %dma_wait3A_180 = tpu.memref_slice %arg2[%add3A_170] : memref<38535168xi32, #tpu.memory_space<hbm>> -> memref<8192xi32, #tpu.memory_space<hbm>>
          tpu.wait_dma2 semaphore(%run_scoped3A : memref<!tpu.dma_semaphore, #tpu.memory_space<semaphore_mem>>) src(%dma_wait3A_180 : memref<8192xi32, #tpu.memory_space<hbm>>) dst(%arg6 : memref<8192xi32, #tpu.memory_space<vmem>>)
          tpu.yield
        }) : () -> ()
        %scan3A_171 = arith.constant 0 : i32
        %scan3A_172 = arith.constant 0 : i32
        %scan3A_173 = arith.constant 512 : i32
        %scan3A_174 = arith.addi %scan3A_172, %scan3A_173 : i32
        %scan3A_175 = arith.constant 8 : i32
        %scan3A_176 = scf.for %scan3A_179 = %scan3A_172 to %scan3A_174 step %scan3A_175 iter_args(%scan3A_180 = %scan3A_171) -> (i32)  : i32 {
          %mul3A_181 = arith.constant 16 : i32
          %mul3A_182 = arith.muli %scan3A_179, %mul3A_181 : i32
          %get3A_183 = arith.index_cast %mul3A_182 : i32 to index
          %get3A_184 = tpu.vector_load %arg6[%get3A_183] {strides = array<i32>} : memref<8192xi32, #tpu.memory_space<vmem>>, vector<16xi32>,
          %shift_right_arithmetic3A = arith.constant 31 : i32
          %shift_right_arithmetic3A_185 = vector.broadcast %shift_right_arithmetic3A : i32 to vector<16xi32>
          %shift_right_arithmetic3A_186 = arith.shrsi %get3A_184, %shift_right_arithmetic3A_185 : vector<16xi32>
          %or3A_187 = vector.broadcast %squeeze3A : i32 to vector<16xi32>
          %or3A_188 = arith.ori %shift_right_arithmetic3A_186, %or3A_187 : vector<16xi32>
          %xor3A = arith.xori %get3A_184, %or3A_188 : vector<16xi32>
          %shift_right_arithmetic3A_189 = arith.constant 8 : i32
          %shift_right_arithmetic3A_190 = vector.broadcast %shift_right_arithmetic3A_189 : i32 to vector<16xi32>
          %shift_right_arithmetic3A_191 = arith.shrsi %xor3A, %shift_right_arithmetic3A_190 : vector<16xi32>
          %and3A_192 = arith.constant 16777215 : i32
          %and3A_193 = vector.broadcast %and3A_192 : i32 to vector<16xi32>
          %and3A_194 = arith.andi %shift_right_arithmetic3A_191, %and3A_193 : vector<16xi32>
          %eq3A_195 = arith.cmpi eq, %and3A_194, %broadcast_in_dim3A_158 : vector<16xi32>
          %and3A_196 = arith.constant 255 : i32
          %and3A_197 = vector.broadcast %and3A_196 : i32 to vector<16xi32>
          %and3A_198 = arith.andi %xor3A, %and3A_197 : vector<16xi32>
          tpu.vector_store_idx %arg5[%and3A_198], %broadcast_in_dim3A_37 masked %eq3A_195 {add = true} : memref<4096xi32, #tpu.memory_space<vmem>>[vector<16xi32>], vector<16xi32>, vector<16xi1>
          %scan3A_199 = arith.constant 0 : i32
          %scan3A_200 = arith.constant 1 : i32
          %scan3A_201 = arith.addi %scan3A_179, %scan3A_200 : i32
          %mul3A_202 = arith.constant 16 : i32
          %mul3A_203 = arith.muli %scan3A_201, %mul3A_202 : i32
          %get3A_204 = arith.index_cast %mul3A_203 : i32 to index
          %get3A_205 = tpu.vector_load %arg6[%get3A_204] {strides = array<i32>} : memref<8192xi32, #tpu.memory_space<vmem>>, vector<16xi32>,
          %shift_right_arithmetic3A_206 = arith.constant 31 : i32
          %shift_right_arithmetic3A_207 = vector.broadcast %shift_right_arithmetic3A_206 : i32 to vector<16xi32>
          %shift_right_arithmetic3A_208 = arith.shrsi %get3A_205, %shift_right_arithmetic3A_207 : vector<16xi32>
          %or3A_209 = vector.broadcast %squeeze3A : i32 to vector<16xi32>
          %or3A_210 = arith.ori %shift_right_arithmetic3A_208, %or3A_209 : vector<16xi32>
          %xor3A_211 = arith.xori %get3A_205, %or3A_210 : vector<16xi32>
          %shift_right_arithmetic3A_212 = arith.constant 8 : i32
          %shift_right_arithmetic3A_213 = vector.broadcast %shift_right_arithmetic3A_212 : i32 to vector<16xi32>
          %shift_right_arithmetic3A_214 = arith.shrsi %xor3A_211, %shift_right_arithmetic3A_213 : vector<16xi32>
          %and3A_215 = arith.constant 16777215 : i32
          %and3A_216 = vector.broadcast %and3A_215 : i32 to vector<16xi32>
          %and3A_217 = arith.andi %shift_right_arithmetic3A_214, %and3A_216 : vector<16xi32>
          %eq3A_218 = arith.cmpi eq, %and3A_217, %broadcast_in_dim3A_158 : vector<16xi32>
          %and3A_219 = arith.constant 255 : i32
          %and3A_220 = vector.broadcast %and3A_219 : i32 to vector<16xi32>
          %and3A_221 = arith.andi %xor3A_211, %and3A_220 : vector<16xi32>
          tpu.vector_store_idx %arg5[%and3A_221], %broadcast_in_dim3A_37 masked %eq3A_218 {add = true} : memref<4096xi32, #tpu.memory_space<vmem>>[vector<16xi32>], vector<16xi32>, vector<16xi1>
          %scan3A_222 = arith.constant 0 : i32
          %scan3A_223 = arith.constant 2 : i32
          %scan3A_224 = arith.addi %scan3A_179, %scan3A_223 : i32
          %mul3A_225 = arith.constant 16 : i32
          %mul3A_226 = arith.muli %scan3A_224, %mul3A_225 : i32
          %get3A_227 = arith.index_cast %mul3A_226 : i32 to index
          %get3A_228 = tpu.vector_load %arg6[%get3A_227] {strides = array<i32>} : memref<8192xi32, #tpu.memory_space<vmem>>, vector<16xi32>,
          %shift_right_arithmetic3A_229 = arith.constant 31 : i32
          %shift_right_arithmetic3A_230 = vector.broadcast %shift_right_arithmetic3A_229 : i32 to vector<16xi32>
          %shift_right_arithmetic3A_231 = arith.shrsi %get3A_228, %shift_right_arithmetic3A_230 : vector<16xi32>
          %or3A_232 = vector.broadcast %squeeze3A : i32 to vector<16xi32>
          %or3A_233 = arith.ori %shift_right_arithmetic3A_231, %or3A_232 : vector<16xi32>
          %xor3A_234 = arith.xori %get3A_228, %or3A_233 : vector<16xi32>
          %shift_right_arithmetic3A_235 = arith.constant 8 : i32
          %shift_right_arithmetic3A_236 = vector.broadcast %shift_right_arithmetic3A_235 : i32 to vector<16xi32>
          %shift_right_arithmetic3A_237 = arith.shrsi %xor3A_234, %shift_right_arithmetic3A_236 : vector<16xi32>
          %and3A_238 = arith.constant 16777215 : i32
          %and3A_239 = vector.broadcast %and3A_238 : i32 to vector<16xi32>
          %and3A_240 = arith.andi %shift_right_arithmetic3A_237, %and3A_239 : vector<16xi32>
          %eq3A_241 = arith.cmpi eq, %and3A_240, %broadcast_in_dim3A_158 : vector<16xi32>
          %and3A_242 = arith.constant 255 : i32
          %and3A_243 = vector.broadcast %and3A_242 : i32 to vector<16xi32>
          %and3A_244 = arith.andi %xor3A_234, %and3A_243 : vector<16xi32>
          tpu.vector_store_idx %arg5[%and3A_244], %broadcast_in_dim3A_37 masked %eq3A_241 {add = true} : memref<4096xi32, #tpu.memory_space<vmem>>[vector<16xi32>], vector<16xi32>, vector<16xi1>
          %scan3A_245 = arith.constant 0 : i32
          %scan3A_246 = arith.constant 3 : i32
          %scan3A_247 = arith.addi %scan3A_179, %scan3A_246 : i32
          %mul3A_248 = arith.constant 16 : i32
          %mul3A_249 = arith.muli %scan3A_247, %mul3A_248 : i32
          %get3A_250 = arith.index_cast %mul3A_249 : i32 to index
          %get3A_251 = tpu.vector_load %arg6[%get3A_250] {strides = array<i32>} : memref<8192xi32, #tpu.memory_space<vmem>>, vector<16xi32>,
          %shift_right_arithmetic3A_252 = arith.constant 31 : i32
          %shift_right_arithmetic3A_253 = vector.broadcast %shift_right_arithmetic3A_252 : i32 to vector<16xi32>
          %shift_right_arithmetic3A_254 = arith.shrsi %get3A_251, %shift_right_arithmetic3A_253 : vector<16xi32>
          %or3A_255 = vector.broadcast %squeeze3A : i32 to vector<16xi32>
          %or3A_256 = arith.ori %shift_right_arithmetic3A_254, %or3A_255 : vector<16xi32>
          %xor3A_257 = arith.xori %get3A_251, %or3A_256 : vector<16xi32>
          %shift_right_arithmetic3A_258 = arith.constant 8 : i32
          %shift_right_arithmetic3A_259 = vector.broadcast %shift_right_arithmetic3A_258 : i32 to vector<16xi32>
          %shift_right_arithmetic3A_260 = arith.shrsi %xor3A_257, %shift_right_arithmetic3A_259 : vector<16xi32>
          %and3A_261 = arith.constant 16777215 : i32
          %and3A_262 = vector.broadcast %and3A_261 : i32 to vector<16xi32>
          %and3A_263 = arith.andi %shift_right_arithmetic3A_260, %and3A_262 : vector<16xi32>
          %eq3A_264 = arith.cmpi eq, %and3A_263, %broadcast_in_dim3A_158 : vector<16xi32>
          %and3A_265 = arith.constant 255 : i32
          %and3A_266 = vector.broadcast %and3A_265 : i32 to vector<16xi32>
          %and3A_267 = arith.andi %xor3A_257, %and3A_266 : vector<16xi32>
          tpu.vector_store_idx %arg5[%and3A_267], %broadcast_in_dim3A_37 masked %eq3A_264 {add = true} : memref<4096xi32, #tpu.memory_space<vmem>>[vector<16xi32>], vector<16xi32>, vector<16xi1>
          %scan3A_268 = arith.constant 0 : i32
          %scan3A_269 = arith.constant 4 : i32
          %scan3A_270 = arith.addi %scan3A_179, %scan3A_269 : i32
          %mul3A_271 = arith.constant 16 : i32
          %mul3A_272 = arith.muli %scan3A_270, %mul3A_271 : i32
          %get3A_273 = arith.index_cast %mul3A_272 : i32 to index
          %get3A_274 = tpu.vector_load %arg6[%get3A_273] {strides = array<i32>} : memref<8192xi32, #tpu.memory_space<vmem>>, vector<16xi32>,
          %shift_right_arithmetic3A_275 = arith.constant 31 : i32
          %shift_right_arithmetic3A_276 = vector.broadcast %shift_right_arithmetic3A_275 : i32 to vector<16xi32>
          %shift_right_arithmetic3A_277 = arith.shrsi %get3A_274, %shift_right_arithmetic3A_276 : vector<16xi32>
          %or3A_278 = vector.broadcast %squeeze3A : i32 to vector<16xi32>
          %or3A_279 = arith.ori %shift_right_arithmetic3A_277, %or3A_278 : vector<16xi32>
          %xor3A_280 = arith.xori %get3A_274, %or3A_279 : vector<16xi32>
          %shift_right_arithmetic3A_281 = arith.constant 8 : i32
          %shift_right_arithmetic3A_282 = vector.broadcast %shift_right_arithmetic3A_281 : i32 to vector<16xi32>
          %shift_right_arithmetic3A_283 = arith.shrsi %xor3A_280, %shift_right_arithmetic3A_282 : vector<16xi32>
          %and3A_284 = arith.constant 16777215 : i32
          %and3A_285 = vector.broadcast %and3A_284 : i32 to vector<16xi32>
          %and3A_286 = arith.andi %shift_right_arithmetic3A_283, %and3A_285 : vector<16xi32>
          %eq3A_287 = arith.cmpi eq, %and3A_286, %broadcast_in_dim3A_158 : vector<16xi32>
          %and3A_288 = arith.constant 255 : i32
          %and3A_289 = vector.broadcast %and3A_288 : i32 to vector<16xi32>
          %and3A_290 = arith.andi %xor3A_280, %and3A_289 : vector<16xi32>
          tpu.vector_store_idx %arg5[%and3A_290], %broadcast_in_dim3A_37 masked %eq3A_287 {add = true} : memref<4096xi32, #tpu.memory_space<vmem>>[vector<16xi32>], vector<16xi32>, vector<16xi1>
          %scan3A_291 = arith.constant 0 : i32
          %scan3A_292 = arith.constant 5 : i32
          %scan3A_293 = arith.addi %scan3A_179, %scan3A_292 : i32
          %mul3A_294 = arith.constant 16 : i32
          %mul3A_295 = arith.muli %scan3A_293, %mul3A_294 : i32
          %get3A_296 = arith.index_cast %mul3A_295 : i32 to index
          %get3A_297 = tpu.vector_load %arg6[%get3A_296] {strides = array<i32>} : memref<8192xi32, #tpu.memory_space<vmem>>, vector<16xi32>,
          %shift_right_arithmetic3A_298 = arith.constant 31 : i32
          %shift_right_arithmetic3A_299 = vector.broadcast %shift_right_arithmetic3A_298 : i32 to vector<16xi32>
          %shift_right_arithmetic3A_300 = arith.shrsi %get3A_297, %shift_right_arithmetic3A_299 : vector<16xi32>
          %or3A_301 = vector.broadcast %squeeze3A : i32 to vector<16xi32>
          %or3A_302 = arith.ori %shift_right_arithmetic3A_300, %or3A_301 : vector<16xi32>
          %xor3A_303 = arith.xori %get3A_297, %or3A_302 : vector<16xi32>
          %shift_right_arithmetic3A_304 = arith.constant 8 : i32
          %shift_right_arithmetic3A_305 = vector.broadcast %shift_right_arithmetic3A_304 : i32 to vector<16xi32>
          %shift_right_arithmetic3A_306 = arith.shrsi %xor3A_303, %shift_right_arithmetic3A_305 : vector<16xi32>
          %and3A_307 = arith.constant 16777215 : i32
          %and3A_308 = vector.broadcast %and3A_307 : i32 to vector<16xi32>
          %and3A_309 = arith.andi %shift_right_arithmetic3A_306, %and3A_308 : vector<16xi32>
          %eq3A_310 = arith.cmpi eq, %and3A_309, %broadcast_in_dim3A_158 : vector<16xi32>
          %and3A_311 = arith.constant 255 : i32
          %and3A_312 = vector.broadcast %and3A_311 : i32 to vector<16xi32>
          %and3A_313 = arith.andi %xor3A_303, %and3A_312 : vector<16xi32>
          tpu.vector_store_idx %arg5[%and3A_313], %broadcast_in_dim3A_37 masked %eq3A_310 {add = true} : memref<4096xi32, #tpu.memory_space<vmem>>[vector<16xi32>], vector<16xi32>, vector<16xi1>
          %scan3A_314 = arith.constant 0 : i32
          %scan3A_315 = arith.constant 6 : i32
          %scan3A_316 = arith.addi %scan3A_179, %scan3A_315 : i32
          %mul3A_317 = arith.constant 16 : i32
          %mul3A_318 = arith.muli %scan3A_316, %mul3A_317 : i32
          %get3A_319 = arith.index_cast %mul3A_318 : i32 to index
          %get3A_320 = tpu.vector_load %arg6[%get3A_319] {strides = array<i32>} : memref<8192xi32, #tpu.memory_space<vmem>>, vector<16xi32>,
          %shift_right_arithmetic3A_321 = arith.constant 31 : i32
          %shift_right_arithmetic3A_322 = vector.broadcast %shift_right_arithmetic3A_321 : i32 to vector<16xi32>
          %shift_right_arithmetic3A_323 = arith.shrsi %get3A_320, %shift_right_arithmetic3A_322 : vector<16xi32>
          %or3A_324 = vector.broadcast %squeeze3A : i32 to vector<16xi32>
          %or3A_325 = arith.ori %shift_right_arithmetic3A_323, %or3A_324 : vector<16xi32>
          %xor3A_326 = arith.xori %get3A_320, %or3A_325 : vector<16xi32>
          %shift_right_arithmetic3A_327 = arith.constant 8 : i32
          %shift_right_arithmetic3A_328 = vector.broadcast %shift_right_arithmetic3A_327 : i32 to vector<16xi32>
          %shift_right_arithmetic3A_329 = arith.shrsi %xor3A_326, %shift_right_arithmetic3A_328 : vector<16xi32>
          %and3A_330 = arith.constant 16777215 : i32
          %and3A_331 = vector.broadcast %and3A_330 : i32 to vector<16xi32>
          %and3A_332 = arith.andi %shift_right_arithmetic3A_329, %and3A_331 : vector<16xi32>
          %eq3A_333 = arith.cmpi eq, %and3A_332, %broadcast_in_dim3A_158 : vector<16xi32>
          %and3A_334 = arith.constant 255 : i32
          %and3A_335 = vector.broadcast %and3A_334 : i32 to vector<16xi32>
          %and3A_336 = arith.andi %xor3A_326, %and3A_335 : vector<16xi32>
          tpu.vector_store_idx %arg5[%and3A_336], %broadcast_in_dim3A_37 masked %eq3A_333 {add = true} : memref<4096xi32, #tpu.memory_space<vmem>>[vector<16xi32>], vector<16xi32>, vector<16xi1>
          %scan3A_337 = arith.constant 0 : i32
          %scan3A_338 = arith.constant 7 : i32
          %scan3A_339 = arith.addi %scan3A_179, %scan3A_338 : i32
          %mul3A_340 = arith.constant 16 : i32
          %mul3A_341 = arith.muli %scan3A_339, %mul3A_340 : i32
          %get3A_342 = arith.index_cast %mul3A_341 : i32 to index
          %get3A_343 = tpu.vector_load %arg6[%get3A_342] {strides = array<i32>} : memref<8192xi32, #tpu.memory_space<vmem>>, vector<16xi32>,
          %shift_right_arithmetic3A_344 = arith.constant 31 : i32
          %shift_right_arithmetic3A_345 = vector.broadcast %shift_right_arithmetic3A_344 : i32 to vector<16xi32>
          %shift_right_arithmetic3A_346 = arith.shrsi %get3A_343, %shift_right_arithmetic3A_345 : vector<16xi32>
          %or3A_347 = vector.broadcast %squeeze3A : i32 to vector<16xi32>
          %or3A_348 = arith.ori %shift_right_arithmetic3A_346, %or3A_347 : vector<16xi32>
          %xor3A_349 = arith.xori %get3A_343, %or3A_348 : vector<16xi32>
          %shift_right_arithmetic3A_350 = arith.constant 8 : i32
          %shift_right_arithmetic3A_351 = vector.broadcast %shift_right_arithmetic3A_350 : i32 to vector<16xi32>
          %shift_right_arithmetic3A_352 = arith.shrsi %xor3A_349, %shift_right_arithmetic3A_351 : vector<16xi32>
          %and3A_353 = arith.constant 16777215 : i32
          %and3A_354 = vector.broadcast %and3A_353 : i32 to vector<16xi32>
          %and3A_355 = arith.andi %shift_right_arithmetic3A_352, %and3A_354 : vector<16xi32>
          %eq3A_356 = arith.cmpi eq, %and3A_355, %broadcast_in_dim3A_158 : vector<16xi32>
          %and3A_357 = arith.constant 255 : i32
          %and3A_358 = vector.broadcast %and3A_357 : i32 to vector<16xi32>
          %and3A_359 = arith.andi %xor3A_349, %and3A_358 : vector<16xi32>
          tpu.vector_store_idx %arg5[%and3A_359], %broadcast_in_dim3A_37 masked %eq3A_356 {add = true} : memref<4096xi32, #tpu.memory_space<vmem>>[vector<16xi32>], vector<16xi32>, vector<16xi1>
          %scan3A_360 = arith.constant 0 : i32
          scf.yield %scan3A_360 : i32
        }
        %scan3A_177 = arith.constant 512 : i32
        %scan3A_178 = arith.constant 0 : i32
        scf.yield %scan3A_178 : i32
      }
      %scan3A_165 = arith.constant 147 : i32
    } else {
    }
    "tpu.region"() ({
      %run_scoped3A = tpu.sem_alloc : memref<!tpu.dma_semaphore, #tpu.memory_space<semaphore_mem>>
      %dma_start3A = arith.constant 0 : i32
      %dma_start3A_155 = tpu.memref_slice %arg11[%arg1, %dma_start3A] : memref<16x4096xi32, #tpu.memory_space<vmem_shared>> -> memref<1x4096xi32, #tpu.memory_space<vmem_shared>>
      %dma_start3A_156 = tpu.memref_squeeze %dma_start3A_155 : memref<1x4096xi32, #tpu.memory_space<vmem_shared>> -> memref<4096xi32, #tpu.memory_space<vmem_shared>>
      %dma_start3A_157 = arith.constant 0 : i32
      %dma_start3A_158 = tpu.memref_slice %arg11[%arg1, %dma_start3A_157] : memref<16x4096xi32, #tpu.memory_space<vmem_shared>> -> memref<1x4096xi32, #tpu.memory_space<vmem_shared>>
      %dma_start3A_159 = tpu.memref_squeeze %dma_start3A_158 : memref<1x4096xi32, #tpu.memory_space<vmem_shared>> -> memref<4096xi32, #tpu.memory_space<vmem_shared>>
      tpu.enqueue_dma source(%arg5 : memref<4096xi32, #tpu.memory_space<vmem>>) target(%dma_start3A_159 : memref<4096xi32, #tpu.memory_space<vmem_shared>>) target_semaphore(%run_scoped3A : memref<!tpu.dma_semaphore, #tpu.memory_space<semaphore_mem>>)
      %dma_wait3A = arith.constant 0 : i32
      %dma_wait3A_160 = tpu.memref_slice %arg11[%arg1, %dma_wait3A] : memref<16x4096xi32, #tpu.memory_space<vmem_shared>> -> memref<1x4096xi32, #tpu.memory_space<vmem_shared>>
      %dma_wait3A_161 = tpu.memref_squeeze %dma_wait3A_160 : memref<1x4096xi32, #tpu.memory_space<vmem_shared>> -> memref<4096xi32, #tpu.memory_space<vmem_shared>>
      %dma_wait3A_162 = arith.constant 0 : i32
      %dma_wait3A_163 = tpu.memref_slice %arg11[%arg1, %dma_wait3A_162] : memref<16x4096xi32, #tpu.memory_space<vmem_shared>> -> memref<1x4096xi32, #tpu.memory_space<vmem_shared>>
      %dma_wait3A_164 = tpu.memref_squeeze %dma_wait3A_163 : memref<1x4096xi32, #tpu.memory_space<vmem_shared>> -> memref<4096xi32, #tpu.memory_space<vmem_shared>>
      tpu.wait_dma2 semaphore(%run_scoped3A : memref<!tpu.dma_semaphore, #tpu.memory_space<semaphore_mem>>) src(%arg5 : memref<4096xi32, #tpu.memory_space<vmem>>) dst(%dma_wait3A_164 : memref<4096xi32, #tpu.memory_space<vmem_shared>>)
      tpu.yield
    }) : () -> ()
    %barrier3A_125 = arith.constant 0 : index
    tpu.barrier barrier_id(%barrier3A_125)
    %mul3A_126 = arith.constant 4 : i32
    %mul3A_127 = arith.muli %select_n3A, %mul3A_126 : i32
    "tpu.region"() ({
      %run_scoped3A = tpu.sem_alloc : memref<!tpu.dma_semaphore, #tpu.memory_space<semaphore_mem>>
      %dma_start3A = arith.constant 0 : i32
      %dma_start3A_155 = tpu.memref_slice %arg11[%mul3A_127, %dma_start3A] : memref<16x4096xi32, #tpu.memory_space<vmem_shared>> -> memref<4x4096xi32, #tpu.memory_space<vmem_shared>>
      %dma_start3A_156 = arith.constant 0 : i32
      %dma_start3A_157 = tpu.memref_slice %arg11[%mul3A_127, %dma_start3A_156] : memref<16x4096xi32, #tpu.memory_space<vmem_shared>> -> memref<4x4096xi32, #tpu.memory_space<vmem_shared>>
      tpu.enqueue_dma source(%dma_start3A_157 : memref<4x4096xi32, #tpu.memory_space<vmem_shared>>) target(%arg8 : memref<4x4096xi32, #tpu.memory_space<vmem>>) target_semaphore(%run_scoped3A : memref<!tpu.dma_semaphore, #tpu.memory_space<semaphore_mem>>)
      %dma_wait3A = arith.constant 0 : i32
      %dma_wait3A_158 = tpu.memref_slice %arg11[%mul3A_127, %dma_wait3A] : memref<16x4096xi32, #tpu.memory_space<vmem_shared>> -> memref<4x4096xi32, #tpu.memory_space<vmem_shared>>
      %dma_wait3A_159 = arith.constant 0 : i32
      %dma_wait3A_160 = tpu.memref_slice %arg11[%mul3A_127, %dma_wait3A_159] : memref<16x4096xi32, #tpu.memory_space<vmem_shared>> -> memref<4x4096xi32, #tpu.memory_space<vmem_shared>>
      tpu.wait_dma2 semaphore(%run_scoped3A : memref<!tpu.dma_semaphore, #tpu.memory_space<semaphore_mem>>) src(%dma_wait3A_160 : memref<4x4096xi32, #tpu.memory_space<vmem_shared>>) dst(%arg8 : memref<4x4096xi32, #tpu.memory_space<vmem>>)
      tpu.yield
    }) : () -> ()
    %scan3A_128 = arith.constant 0 : i32
    %scan3A_129 = arith.constant 0 : i32
    %scan3A_130 = arith.constant 256 : i32
    %scan3A_131 = arith.addi %scan3A_129, %scan3A_130 : i32
    %scan3A_132 = arith.constant 1 : i32
    %scan3A_133 = scf.for %scan3A_155 = %scan3A_129 to %scan3A_131 step %scan3A_132 iter_args(%scan3A_156 = %scan3A_128) -> (i32)  : i32 {
      %mul3A_157 = arith.constant 16 : i32
      %mul3A_158 = arith.muli %scan3A_155, %mul3A_157 : i32
      %get3A_159 = arith.constant 0 : i32
      %get3A_160 = arith.index_cast %get3A_159 : i32 to index
      %get3A_161 = arith.index_cast %mul3A_158 : i32 to index
      %get3A_162 = tpu.vector_load %arg8[%get3A_160, %get3A_161] {strides = array<i32>} : memref<4x4096xi32, #tpu.memory_space<vmem>>, vector<16xi32>,
      %mul3A_163 = arith.constant 16 : i32
      %mul3A_164 = arith.muli %scan3A_155, %mul3A_163 : i32
      %get3A_165 = arith.constant 1 : i32
      %get3A_166 = arith.index_cast %get3A_165 : i32 to index
      %get3A_167 = arith.index_cast %mul3A_164 : i32 to index
      %get3A_168 = tpu.vector_load %arg8[%get3A_166, %get3A_167] {strides = array<i32>} : memref<4x4096xi32, #tpu.memory_space<vmem>>, vector<16xi32>,
      %add3A_169 = arith.addi %get3A_162, %get3A_168 : vector<16xi32>
      %mul3A_170 = arith.constant 16 : i32
      %mul3A_171 = arith.muli %scan3A_155, %mul3A_170 : i32
      %get3A_172 = arith.constant 2 : i32
      %get3A_173 = arith.index_cast %get3A_172 : i32 to index
      %get3A_174 = arith.index_cast %mul3A_171 : i32 to index
      %get3A_175 = tpu.vector_load %arg8[%get3A_173, %get3A_174] {strides = array<i32>} : memref<4x4096xi32, #tpu.memory_space<vmem>>, vector<16xi32>,
      %add3A_176 = arith.addi %add3A_169, %get3A_175 : vector<16xi32>
      %mul3A_177 = arith.constant 16 : i32
      %mul3A_178 = arith.muli %scan3A_155, %mul3A_177 : i32
      %get3A_179 = arith.constant 3 : i32
      %get3A_180 = arith.index_cast %get3A_179 : i32 to index
      %get3A_181 = arith.index_cast %mul3A_178 : i32 to index
      %get3A_182 = tpu.vector_load %arg8[%get3A_180, %get3A_181] {strides = array<i32>} : memref<4x4096xi32, #tpu.memory_space<vmem>>, vector<16xi32>,
      %add3A_183 = arith.addi %add3A_176, %get3A_182 : vector<16xi32>
      %mul3A_184 = arith.constant 16 : i32
      %mul3A_185 = arith.muli %scan3A_155, %mul3A_184 : i32
      %swap3A = arith.index_cast %mul3A_185 : i32 to index
      %swap3A_186 = tpu.vector_load %arg7[%swap3A] {strides = array<i32>} : memref<4096xi32, #tpu.memory_space<vmem>>, vector<16xi32>,
      tpu.vector_store %arg7[%swap3A], %add3A_183 {strides = array<i32>} : memref<4096xi32, #tpu.memory_space<vmem>>, vector<16xi32>,
      %scan3A_187 = arith.constant 0 : i32
      scf.yield %scan3A_187 : i32
    }
    %scan3A_134 = arith.constant 256 : i32
    %barrier3A_135 = arith.constant 0 : index
    tpu.barrier barrier_id(%barrier3A_135)
    %scan3A_136 = arith.constant 0 : i32
    %scan3A_137 = arith.constant 0 : i32
    %scan3A_138 = arith.constant 0 : i32
    %scan3A_139 = arith.constant 0 : i32
    %scan3A_140 = arith.constant 0 : i32
    %scan3A_141 = arith.constant 256 : i32
    %scan3A_142 = arith.addi %scan3A_140, %scan3A_141 : i32
    %scan3A_143 = arith.constant 1 : i32
    %scan3A_144:4 = scf.for %scan3A_155 = %scan3A_140 to %scan3A_142 step %scan3A_143 iter_args(%scan3A_156 = %scan3A_136, %scan3A_157 = %scan3A_137, %scan3A_158 = %scan3A_138, %scan3A_159 = %scan3A_139) -> (i32, i32, i32, i32)  : i32 {
      %mul3A_160 = arith.constant 16 : i32
      %mul3A_161 = arith.muli %scan3A_155, %mul3A_160 : i32
      %get3A_162 = arith.index_cast %mul3A_161 : i32 to index
      %get3A_163 = tpu.vector_load %arg7[%get3A_162] {strides = array<i32>} : memref<4096xi32, #tpu.memory_space<vmem>>, vector<16xi32>,
      %broadcast_in_dim3A_164 = arith.constant true
      %broadcast_in_dim3A_165 = vector.broadcast %broadcast_in_dim3A_164 : i1 to vector<16xi1>
      %masked_cumsum3A = tpu.scan <sum>, %get3A_163 masked %broadcast_in_dim3A_165 : vector<16xi32>, vector<16xi1> -> vector<16xi32>
      %add3A_166 = vector.broadcast %scan3A_159 : i32 to vector<16xi32>
      %add3A_167 = arith.addi %add3A_166, %masked_cumsum3A : vector<16xi32>
      %ge3A = vector.broadcast %sub3A_110 : i32 to vector<16xi32>
      %ge3A_168 = arith.cmpi sge, %add3A_167, %ge3A : vector<16xi32>
      %convert_element_type3A_169 = arith.extui %ge3A_168 : vector<16xi1> to vector<16xi32>
      %reduce_sum3A = arith.constant true
      %reduce_sum3A_170 = vector.broadcast %reduce_sum3A : i1 to vector<16xi1>
      %reduce_sum3A_171 = tpu.scan <sum>, %convert_element_type3A_169 masked %reduce_sum3A_170 : vector<16xi32>, vector<16xi1> -> vector<16xi32>
      %reduce_sum3A_172 = vector.extract %reduce_sum3A_171[15] : i32 from vector<16xi32>
      %jit3A_173 = arith.constant 16 : i32
      %broadcast_in_dim3A_174 = vector.broadcast %jit3A_173 : i32 to vector<16xi32>
      %select_n3A_175 = arith.select %ge3A_168, %iota3A, %broadcast_in_dim3A_174 : vector<16xi1>, vector<16xi32>
      %reduce_min3A = arith.constant true
      %reduce_min3A_176 = vector.broadcast %reduce_min3A : i1 to vector<16xi1>
      %reduce_min3A_177 = arith.constant -2147483648 : i32
      %reduce_min3A_178 = vector.broadcast %reduce_min3A_177 : i32 to vector<16xi32>
      %reduce_min3A_179 = arith.xori %select_n3A_175, %reduce_min3A_178 : vector<16xi32>
      %reduce_min3A_180 = tpu.scan <min>, %reduce_min3A_179 masked %reduce_min3A_176 : vector<16xi32>, vector<16xi1> -> vector<16xi32>
      %reduce_min3A_181 = arith.xori %reduce_min3A_180, %reduce_min3A_178 : vector<16xi32>
      %reduce_min3A_182 = vector.extract %reduce_min3A_181[15] : i32 from vector<16xi32>
      %lt3A_183 = vector.broadcast %reduce_min3A_182 : i32 to vector<16xi32>
      %lt3A_184 = arith.cmpi slt, %iota3A, %lt3A_183 : vector<16xi32>
      %jit3A_185 = arith.constant 0 : i32
      %broadcast_in_dim3A_186 = vector.broadcast %jit3A_185 : i32 to vector<16xi32>
      %select_n3A_187 = arith.select %lt3A_184, %get3A_163, %broadcast_in_dim3A_186 : vector<16xi1>, vector<16xi32>
      %reduce_sum3A_188 = arith.constant true
      %reduce_sum3A_189 = vector.broadcast %reduce_sum3A_188 : i1 to vector<16xi1>
      %reduce_sum3A_190 = tpu.scan <sum>, %select_n3A_187 masked %reduce_sum3A_189 : vector<16xi32>, vector<16xi1> -> vector<16xi32>
      %reduce_sum3A_191 = vector.extract %reduce_sum3A_190[15] : i32 from vector<16xi32>
      %add3A_192 = arith.addi %scan3A_159, %reduce_sum3A_191 : i32
      %gt3A_193 = arith.constant 0 : i32
      %gt3A_194 = arith.cmpi sgt, %reduce_sum3A_172, %gt3A_193 : i32
      %eq3A_195 = arith.constant 0 : i32
      %eq3A_196 = arith.cmpi eq, %scan3A_156, %eq3A_195 : i32
      %and3A_197 = arith.andi %gt3A_194, %eq3A_196 : i1
      %mul3A_198 = arith.constant 16 : i32
      %mul3A_199 = arith.muli %scan3A_155, %mul3A_198 : i32
      %add3A_200 = arith.addi %mul3A_199, %reduce_min3A_182 : i32
      %select_n3A_201 = arith.select %and3A_197, %add3A_200, %scan3A_157 : i32
      %select_n3A_202 = arith.select %and3A_197, %add3A_192, %scan3A_158 : i32
      %gt3A_203 = arith.constant 0 : i32
      %gt3A_204 = arith.cmpi sgt, %reduce_sum3A_172, %gt3A_203 : i32
      %jit3A_205 = arith.constant 1 : i32
      %select_n3A_206 = arith.select %gt3A_204, %jit3A_205, %scan3A_156 : i32
      %reduce_sum3A_207 = arith.constant true
      %reduce_sum3A_208 = vector.broadcast %reduce_sum3A_207 : i1 to vector<16xi1>
      %reduce_sum3A_209 = tpu.scan <sum>, %get3A_163 masked %reduce_sum3A_208 : vector<16xi32>, vector<16xi1> -> vector<16xi32>
      %reduce_sum3A_210 = vector.extract %reduce_sum3A_209[15] : i32 from vector<16xi32>
      %add3A_211 = arith.addi %scan3A_159, %reduce_sum3A_210 : i32
      scf.yield %select_n3A_206, %select_n3A_201, %select_n3A_202, %add3A_211 : i32, i32, i32, i32
    }
    %scan3A_145 = arith.constant 256 : i32
    %shift_left3A = arith.constant 20 : i32
    %shift_left3A_146 = arith.shli %scan3A_70#1, %shift_left3A : i32
    %shift_left3A_147 = arith.constant 8 : i32
    %shift_left3A_148 = arith.shli %scan3A_108#1, %shift_left3A_147 : i32
    %or3A = arith.ori %shift_left3A_146, %shift_left3A_148 : i32
    %or3A_149 = arith.ori %or3A, %scan3A_144#1 : i32
    %eq3A_150 = arith.constant 0 : i32
    %eq3A_151 = arith.cmpi eq, %select_n3A_31, %eq3A_150 : i32
    %convert_element_type3A_152 = arith.extui %eq3A_151 : i1 to i32
    %cond3A_153 = arith.constant 0 : i32
    %cond3A_154 = arith.cmpi ne, %convert_element_type3A_152, %cond3A_153 : i32
    scf.if %cond3A_154 {
      %broadcast_in_dim3A_155 = vector.broadcast %or3A_149 : i32 to vector<16xi32>
      %swap3A = arith.constant 0 : index
      %swap3A_156 = tpu.vector_load %arg9[%swap3A] {strides = array<i32>} : memref<16xi32, #tpu.memory_space<vmem>>, vector<16xi32>,
      tpu.vector_store %arg9[%swap3A], %broadcast_in_dim3A_155 {strides = array<i32>} : memref<16xi32, #tpu.memory_space<vmem>>, vector<16xi32>,
      "tpu.region"() ({
        %run_scoped3A = tpu.sem_alloc : memref<!tpu.dma_semaphore, #tpu.memory_space<semaphore_mem>>
        %dma_start3A = arith.constant 0 : i32
        %dma_start3A_157 = tpu.memref_slice %arg4[%add3A, %dma_start3A] : memref<8x16xi32, #tpu.memory_space<hbm>> -> memref<1x16xi32, #tpu.memory_space<hbm>>
        %dma_start3A_158 = tpu.memref_squeeze %dma_start3A_157 : memref<1x16xi32, #tpu.memory_space<hbm>> -> memref<16xi32, #tpu.memory_space<hbm>>
        %dma_start3A_159 = arith.constant 0 : i32
        %dma_start3A_160 = tpu.memref_slice %arg4[%add3A, %dma_start3A_159] : memref<8x16xi32, #tpu.memory_space<hbm>> -> memref<1x16xi32, #tpu.memory_space<hbm>>
        %dma_start3A_161 = tpu.memref_squeeze %dma_start3A_160 : memref<1x16xi32, #tpu.memory_space<hbm>> -> memref<16xi32, #tpu.memory_space<hbm>>
        tpu.enqueue_dma source(%arg9 : memref<16xi32, #tpu.memory_space<vmem>>) target(%dma_start3A_161 : memref<16xi32, #tpu.memory_space<hbm>>) target_semaphore(%run_scoped3A : memref<!tpu.dma_semaphore, #tpu.memory_space<semaphore_mem>>)
        %dma_wait3A = arith.constant 0 : i32
        %dma_wait3A_162 = tpu.memref_slice %arg4[%add3A, %dma_wait3A] : memref<8x16xi32, #tpu.memory_space<hbm>> -> memref<1x16xi32, #tpu.memory_space<hbm>>
        %dma_wait3A_163 = tpu.memref_squeeze %dma_wait3A_162 : memref<1x16xi32, #tpu.memory_space<hbm>> -> memref<16xi32, #tpu.memory_space<hbm>>
        %dma_wait3A_164 = arith.constant 0 : i32
        %dma_wait3A_165 = tpu.memref_slice %arg4[%add3A, %dma_wait3A_164] : memref<8x16xi32, #tpu.memory_space<hbm>> -> memref<1x16xi32, #tpu.memory_space<hbm>>
        %dma_wait3A_166 = tpu.memref_squeeze %dma_wait3A_165 : memref<1x16xi32, #tpu.memory_space<hbm>> -> memref<16xi32, #tpu.memory_space<hbm>>
        tpu.wait_dma2 semaphore(%run_scoped3A : memref<!tpu.dma_semaphore, #tpu.memory_space<semaphore_mem>>) src(%arg9 : memref<16xi32, #tpu.memory_space<vmem>>) dst(%dma_wait3A_166 : memref<16xi32, #tpu.memory_space<hbm>>)
        tpu.yield
      }) : () -> ()
    } else {
    }
    return
  }
}

module attributes {stable_mosaic.version = 14 : i64} {
  func.func @_mask_body(%arg0: i32, %arg1: i32, %arg2: memref<1x96x6272xf32, #tpu.memory_space<vmem>>, %arg3: memref<1x1x16xf32, #tpu.memory_space<vmem>>, %arg4: memref<1x96x6272xf32, #tpu.memory_space<vmem>>) attributes {dimension_semantics = [#tpu.dimension_semantics<arbitrary>, #tpu.dimension_semantics<arbitrary>], iteration_bounds = array<i64: 8, 8>, scalar_prefetch = 0 : i64, scratch_operands = 0 : i64, tpu.core_type = #tpu.core_type<tc>, window_params = [{transform_indices = @transform_0, window_bounds = array<i64: 1, 96, 6272>}, {transform_indices = @transform_1, window_bounds = array<i64: 1, 1, 16>}, {transform_indices = @transform_2, window_bounds = array<i64: 1, 96, 6272>}]} {
    %get3A = arith.constant 0 : index
    %get3A_0 = arith.constant 0 : index
    %get3A_1 = arith.constant 0 : index
    %get3A_2 = vector.load %arg3[%get3A, %get3A_0, %get3A_1] : memref<1x1x16xf32, #tpu.memory_space<vmem>>, vector<1x1x1xf32>
    %get3A_3 = vector.extract %get3A_2[0, 0, 0] : f32 from vector<1x1x1xf32>
    %get3A_4 = arith.constant 0 : index
    %get3A_5 = arith.constant 0 : index
    %get3A_6 = arith.constant 0 : index
    %get3A_7 = vector.load %arg2[%get3A_4, %get3A_5, %get3A_6] : memref<1x96x6272xf32, #tpu.memory_space<vmem>>, vector<1x96x6272xf32>
    %ge3A = vector.broadcast %get3A_3 : f32 to vector<1x96x6272xf32>
    %ge3A_8 = arith.cmpf oge, %get3A_7, %ge3A : vector<1x96x6272xf32>
    %convert_element_type3A = arith.extui %ge3A_8 : vector<1x96x6272xi1> to vector<1x96x6272xi32>
    %convert_element_type3A_9 = arith.sitofp %convert_element_type3A : vector<1x96x6272xi32> to vector<1x96x6272xf32>
    %mul3A = arith.mulf %get3A_7, %convert_element_type3A_9 : vector<1x96x6272xf32>
    %swap3A = arith.constant 0 : index
    %swap3A_10 = arith.constant 0 : index
    %swap3A_11 = arith.constant 0 : index
    %swap3A_12 = vector.load %arg4[%swap3A, %swap3A_10, %swap3A_11] : memref<1x96x6272xf32, #tpu.memory_space<vmem>>, vector<1x96x6272xf32>
    tpu.vector_store %arg4[%swap3A, %swap3A_10, %swap3A_11], %mul3A {strides = array<i32>} : memref<1x96x6272xf32, #tpu.memory_space<vmem>>, vector<1x96x6272xf32>,
    return
  }
  func.func @transform_0(%arg0: i32, %arg1: i32) -> (i32, i32, i32) {
    %c0_i32 = arith.constant 0 : i32
    %c0_i32_0 = arith.constant 0 : i32
    return %arg0, %arg1, %c0_i32 : i32, i32, i32
  }
  func.func @transform_1(%arg0: i32, %arg1: i32) -> (i32, i32, i32) {
    %c0_i32 = arith.constant 0 : i32
    %c0_i32_0 = arith.constant 0 : i32
    %c0_i32_1 = arith.constant 0 : i32
    return %arg0, %c0_i32, %c0_i32_0 : i32, i32, i32
  }
  func.func @transform_2(%arg0: i32, %arg1: i32) -> (i32, i32, i32) {
    %c0_i32 = arith.constant 0 : i32
    %c0_i32_0 = arith.constant 0 : i32
    return %arg0, %arg1, %c0_i32 : i32, i32, i32
  }
}

</mosaic_0001>

<sc_bundles>
// kernel: kernel.4.cloned.1.call-start
scs
__scs_entry_jumppad:
0x0: {  	(pc) =	sbr.rel $0x88, $3  }
0x1: {  	(tag) =	ssettag $0x0;
	lr =	simm.s32 $0x1  }
0x2: {  	[smem:$0x3FA0] =	sst lr;
	_ =	strace $0xD0000000  }
0x3: {  	_ = 	snop  }
0x4: {  	_ = 	snop  }
0x5: {  	_ = 	snop  }
0x6: {  	_ = 	snop  }
0x7: {  	_ = 	snop  }
__scs_overlays_trampoline_lowered:
0x8: {  	[smem:$0x3FAF] =	sst s0  }
0x9: {  	[smem:$0x3FB0] =	sst s1  }
0xa: {  	[smem:$0x3FB1] =	sst s2  }
0xb: {  	[smem:$0x3FB2] =	sst s3  }
0xc: {  	[smem:$0x3FB3] =	sst s4  }
0xd: {  	[smem:$0x3FB4] =	sst s5  }
0xe: {  	[smem:$0x3FB5] =	sst s6  }
0xf: {  	[smem:$0x3FB6] =	sst s7  }
0x10: {  	[smem:$0x3FB7] =	sst s8  }
0x11: {  	[smem:$0x3FB8] =	sst s9;
	s0 =	simm.s32 @!p0 $0x0  }
0x12: {  	s1 =	sld [smem:$0x3F9E];
	s0 =	simm.s32 @p0 $0x1  }
0x13: {  	[smem:$0x3FB9] =	sst s0;
	s0 =	simm.s32 @!p1 $0x0  }
0x14: {  	s2 =	sld [smem:$0x3F9D];
	s0 =	simm.s32 @p1 $0x1  }
0x15: {  	[smem:$0x3FBA] =	sst s0;
	s0 =	simm.s32 @!p2 $0x0  }
0x16: {  	s3 =	sld [smem:$0x3FDB];
	s0 =	simm.s32 @p2 $0x1  }
0x17: {  	s4 =	simm.s32 $0x1BF5;
	[smem:$0x3FBC] =	sst s0  }
0x18: {  	s0 =	sld [smem:$0x3F9F];
	_ =	swait.ge [sflag:s4], $0x0  }
0x19: {  	s7 =	sld [smem:$0x3FA0]  }
0x1a: {  	s8 =	sadd.s32 $0xFFFFE003, lr  }
0x1b: {  	s9 =	sadd.s32 $0xFFFFFEF7, lr;
	s5 =	simm.s32 $0xFFFFFFFF;
	p2 =	slt.u32 s8, $0xFFFFF086  }
0x1c: {  	p1 =	slt.u32 s9, $0xF7A;
	s5 =	simm.s32 @!p2 $0x0  }
0x1d: {  	s5 =	simm.s32 @p1 $0x1;
	p0 =	seq.s32 s7, s2  }
0x1e: {  	s7 =	smul.u32 @!p0 $0xF7A, s2;
	p2 =	seq.s32 @!p0 s5, $0x0  }
0x1f: {  	s9 =	smul.u32 $0xF7A, s1;
	s8 =	simm.s32 @!p0 $0x1BF5;
	p2 =	por !p2, p0  }
0x20: {  	[sflag:s8] =	ssyncset.s32 @!p0 $0xFFFFF086;
	s6 =	sadd.s32 @!p0 s3, s7;
	s7 =	simm.s32 @!p0 $0x108  }
0x21: {  	s3 =	sadd.s32 s3, s9;
	s6 =	sadd.s32 @!p0 $0x88, s6;
	s7 =	simm.s32 @p2 $0x1082  }
0x22: {  	[simem:s7], [sflag:s8] =	dma.local @!p0 [hbm:s6], $0xF7A  }
0x23: {  	s9 =	sor.u32 $0xD0000000, s2;
	s6 =	simm.s32 $0x108;
	_ =	swait.ge @!p0 [sflag:s8], $0x0  }
0x24: {  	s3 =	sadd.s32 $0x88, s3;
	s6 =	simm.s32 @!p1 $0x1082;
	[sflag:s4] =	ssyncset.s32 $0xFFFFF086  }
0x25: {  	[simem:s6], [sflag:s4] =	dma.local [hbm:s3], $0xF7A  }
0x26: {  	[smem:$0x3FA0] =	sst s1;
	(tag) =	ssettag s2;
	_ =	strace s9  }
0x27: {  	s1 =	sld [smem:$0x3FB0]  }
0x28: {  	s2 =	sld [smem:$0x3FB1]  }
0x29: {  	s4 =	sld [smem:$0x3FB3]  }
0x2a: {  	p0 =	seq.s32 s5, $0x0;
	s5 =	sld [smem:$0x3FB4]  }
0x2b: {  	s6 =	sld [smem:$0x3FB5]  }
0x2c: {  	s7 =	sld [smem:$0x3FB6]  }
0x2d: {  	s3 =	simm.s32 $0x108;
	s8 =	sld [smem:$0x3FB7]  }
0x2e: {  	s3 =	simm.s32 @!p0 $0x1082;
	s9 =	sld [smem:$0x3FB8]  }
0x2f: {  	lr =	sadd.s32 s0, s3;
	s0 =	sld [smem:$0x3FAF]  }
0x30: {  	s3 =	sld [smem:$0x3FB2]  }
0x31: {  	[smem:$0x3FBB] =	sst s10  }
0x32: {  	s10 =	sld [smem:$0x3FB9];
	_ =	sdelay $0x3  }
0x33: {  	p0 =	seq.s32 s10, $0x1;
	s10 =	sld [smem:$0x3FBB];
	_ =	sdelay $0x3  }
0x34: {  	[smem:$0x3FBB] =	sst s10  }
0x35: {  	s10 =	sld [smem:$0x3FBA];
	_ =	sdelay $0x3  }
0x36: {  	p1 =	seq.s32 s10, $0x1;
	s10 =	sld [smem:$0x3FBB];
	_ =	sdelay $0x3  }
0x37: {  	[smem:$0x3FBB] =	sst s10  }
0x38: {  	s10 =	sld [smem:$0x3FBC]  }
0x39: {  	_ = 	snop;
	(pc) =	sbr.ind lr, $3  }
0x3a: {  	_ = 	snop  }
0x3b: {  	_ = 	snop  }
0x3c: {  	p2 =	seq.s32 s10, $0x1;
	s10 =	sld [smem:$0x3FBB]  }
0x3d: {  	_ =	shalt  }
0x3e: {  	_ =	shalt  }
0x3f: {  	_ =	shalt  }
0x40: {  	_ =	shalt  }
0x41: {  	_ =	shalt  }
0x42: {  	_ =	shalt  }
0x43: {  	_ =	shalt  }
0x44: {  	_ =	shalt  }
0x45: {  	_ =	shalt  }
0x46: {  	_ =	shalt  }
0x47: {  	_ =	shalt  }
0x48: {  	_ =	shalt  }
0x49: {  	_ =	shalt  }
0x4a: {  	_ =	shalt  }
0x4b: {  	_ =	shalt  }
0x4c: {  	_ =	shalt  }
0x4d: {  	_ =	shalt  }
0x4e: {  	_ =	shalt  }
0x4f: {  	_ =	shalt  }
0x50: {  	_ =	shalt  }
0x51: {  	_ =	shalt  }
0x52: {  	_ =	shalt  }
0x53: {  	_ =	shalt  }
0x54: {  	_ =	shalt  }
0x55: {  	_ =	shalt  }
0x56: {  	_ =	shalt  }
0x57: {  	_ =	shalt  }
0x58: {  	_ =	shalt  }
0x59: {  	_ =	shalt  }
0x5a: {  	_ =	shalt  }
0x5b: {  	_ =	shalt  }
0x5c: {  	_ =	shalt  }
0x5d: {  	_ =	shalt  }
0x5e: {  	_ =	shalt  }
0x5f: {  	_ =	shalt  }
0x60: {  	_ =	shalt  }
0x61: {  	_ =	shalt  }
0x62: {  	_ =	shalt  }
0x63: {  	_ =	shalt  }
0x64: {  	_ =	shalt  }
0x65: {  	_ =	shalt  }
0x66: {  	_ =	shalt  }
0x67: {  	_ =	shalt  }
0x68: {  	_ =	shalt  }
0x69: {  	_ =	shalt  }
0x6a: {  	_ =	shalt  }
0x6b: {  	_ =	shalt  }
0x6c: {  	_ =	shalt  }
0x6d: {  	_ =	shalt  }
0x6e: {  	_ =	shalt  }
0x6f: {  	_ =	shalt  }
0x70: {  	_ =	shalt  }
0x71: {  	_ =	shalt  }
0x72: {  	_ =	shalt  }
0x73: {  	_ =	shalt  }
0x74: {  	_ =	shalt  }
0x75: {  	_ =	shalt  }
0x76: {  	_ =	shalt  }
0x77: {  	_ =	shalt  }
0x78: {  	_ =	shalt  }
0x79: {  	_ =	shalt  }
0x7a: {  	_ =	shalt  }
0x7b: {  	_ =	shalt  }
0x7c: {  	_ =	shalt  }
0x7d: {  	_ =	shalt  }
0x7e: {  	_ =	shalt  }
0x7f: {  	_ =	shalt  }
0x80: {  	_ =	shalt  }
0x81: {  	_ =	shalt  }
0x82: {  	_ =	shalt  }
0x83: {  	_ =	shalt  }
0x84: {  	_ =	shalt  }
0x85: {  	_ =	shalt  }
0x86: {  	_ =	shalt  }
0x87: {  	_ =	shalt  }
.Lfunc_end0:
.L_simem_size_0:
called_computation_lowered:
.L_overlay_start_0:
0x88: {  	s2 =	sld [smem:$0x3FD9]  }
0x89: {  	s3 =	sld [smem:$0x3FFE];
	_ =	sdelay $0x1  }
0x8a: {  	s1 =	srdreg.scid  }
0x8b: {  	s0 =	sand.u32 $0x1, s1  }
0x8c: {  	s16 =	sshll.u32 s0, $0xA;
	s2 =	sadd.s32 s3, s2  }
0x8d: {  	s2 =	sadd.s32 s2, s16  }
0x8e: {  	[smem:$0x3FC7] =	sst s2  }
0x8f: {  	_ = 	snop  }
0x90: {  	(tm) =	ssettm $0x1  }
0x91: {  	s17 =	sld [smem:$0x3FFB];
	_ =	sdelay $0x3  }
0x92: {  	_ =	strace s17  }
0x93: {  	s2 =	sld [smem:$0x3FFC];
	_ =	sdelay $0x3  }
0x94: {  	_ =	strace s2  }
0x95: {  	s2 =	sld [smem:$0x3FFD];
	_ =	sdelay $0x3  }
0x96: {  	_ =	strace s2  }
0x97: {  	_ =	strace $0x8FFFFFFF  }
0x98: {  	s18 =	sld [smem:$0x3FDB];
	_ =	sdelay $0x1  }
0x99: {  	s19 =	simm.s32 $_scs_section_size  }
0x9a: {  	s4 =	simm.s32 $_size__tile_overlayer_lowered;
	s5 =	simm.s32 $_tile_overlayer_lowered  }
0x9b: {  	s22 =	simm.s32 $0x1BFF;
	s21 =	sshll.u32 s5, $0x1;
	s2 =	sadd.s32 s19, s18  }
0x9c: {  	s6 =	simm.s32 $0x0;
	s20 =	sshll.u32 s4, $0x1;
	s4 =	sadd.s32 s21, s2  }
0x9d: {  	[timem:s6], [sflag:s22] =	dma.local [hbm:s4], s20  }
0x9e: {  	_ =	swait.ge [sflag:s22], s20  }
0x9f: {  	s3 =	ssub.s32 $0x0, s20;
	[sflag:s22] =	ssyncset.done $0x0  }
0xa0: {  	[sflag:s22] =	ssyncadd.s32 s3;
	_ =	sdelay $0x1  }
0xa1: {  	s23 =	simm.s32 $0x1B8B  }
0xa2: {  	_ =	swait.ge [sflag:s23], $0x1  }
0xa3: {  	[sflag:s23] =	ssyncset.done $0x0  }
0xa4: {  	s25 =	simm.s32 $0x1B8E;
	s24 =	sld [smem:$0x3FFE];
	[sflag:s23] =	ssyncadd.s32 $0xFFFFFFFF  }
0xa5: {  	s26 =	simm.s32 $execute0_lowered;
	[smem:$0x3FD2] =	sst s25  }
0xa6: {  	s4 =	sshll.u32 s26, $0x1;
	_ =	strace $0x80000046;
	[dreg:$0x1] =	wrdreg $0xFFFFFFFF  }
0xa7: {  	s28 =	simm.s32 $_size_execute0_lowered;
	s2 =	sadd.s32 s2, s4;
	[dreg:$0x0] =	wrdreg $0x0  }
0xa8: {  	s4 =	sshll.u32 s28, $0x1;
	[dreg:$0x2] =	wrdreg s2  }
0xa9: {  	[dreg:$0x3] =	wrdreg s4  }
0xaa: {  	[dreg:$0x4] =	wrdreg $0xC0  }
0xab: {  	_ =	task [dreg:s6], $0x5FFFF  }
0xac: {  	[dreg:$0x1] =	wrdreg $0xFFFFFFFF  }
0xad: {  	[dreg:$0x0] =	wrdreg $0x60  }
0xae: {  	[dreg:$0x2] =	wrdreg s24  }
0xaf: {  	[dreg:$0x3] =	wrdreg $0x101000  }
0xb0: {  	[dreg:$0x4] =	wrdreg $0x9  }
0xb1: {  	_ =	task.clear_ibuf [dreg:s6], $0x5FFFF;
	_ =	strace $0x90000046  }
0xb2: {  	s29 =	simm.s32 $0x9;
	_ =	strace $0x80000048  }
0xb3: {  	_ =	swait.ge [sflag:s29], $0x1  }
0xb4: {  	[sflag:s29] =	ssyncadd.s32 $0xFFFFFFFF  }
0xb5: {  	_ =	strace $0x90000048  }
0xb6: {  	_ =	sfence  }
0xb7: {  	s30 =	sld [smem:$0x0];
	_ =	sdelay $0x2  }
0xb8: {  	s31 =	sshll.u32 s1, $0xD;
	s1 =	sshrl.u32 s1, $0x2  }
0xb9: {  	s3 =	sand.u32 $0x4000, s31;
	s1 =	sadd.s32 s1, s30  }
0xba: {  	s0 =	sor.u32 s3, s0;
	s1 =	sshll.u32 s1, $0x11  }
0xbb: {  	s0 =	sor.u32 s1, s0  }
0xbc: {  	s0 =	sadd.s32 $0x8F2B, s0  }
0xbd: {  	[sflag:s0] =	ssyncadd.remote.s32 $0x1  }
0xbe: {  	_ =	sfence.sel $0xFFFF  }
0xbf: {  	[dreg:$0x0] =	wrdreg $0xFFFFFFFF;
	(pc) =	sbr.abs _section_cstart, $3  }
0xc0: {  	[dreg:$0x1] =	wrdreg $0xFFFFFFFF  }
0xc1: {  	_ =	task.clear_ibuf [dreg:s6], $0x2FFFF;
	_ =	strace $0x9FFFFFFF  }
0xc2: {  	(tm) =	ssettm $0x7FFFFFFF  }
0xc3: {  	_ =	shalt  }
tec
execute0_lowered:
.L_overlay_start_1:
0x0: {  	(tag) =	ssettag $0x1  }
0x1: {  	s0 =	rddreg [dreg:$0x0]  }
0x2: {  	s1 =	rddreg [dreg:$0x1]  }
0x3: {  	s3 =	srdreg.scid;
	s2 =	simm.s32 $0x0;
	s10 =	stileid.u32  }
0x4: {  	s11 =	simm.s32 $0x1;
	s16 =	simm.s32 $0x1000;
	s4 =	sand.u32 $0x1, s3  }
0x5: {  	[smem:$0x7FF] =	sst s2;
	s25 =	sshrl.u32 s10, $0x2;
	s3 =	sadd.s32 $0x400, s0  }
0x6: {  	s7 =	sadd.s32 $0x498400, s0;
	s28 =	sand.u32 $0x3, s10;
	s8 =	sshll.u32 s10, $0xC  }
0x7: {  	s10 =	sshll.u32 s10, $0x7;
	s5 =	sshll.u32 s4, $0x2;
	_ =	strace $0x80000047  }
0x8: {  	s4 =	ssub.s32 $0x2, s4;
	[dreg:$0x3] =	wrdreg s7;
	s9 =	smul.u32 $0x126000, s28  }
0x9: {  	s8 =	sand.u32 $0x8000, s8;
	s29 =	sand.u32 $0x380, s10;
	s5 =	sor.u32 s25, s5  }
0xa: {  	s30 =	sand.u32 $0x200, s10;
	s1 =	sadd.s32 s8, s1;
	s6 =	sshll.u32 s5, $0x4  }
0xb: {  	s26 =	sshrl.u32 s4, $0x1;
	s0 =	sadd.s32 s6, s0;
	s6 =	sadd.s32 s29, s1  }
0xc: {  	s4 =	ssub.s32 s4, s26;
	s1 =	sadd.s32 s30, s1;
	[dreg:$0x4] =	wrdreg s6  }
0xd: {  	s5 =	smul.u32 $0x498000, s5;
	s31 =	smax.u32 s4, $0x1;
	[dreg:$0x5] =	wrdreg s1  }
0xe: {  	v0 =	vlaneseq.u32;
	p0 =	sne.s32 s28, $0x0;
	s0 =	sadd.s32 $0x498600, s0;
	[dreg:$0x7] =	wrdreg s31  }
0xf: {  	v1 =	vimm.s32 $0x0;
	v2 =	vimm.s32 $0x1;
	v3 =	vor.u32 $0x80000000, v0;
	s4 =	simm.s32 $0x0;
	s5 =	sadd.s32 s9, s5;
	[dreg:$0x6] =	wrdreg s0  }
.LBB2_1:
0x10: {  	s0 =	rddreg [dreg:$0x3];
	s1 =	simm.s32 $0x11100  }
0x11: {  	[tilespmem:s1], [sflag:$0x1] =	stream.linear.gather [hbm4b:s0+s2], $0x1, $0x38;
	[tilespmem:$0x11180] =	vst v63  }
0x12: {  	_ =	swait.ge [sflag:s11], $0x1  }
0x13: {  	[sflag:s11] =	ssyncset.done $0x0  }
0x14: {  	s0 =	simm.s32 $0x40;
	[sflag:s11] =	ssyncadd.s32 $0xFFFFFFFF  }
0x15: {  	v4 =	vld [tilespmem:$0x11100];
	[tilespmem:s0+$0xFFFFFFC0] =	vst v1  }
0x16: {  	[tilespmem:s0+$0x30] =	vst v1  }
0x17: {  	[tilespmem:s0+$0x20] =	vst v1  }
0x18: {  	[tilespmem:s0+$0x10] =	vst v1  }
0x19: {  	[tilespmem:s0+$0x0] =	vst v1  }
0x1a: {  	[tilespmem:s0+$0xFFFFFFF0] =	vst v1  }
0x1b: {  	s1 =	simm.s32 $0x0;
	[tilespmem:s0+$0xFFFFFFE0] =	vst v1  }
.LBB2_2:
0x1c: {  	s1 =	sadd.s32 $0x8, s1;
	[tilespmem:s0+$0xFFFFFFD0] =	vst v1;
	s0 =	sadd.s32 $0x80, s0  }
0x1d: {  	[tilespmem:s0+$0xFFFFFFC0] =	vst v1;
	p1 =	slt.u32 s1, $0xF8  }
0x1e: {  	[tilespmem:s0+$0x30] =	vst v1  }
.Ltmp0:
0x1f: {  	[tilespmem:s0+$0x20] =	vst v1;
	(pc) =	sbr.rel @p1 .LBB2_2-.Ltmp0, $4  }
0x20: {  	[tilespmem:s0+$0x10] =	vst v1  }
0x21: {  	[tilespmem:s0+$0x0] =	vst v1  }
0x22: {  	[tilespmem:s0+$0xFFFFFFF0] =	vst v1  }
0x23: {  	[tilespmem:s0+$0xFFFFFFE0] =	vst v1  }
0x24: {  	[dreg:$0x8] =	wrdreg s4;
	[tilespmem:s0+$0xFFFFFFD0] =	vst v1;
	v4 =	vbroadcast v4, $0x0;
	s0 =	simm.s32 $0x0  }
.LBB2_4:
0x25: {  	s1 =	sshll.u32 s0, $0xD  }
0x26: {  	s1 =	sadd.s32 s5, s1  }
0x27: {  	s1 =	sshrl.u32 s1, $0x3  }
0x28: {  	s1 =	sadd.s32 s3, s1  }
0x29: {  	[tilespmem:s16], [sflag:$0x1] =	stream.linear.gather [hbm4b:s1+s2], $0x2000, $0x38;
	[tilespmem:$0x11180] =	vst v63  }
0x2a: {  	_ =	swait.ge [sflag:s11], $0x2000  }
0x2b: {  	[sflag:s11] =	ssyncset.done $0x0  }
0x2c: {  	s4 =	simm.s32 $0x1040;
	s1 =	simm.s32 $0xFFFFFFF8;
	[sflag:s11] =	ssyncadd.s32 $0xFFFFE000  }
.LBB2_5:
0x2d: {  	v5 =	vld [tilespmem:s4+$0xFFFFFFC0];
	_ =	sdelay $0x4  }
0x2e: {  	v6 =	vshra.s32 v5, $0x1F  }
0x2f: {  	v6 =	vor.u32 v4, v6  }
0x30: {  	v5 =	vxor.u32 v5, v6  }
0x31: {  	v5 =	vshrl.u32 v5, $0x14;
	_ =	sdelay $0x4  }
0x32: {  	[tilespmem:v5+s2+$0x0] =	vst.idx.add.s32.msk $0xffff, v2  }
0x33: {  	v5 =	vld [tilespmem:s4+$0xFFFFFFD0];
	_ =	sdelay $0x4  }
0x34: {  	v6 =	vshra.s32 v5, $0x1F  }
0x35: {  	v6 =	vor.u32 v4, v6  }
0x36: {  	v5 =	vxor.u32 v5, v6  }
0x37: {  	v5 =	vshrl.u32 v5, $0x14;
	_ =	sdelay $0x4  }
0x38: {  	[tilespmem:v5+s2+$0x0] =	vst.idx.add.s32.msk $0xffff, v2  }
0x39: {  	v5 =	vld [tilespmem:s4+$0xFFFFFFE0];
	_ =	sdelay $0x4  }
0x3a: {  	v6 =	vshra.s32 v5, $0x1F  }
0x3b: {  	v6 =	vor.u32 v4, v6  }
0x3c: {  	v5 =	vxor.u32 v5, v6  }
0x3d: {  	v5 =	vshrl.u32 v5, $0x14;
	_ =	sdelay $0x4  }
0x3e: {  	[tilespmem:v5+s2+$0x0] =	vst.idx.add.s32.msk $0xffff, v2  }
0x3f: {  	v5 =	vld [tilespmem:s4+$0xFFFFFFF0];
	_ =	sdelay $0x4  }
0x40: {  	v6 =	vshra.s32 v5, $0x1F  }
0x41: {  	v6 =	vor.u32 v4, v6  }
0x42: {  	v5 =	vxor.u32 v5, v6  }
0x43: {  	v5 =	vshrl.u32 v5, $0x14;
	_ =	sdelay $0x4  }
0x44: {  	[tilespmem:v5+s2+$0x0] =	vst.idx.add.s32.msk $0xffff, v2  }
0x45: {  	v5 =	vld [tilespmem:s4+$0x0];
	_ =	sdelay $0x4  }
0x46: {  	v6 =	vshra.s32 v5, $0x1F  }
0x47: {  	v6 =	vor.u32 v4, v6  }
0x48: {  	v5 =	vxor.u32 v5, v6  }
0x49: {  	v5 =	vshrl.u32 v5, $0x14;
	_ =	sdelay $0x4  }
0x4a: {  	[tilespmem:v5+s2+$0x0] =	vst.idx.add.s32.msk $0xffff, v2  }
0x4b: {  	v5 =	vld [tilespmem:s4+$0x10];
	_ =	sdelay $0x4  }
0x4c: {  	v6 =	vshra.s32 v5, $0x1F  }
0x4d: {  	v6 =	vor.u32 v4, v6  }
0x4e: {  	v5 =	vxor.u32 v5, v6  }
0x4f: {  	v5 =	vshrl.u32 v5, $0x14;
	_ =	sdelay $0x4  }
0x50: {  	[tilespmem:v5+s2+$0x0] =	vst.idx.add.s32.msk $0xffff, v2  }
0x51: {  	v5 =	vld [tilespmem:s4+$0x20];
	_ =	sdelay $0x4  }
0x52: {  	v6 =	vshra.s32 v5, $0x1F  }
0x53: {  	v6 =	vor.u32 v4, v6  }
0x54: {  	v5 =	vxor.u32 v5, v6  }
0x55: {  	v5 =	vshrl.u32 v5, $0x14;
	_ =	sdelay $0x4  }
0x56: {  	[tilespmem:v5+s2+$0x0] =	vst.idx.add.s32.msk $0xffff, v2  }
0x57: {  	v5 =	vld [tilespmem:s4+$0x30];
	_ =	sdelay $0x4  }
0x58: {  	v6 =	vshra.s32 v5, $0x1F  }
0x59: {  	v6 =	vor.u32 v4, v6  }
0x5a: {  	s1 =	sadd.s32 $0x8, s1;
	v5 =	vxor.u32 v5, v6  }
0x5b: {  	p1 =	slt.u32 s1, $0x1F8;
	v5 =	vshrl.u32 v5, $0x14  }
.Ltmp1:
0x5c: {  	_ = 	snop;
	(pc) =	sbr.rel @p1 .LBB2_5-.Ltmp1, $2  }
0x5d: {  	_ =	sdelay $0x2  }
0x5e: {  	s4 =	sadd.s32 $0x80, s4;
	[tilespmem:v5+s2+$0x0] =	vst.idx.add.s32.msk $0xffff, v2  }
0x5f: {  	s0 =	sadd.s32 $0x1, s0  }
0x60: {  	p1 =	sne.s32 s0, $0x93  }
.Ltmp2:
0x61: {  	_ = 	snop;
	(pc) =	sbr.rel @p1 .LBB2_4-.Ltmp2, $1  }
0x62: {  	_ =	sdelay $0x3  }
0x63: {  	s0 =	simm.s32 $0x0  }
0x64: {  	s1 =	rddreg [dreg:$0x4];
	s4 =	simm.s32 $0x80;
	s6 =	simm.s32 $0x400  }
0x65: {  	[spmem:s1] =	stream.strided.scatter [tilespmem:s0], [sflag:$0x1], $0x1000, s6, s4, $0x38;
	[tilespmem:$0x11180] =	vst v63  }
0x66: {  	_ =	swait.ge [sflag:s11], $0x1000  }
0x67: {  	[sflag:s11] =	ssyncset.done $0x0  }
0x68: {  	[sflag:s11] =	ssyncadd.s32 $0xFFFFF000  }
0x69: {  	[bflag:$0x0] =	sbarrier.arrive $0xFFFF  }
0x6a: {  	s29 =	simm.s32 $0x200;
	s7 =	simm.s32 $0x4000;
	s28 =	rddreg [dreg:$0x5]  }
0x6b: {  	[tilespmem:s7], [sflag:$0x1] =	stream.strided.gather [spmem:s28], $0x4000, s6, s29, $0x38;
	[tilespmem:$0x11180] =	vst v63  }
0x6c: {  	s30 =	sand.u32 $0x70, s0;
	_ =	swait.ge [sflag:s11], $0x4000  }
0x6d: {  	s31 =	sand.u32 $0x3E00, s0;
	s4 =	simm.s32 $0x10;
	[sflag:s11] =	ssyncset.done $0x0  }
0x6e: {  	s1 =	simm.s32 $0x0;
	s6 =	sor.u32 s30, s31;
	[sflag:s11] =	ssyncadd.s32 $0xFFFFC000  }
.LBB2_8:
0x6f: {  	p1 =	sne.s32 s4, $0xFF0;
	v5 =	vld [tilespmem:s6+$0x4080]  }
0x70: {  	v6 =	vld [tilespmem:s6+$0x4000]  }
0x71: {  	v7 =	vld [tilespmem:s6+$0x4100]  }
0x72: {  	v8 =	vld [tilespmem:s6+$0x4180];
	_ =	sdelay $0x1  }
.Ltmp3:
0x73: {  	(pc) =	sbr.rel @p1 .LBB2_8-.Ltmp3, $4  }
0x74: {  	v5 =	vadd.s32 v6, v5  }
0x75: {  	s0 =	sadd.s32 $0x40, s0;
	v5 =	vadd.s32 v7, v5  }
0x76: {  	s1 =	sshra.s32 s1, $0x2;
	s7 =	sand.u32 $0x3E00, s0;
	s6 =	sand.u32 $0x70, s4;
	v5 =	vadd.s32 v8, v5  }
0x77: {  	s4 =	sadd.s32 $0x10, s4;
	s6 =	sor.u32 s6, s7;
	[tilespmem:s1+$0x3000] =	vst v5;
	s1 =	smov.u32 s0  }
0x78: {  	v5 =	vld [tilespmem:s6+$0x4080]  }
0x79: {  	v6 =	vld [tilespmem:s6+$0x4000]  }
0x7a: {  	v7 =	vld [tilespmem:s6+$0x4100]  }
0x7b: {  	v8 =	vld [tilespmem:s6+$0x4180];
	_ =	sdelay $0x2  }
0x7c: {  	v5 =	vadd.s32 v6, v5  }
0x7d: {  	v5 =	vadd.s32 v7, v5  }
0x7e: {  	s0 =	sshra.s32 s1, $0x2;
	v5 =	vadd.s32 v8, v5  }
0x7f: {  	[tilespmem:s0+$0x3000] =	vst v5  }
0x80: {  	s26 =	simm.s32 $0x3000;
	[bflag:$0x0] =	sbarrier.arrive $0xFFFF  }
0x81: {  	v5 =	vld [tilespmem:s26+$0x0];
	_ =	sdelay $0x2  }
0x82: {  	s30 =	simm.s32 $0x3010  }
0x83: {  	v9 =	vld [tilespmem:s30+$0x0]  }
0x84: {  	(xrf0) =	vadd.scan.msk.s32 $0xffff, v5;
	_ =	sdelay $0x3  }
0x85: {  	(xrf0) =	vadd.scan.msk.s32 $0xffff, v9;
	_ =	sdelay $0x1  }
0x86: {  	v6, _, _ =	vpop (xrf0)  }
0x87: {  	(v2sf) =	vpush v6, $0xF;
	_ =	sdelay $0x2  }
0x88: {  	v7, _, _ =	vpop (xrf0)  }
0x89: {  	(v2sf) =	vpush v7, $0xF  }
0x8a: {  	s20 =	simm.s32 $0x0  }
0x8b: {  	s31 =	simm.s32 $0x3020;
	v6 =	vadd.s32 s20, v6  }
0x8c: {  	v10 =	vld [tilespmem:s31+$0x0];
	vm0 =	vgt.s32 v6, $0x422665  }
0x8d: {  	v6 =	vnsel vm0, $0x80000010, v3  }
0x8e: {  	(xrf0) =	vmin.scan.msk.u32 $0xffff, v6;
	_ =	sdelay $0x2  }
0x8f: {  	(xrf0) =	vadd.scan.msk.s32 $0xffff, v10;
	_ =	sdelay $0x2  }
0x90: {  	s4 =	simm.s32 $0x3030;
	v6, _, _ =	vpop (xrf0);
	s1 =	spop (v2sf)  }
0x91: {  	v8 =	vld [tilespmem:s4+$0x0];
	(v2sf) =	vpush v6, $0xF;
	s22 =	sadd.s32 $0x0, s1  }
0x92: {  	v7 =	vadd.s32 s22, v7  }
0x93: {  	v6, _, _ =	vpop (xrf0);
	vm2 =	vgt.s32 v7, $0x422665  }
0x94: {  	(v2sf) =	vpush v6, $0xF;
	s6 =	spop (v2sf);
	v7 =	vnsel vm2, $0x80000010, v3  }
0x95: {  	s21 =	sadd.s32 s22, s6;
	(xrf0) =	vmin.scan.msk.u32 $0xffff, v7  }
0x96: {  	v6 =	vadd.s32 s21, v6;
	(xrf0) =	vadd.scan.msk.s32 $0xffff, v8  }
0x97: {  	vm1 =	vgt.s32 v6, $0x422665  }
0x98: {  	v6 =	vnsel vm1, $0x80000010, v3  }
0x99: {  	(xrf0) =	vmin.scan.msk.u32 $0xffff, v6;
	_ =	sdelay $0x1  }
0x9a: {  	s7 =	simm.s32 $0x3040;
	v7, _, _ =	vpop (xrf0)  }
0x9b: {  	v6 =	vld [tilespmem:s7+$0x0];
	(v2sf) =	vpush v7, $0xF;
	v7, _, _ =	vpop (xrf0)  }
0x9c: {  	(v2sf) =	vpush v7, $0xF;
	_ =	sdelay $0x1  }
0x9d: {  	v13, _, _ =	vpop (xrf0)  }
0x9e: {  	s8 =	spop (v2sf);
	(v2sf) =	vpush v13, $0xF  }
0x9f: {  	vm0 =	vmmov vm0;
	s9 =	sxor.u32 $0x80000000, s8;
	(xrf0) =	vadd.scan.msk.s32 $0xffff, v6  }
0xa0: {  	vm0 =	vmmov vm0;
	v12 =	vmov s9  }
0xa1: {  	v11 =	vsel vm0, $0x1, v1;
	s4 =	spop (v2sf);
	vm0 =	vgt.s32 v12, v0  }
0xa2: {  	s23 =	sadd.s32 s21, s4;
	(xrf0) =	vadd.scan.msk.s32 $0xffff, v11;
	v11 =	vnsel vm0, $0x0, v5  }
0xa3: {  	v7 =	vadd.s32 s23, v7  }
0xa4: {  	vm0 =	vgt.s32 v7, $0x422665  }
0xa5: {  	s10 =	simm.s32 $0x3050;
	(xrf0) =	vadd.scan.msk.s32 $0xffff, v11;
	v7 =	vnsel vm0, $0x80000010, v3;
	v11, _, _ =	vpop (xrf0)  }
0xa6: {  	v5 =	vld [tilespmem:s10+$0x0];
	(xrf0) =	vmin.scan.msk.u32 $0xffff, v7;
	(v2sf) =	vpush v11, $0xF;
	_ =	sdelay $0x2  }
0xa7: {  	vm2 =	vmmov vm2;
	s12 =	spop (v2sf)  }
0xa8: {  	vm2 =	vmmov vm2;
	v7, _, _ =	vpop (xrf0);
	s13 =	sxor.u32 $0x80000000, s12;
	s14 =	spop (v2sf)  }
0xa9: {  	v14 =	vsel vm2, $0x1, v1;
	(xrf0) =	vadd.scan.msk.s32 $0xffff, v5;
	(v2sf) =	vpush v7, $0xF;
	v7, _, _ =	vpop (xrf0);
	v60 =	vmov s13;
	s24 =	sadd.s32 s23, s14  }
0xaa: {  	s7 =	simm.s32 $0x3060;
	(v2sf) =	vpush v7, $0xF;
	v7, _, _ =	vpop (xrf0);
	vm2 =	vgt.s32 v60, v0;
	v11 =	vadd.s32 s24, v11  }
0xab: {  	(xrf0) =	vadd.scan.msk.s32 $0xffff, v14;
	(v2sf) =	vpush v7, $0xF;
	v7 =	vld [tilespmem:s7+$0x0];
	s15 =	spop (v2sf);
	v9 =	vnsel vm2, $0x0, v9;
	vm2 =	vgt.s32 v11, $0x422665  }
0xac: {  	vm1 =	vmmov vm1;
	s16 =	sxor.u32 $0x80000000, s15;
	(xrf0) =	vadd.scan.msk.s32 $0xffff, v9;
	v9 =	vnsel vm2, $0x80000010, v3  }
0xad: {  	vm1 =	vmmov vm1;
	(xrf0) =	vmin.scan.msk.u32 $0xffff, v9;
	v9 =	vmov s16  }
0xae: {  	v11 =	vsel vm1, $0x1, v1;
	vm1 =	vgt.s32 v9, v0  }
0xaf: {  	v59, _, _ =	vpop (xrf0);
	v9 =	vnsel vm1, $0x0, v10  }
0xb0: {  	(v2sf) =	vpush v59, $0xF;
	(xrf0) =	vadd.scan.msk.s32 $0xffff, v7  }
0xb1: {  	(xrf0) =	vadd.scan.msk.s32 $0xffff, v11  }
0xb2: {  	(xrf0) =	vadd.scan.msk.s32 $0xffff, v9;
	v9, _, _ =	vpop (xrf0)  }
0xb3: {  	s17 =	spop (v2sf);
	(v2sf) =	vpush v9, $0xF  }
0xb4: {  	s9 =	sadd.s32 s24, s17;
	v10, _, _ =	vpop (xrf0)  }
0xb5: {  	(v2sf) =	vpush v10, $0xF;
	v10 =	vadd.s32 s9, v59  }
0xb6: {  	v11, _, _ =	vpop (xrf0);
	vm4 =	vgt.s32 v10, $0x422665  }
0xb7: {  	s29 =	simm.s32 $0x80000040;
	(v2sf) =	vpush v11, $0xF;
	v11 =	vnsel vm4, $0x80000010, v3  }
0xb8: {  	s25 =	simm.s32 $0x80000060;
	s6 =	sadd.s32 $0x80000000, s8;
	s8 =	simm.s32 $0x3070;
	v10, _, _ =	vpop (xrf0)  }
0xb9: {  	s28 =	simm.s32 $0x80000070;
	s26 =	simm.s32 $0x80000050;
	s18 =	spop (v2sf);
	v9 =	vld [tilespmem:s8+$0x0];
	(v2sf) =	vpush v10, $0xF;
	v61, _, _ =	vpop (xrf0)  }
0xba: {  	p2 =	por $0x1, $0x1;
	s10 =	sadd.s32 $0x80000010, s12;
	s13 =	simm.s32 $0x80000080;
	(xrf0) =	vmin.scan.msk.u32 $0xffff, v11;
	(v2sf) =	vpush v61, $0xF;
	v11, _, _ =	vpop (xrf0)  }
0xbb: {  	p1 =	sgt.s32 s18, $0x0;
	s18 =	simm.s32 $0x0;
	s19 =	spop (v2sf);
	(v2sf) =	vpush v11, $0xF  }
0xbc: {  	vm0 =	vmmov vm0;
	p2 =	por !p2, !p1;
	s1 =	sadd.s32 $0x0, s19;
	s30 =	spop (v2sf)  }
0xbd: {  	vm0 =	vmmov vm0;
	p2 =	por !p2, !p2;
	s19 =	simm.s32 $0x0;
	s31 =	sxor.u32 $0x80000000, s30  }
0xbe: {  	v62 =	vsel vm0, $0x1, v1;
	s0 =	sadd.s32 $0x80000020, s15;
	vm1 =	vmmov vm2;
	s18 =	smov.u32 @p2 s6;
	s19 =	smov.u32 @p2 s1;
	v63 =	vmov s31;
	(xrf0) =	vadd.scan.msk.s32 $0xffff, v9  }
0xbf: {  	vm1 =	vmmov vm1;
	s4 =	sadd.s32 $0x80000030, s30;
	s1 =	smov.u32 s9;
	vm3 =	vgt.s32 v63, v0;
	vm0 =	vmmov vm4;
	s6 =	spop (v2sf);
	(xrf0) =	vadd.scan.msk.s32 $0xffff, v62  }
.LBB2_10:
0xc0: {  	p2 =	sne.s32 s13, $0x80000FF0;
	s9 =	sadd.s32 s9, s6;
	v11, _, _ =	vpop (xrf0)  }
0xc1: {  	v12 =	vnsel vm3, $0x0, v8;
	v8 =	vmovc v6;
	v6 =	vmovc v5;
	v5 =	vmov v7;
	v7 =	vmov v9;
	s6 =	smov.u32 s29;
	s29 =	smov.u32 s26;
	s26 =	smov.u32 s25  }
0xc2: {  	s8 =	sadd.s32 $0x10, s8;
	s20 =	simm.s32 @p1 $0x1;
	v13 =	vadd.s32 s9, v10;
	(v2sf) =	vpush v11, $0xF;
	(xrf0) =	vadd.scan.msk.s32 $0xffff, v12;
	s7 =	spop (v2sf)  }
0xc3: {  	s25 =	smov.u32 s28;
	p3 =	seq.s32 s20, $0x0;
	v9 =	vld [tilespmem:s8+$0x0];
	vm2 =	vgt.s32 v13, $0x422665;
	p1 =	sgt.s32 s7, $0x0  }
0xc4: {  	s28 =	smov.u32 s13;
	v10, _, _ =	vpop (xrf0);
	v12 =	vnsel vm2, $0x80000010, v3;
	p3 =	por !p3, !p1;
	s7 =	spop (v2sf)  }
0xc5: {  	(v2sf) =	vpush v10, $0xF;
	(xrf0) =	vmin.scan.msk.u32 $0xffff, v12;
	s7 =	sadd.s32 s22, s7;
	p3 =	por !p3, !p3;
	s22 =	smov.u32 s21  }
.Ltmp4:
0xc6: {  	v11, _, _ =	vpop (xrf0);
	s18 =	smov.u32 @p3 s10;
	s19 =	smov.u32 @p3 s7;
	(pc) =	sbr.rel @p2 .LBB2_10-.Ltmp4, $4  }
0xc7: {  	s21 =	smov.u32 s23;
	s23 =	smov.u32 s24;
	s7 =	spop (v2sf);
	(v2sf) =	vpush v11, $0xF  }
0xc8: {  	s24 =	smov.u32 s1;
	(xrf0) =	vadd.scan.msk.s32 $0xffff, v9;
	s10 =	sxor.u32 $0x80000000, s7;
	s7 =	sadd.s32 s6, s7;
	v11, _, _ =	vpop (xrf0)  }
0xc9: {  	v12 =	vsel vm1, $0x1, v1;
	s1 =	smov.u32 s9;
	v13 =	vmov s10;
	(v2sf) =	vpush v11, $0xF;
	s10 =	smov.u32 s0;
	s0 =	smov.u32 s4  }
0xca: {  	s13 =	sadd.s32 $0x10, s13;
	vm1 =	vmmov vm0;
	vm0 =	vmmov vm2;
	s4 =	smov.u32 s7;
	s6 =	spop (v2sf);
	vm3 =	vgt.s32 v13, v0;
	(xrf0) =	vadd.scan.msk.s32 $0xffff, v12  }
0xcb: {  	_ =	sdelay $0x5  }
0xcc: {  	s14 =	sadd.s32 s9, s6;
	s7 =	spop (v2sf)  }
0xcd: {  	v10 =	vadd.s32 s14, v10;
	s8 =	spop (v2sf)  }
0xce: {  	v8 =	vnsel vm3, $0x0, v8;
	vm2 =	vgt.s32 v10, $0x422665;
	s15 =	spop (v2sf)  }
0xcf: {  	v58, _, _ =	vpop (xrf0);
	[dreg:$0xe] =	wrdreg s7;
	(xrf0) =	vadd.scan.msk.s32 $0xffff, v8;
	v57 =	vnsel vm2, $0x80000010, v3;
	s9 =	sxor.u32 $0x80000000, s15;
	s7 =	spop (v2sf)  }
0xd0: {  	v59, _, _ =	vpop (xrf0);
	(xrf0) =	vmin.scan.msk.u32 $0xffff, v57;
	v11 =	vmov s9;
	s12 =	sadd.s32 s14, s7  }
0xd1: {  	v12 =	vsel vm1, $0x1, v1;
	vm10 =	vgt.s32 v11, v0;
	v60 =	vadd.s32 s12, v59  }
0xd2: {  	(xrf0) =	vadd.scan.msk.s32 $0xffff, v12;
	v6 =	vnsel vm10, $0x0, v6;
	vm11 =	vgt.s32 v60, $0x422665  }
0xd3: {  	(v2sf) =	vpush v58, $0xF;
	v61, _, _ =	vpop (xrf0);
	(xrf0) =	vadd.scan.msk.s32 $0xffff, v6;
	v6 =	vnsel vm11, $0x80000010, v3  }
0xd4: {  	(v2sf) =	vpush v59, $0xF;
	(xrf0) =	vmin.scan.msk.u32 $0xffff, v6  }
0xd5: {  	(v2sf) =	vpush v61, $0xF;
	v62, _, _ =	vpop (xrf0)  }
0xd6: {  	(v2sf) =	vpush v62, $0xF;
	v6, _, _ =	vpop (xrf0)  }
0xd7: {  	(v2sf) =	vpush v6, $0xF  }
0xd8: {  	v6, _, _ =	vpop (xrf0)  }
0xd9: {  	(v2sf) =	vpush v6, $0xF;
	v6, _, _ =	vpop (xrf0)  }
0xda: {  	(v2sf) =	vpush v6, $0xF;
	v6, _, _ =	vpop (xrf0)  }
0xdb: {  	(v2sf) =	vpush v6, $0xF;
	_ =	sdelay $0x4  }
0xdc: {  	[dreg:$0xa] =	wrdreg s12;
	s12 =	spop (v2sf)  }
0xdd: {  	s30 =	spop (v2sf)  }
0xde: {  	s7 =	spop (v2sf)  }
0xdf: {  	s13 =	spop (v2sf)  }
0xe0: {  	vm0 =	vmmov vm0;
	s6 =	sxor.u32 $0x80000000, s7;
	s31 =	spop (v2sf)  }
0xe1: {  	v63 =	vsel vm0, $0x1, v1;
	v6 =	vmov s6;
	s17 =	spop (v2sf)  }
0xe2: {  	(xrf0) =	vadd.scan.msk.s32 $0xffff, v63;
	vm12 =	vgt.s32 v6, v0;
	s13 =	spop (v2sf)  }
0xe3: {  	vm2 =	vmmov vm2;
	v5 =	vnsel vm12, $0x0, v5;
	s16 =	sxor.u32 $0x80000000, s13  }
0xe4: {  	[dreg:$0xc] =	wrdreg s8;
	vm2 =	vmmov vm2;
	(xrf0) =	vadd.scan.msk.s32 $0xffff, v5;
	s8 =	spop (v2sf);
	v6 =	vmov s16  }
0xe5: {  	vm13 =	vmmov vm11;
	v5 =	vsel vm2, $0x1, v1;
	s9 =	spop (v2sf);
	vm14 =	vgt.s32 v6, v0  }
0xe6: {  	vm0 =	vmmov vm13;
	(xrf0) =	vadd.scan.msk.s32 $0xffff, v5;
	v5 =	vnsel vm14, $0x0, v7;
	s6 =	spop (v2sf)  }
0xe7: {  	(xrf0) =	vadd.scan.msk.s32 $0xffff, v5;
	v5 =	vsel vm0, $0x1, v1;
	s16 =	sxor.u32 $0x80000000, s6  }
0xe8: {  	v6, _, _ =	vpop (xrf0);
	(xrf0) =	vadd.scan.msk.s32 $0xffff, v5;
	v5 =	vmov s16  }
0xe9: {  	(v2sf) =	vpush v6, $0xF;
	vm15 =	vgt.s32 v5, v0  }
0xea: {  	v7, _, _ =	vpop (xrf0);
	v6 =	vnsel vm15, $0x0, v9  }
0xeb: {  	(v2sf) =	vpush v7, $0xF;
	(xrf0) =	vadd.scan.msk.s32 $0xffff, v6  }
0xec: {  	s20 =	simm.s32 @p1 $0x1;
	s16 =	rddreg [dreg:$0xe];
	v5, _, _ =	vpop (xrf0)  }
0xed: {  	p2 =	seq.s32 s20, $0x0;
	p1 =	sgt.s32 s16, $0x0;
	s16 =	rddreg [dreg:$0xc];
	(v2sf) =	vpush v5, $0xF  }
0xee: {  	p4 =	sgt.s32 s8, $0x0;
	p2 =	por !p2, !p1;
	s16 =	sadd.s32 s22, s16;
	v5, _, _ =	vpop (xrf0)  }
0xef: {  	s20 =	simm.s32 @p1 $0x1;
	p1 =	sgt.s32 s12, $0x0;
	s12 =	sadd.s32 s21, s30;
	(v2sf) =	vpush v5, $0xF;
	v5, _, _ =	vpop (xrf0)  }
0xf0: {  	p2 =	por !p2, !p2;
	p5 =	seq.s32 s20, $0x0;
	s20 =	simm.s32 @p1 $0x1;
	(v2sf) =	vpush v5, $0xF  }
0xf1: {  	s18 =	smov.u32 @p2 s10;
	s19 =	smov.u32 @p2 s16;
	s10 =	sadd.s32 s29, s15;
	v5, _, _ =	vpop (xrf0)  }
0xf2: {  	p2 =	por !p5, !p1;
	p1 =	sgt.s32 s31, $0x0;
	p3 =	seq.s32 s20, $0x0;
	(v2sf) =	vpush v5, $0xF  }
0xf3: {  	s31 =	rddreg [dreg:$0xa];
	p2 =	por !p2, !p2;
	s20 =	simm.s32 @p1 $0x1  }
0xf4: {  	p1 =	por !p3, !p1;
	s18 =	smov.u32 @p2 s0;
	p6 =	seq.s32 s20, $0x0  }
0xf5: {  	s19 =	smov.u32 @p2 s12;
	p1 =	por !p1, !p1;
	s0 =	sadd.s32 s23, s17  }
0xf6: {  	s20 =	simm.s32 @p4 $0x1;
	p5 =	por !p6, !p4;
	s18 =	smov.u32 @p1 s4  }
0xf7: {  	s4 =	sadd.s32 s26, s7;
	s19 =	smov.u32 @p1 s0;
	s0 =	sadd.s32 s24, s9  }
0xf8: {  	p6 =	seq.s32 s20, $0x0;
	p2 =	por !p5, !p5;
	s22 =	spop (v2sf)  }
0xf9: {  	s18 =	smov.u32 @p2 s10;
	s19 =	smov.u32 @p2 s0;
	p1 =	sgt.s32 s22, $0x0  }
0xfa: {  	s0 =	simm.s32 $0x40;
	s23 =	spop (v2sf);
	p3 =	por !p6, !p1  }
0xfb: {  	s1 =	sadd.s32 s1, s23;
	s20 =	simm.s32 @p1 $0x1;
	p2 =	por !p3, !p3  }
0xfc: {  	p4 =	seq.s32 s20, $0x0;
	s24 =	spop (v2sf);
	s18 =	smov.u32 @p2 s4  }
0xfd: {  	[tilespmem:s0+$0xFFFFFFC0] =	vst v1;
	s19 =	smov.u32 @p2 s1;
	s1 =	sadd.s32 s25, s13;
	p1 =	sgt.s32 s24, $0x0  }
0xfe: {  	[tilespmem:s0+$0x30] =	vst v1;
	s4 =	sadd.s32 s28, s6;
	s26 =	spop (v2sf);
	s20 =	simm.s32 @p1 $0x1  }
0xff: {  	[tilespmem:s0+$0x20] =	vst v1;
	p1 =	por !p4, !p1;
	s29 =	spop (v2sf);
	p5 =	seq.s32 s20, $0x0  }
0x100: {  	[tilespmem:s0+$0x10] =	vst v1;
	p1 =	por !p1, !p1;
	s6 =	sadd.s32 s14, s26;
	p6 =	sgt.s32 s29, $0x0  }
0x101: {  	[tilespmem:s0+$0x0] =	vst v1;
	s18 =	smov.u32 @p1 s1;
	p6 =	por !p5, !p6;
	s30 =	spop (v2sf)  }
0x102: {  	[tilespmem:s0+$0xFFFFFFF0] =	vst v1;
	s19 =	smov.u32 @p1 s6;
	p1 =	por !p6, !p6;
	s1 =	sadd.s32 s31, s30  }
0x103: {  	[tilespmem:s0+$0xFFFFFFE0] =	vst v1;
	s18 =	smov.u32 @p1 s4;
	s19 =	smov.u32 @p1 s1;
	s1 =	simm.s32 $0x0  }
.LBB2_12:
0x104: {  	s1 =	sadd.s32 $0x8, s1;
	[tilespmem:s0+$0xFFFFFFD0] =	vst v1;
	s0 =	sadd.s32 $0x80, s0  }
0x105: {  	[tilespmem:s0+$0xFFFFFFC0] =	vst v1;
	p1 =	slt.u32 s1, $0xF8  }
0x106: {  	[tilespmem:s0+$0x30] =	vst v1  }
.Ltmp5:
0x107: {  	[tilespmem:s0+$0x20] =	vst v1;
	(pc) =	sbr.rel @p1 .LBB2_12-.Ltmp5, $4  }
0x108: {  	[tilespmem:s0+$0x10] =	vst v1  }
0x109: {  	[tilespmem:s0+$0x0] =	vst v1  }
0x10a: {  	[tilespmem:s0+$0xFFFFFFF0] =	vst v1  }
0x10b: {  	[tilespmem:s0+$0xFFFFFFE0] =	vst v1  }
0x10c: {  	[tilespmem:s0+$0xFFFFFFD0] =	vst v1;
	v5 =	vmov s18;
	s21 =	simm.s32 $0x0;
	s20 =	simm.s32 $0x0;
	s6 =	simm.s32 $0x1000  }
.LBB2_14:
0x10d: {  	s0 =	sshll.u32 s20, $0xD  }
0x10e: {  	s0 =	sadd.s32 s5, s0  }
0x10f: {  	s0 =	sshrl.u32 s0, $0x3  }
0x110: {  	s0 =	sadd.s32 s3, s0  }
0x111: {  	[tilespmem:s6], [sflag:$0x1] =	stream.linear.gather [hbm4b:s0+s2], $0x2000, $0x38;
	[tilespmem:$0x11180] =	vst v63  }
0x112: {  	_ =	swait.ge [sflag:s11], $0x2000  }
0x113: {  	[sflag:s11] =	ssyncset.done $0x0  }
0x114: {  	s23 =	simm.s32 $0x1040;
	[sflag:s11] =	ssyncadd.s32 $0xFFFFE000  }
0x115: {  	v6 =	vld [tilespmem:s23+$0xFFFFFFC0];
	_ =	sdelay $0x4  }
0x116: {  	v7 =	vshra.s32 v6, $0x1F  }
0x117: {  	v7 =	vor.u32 v4, v7  }
0x118: {  	v6 =	vxor.u32 v6, v7  }
0x119: {  	v7 =	vshrl.u32 v6, $0x14  }
0x11a: {  	v8 =	vshrl.u32 v6, $0x8;
	vm0 =	veq.s32 v7, v5  }
0x11b: {  	v7 =	vand.u32 $0xFFF, v8;
	v8 =	vsel vm0, $0x1, v1  }
0x11c: {  	(xrf0) =	vadd.scan.msk.s32 $0xffff, v8;
	_ =	sdelay $0x2  }
0x11d: {  	p1 =	slt.s32 s21, $0x8000;
	s1 =	smov.u32 s21  }
0x11e: {  	s1 =	simm.s32 @!p1 $0x8000;
	[tilespmem:v7+s2+$0x0] =	vst.idx.add.s32.msk vm0, v2  }
0x11f: {  	[tilespmem:s1+$0x8080] =	vst.msk vm0, v6  }
0x120: {  	v6 =	vld [tilespmem:s23+$0xFFFFFFD0];
	v7, _, _ =	vpop (xrf0)  }
0x121: {  	(v2sf) =	vpush v7, $0xF;
	_ =	sdelay $0x3  }
0x122: {  	v7 =	vshra.s32 v6, $0x1F  }
0x123: {  	v7 =	vor.u32 v4, v7  }
0x124: {  	v6 =	vxor.u32 v6, v7  }
0x125: {  	v7 =	vshrl.u32 v6, $0x14  }
0x126: {  	vm0 =	veq.s32 v7, v5  }
0x127: {  	v7 =	vsel vm0, $0x1, v1  }
0x128: {  	(xrf0) =	vadd.scan.msk.s32 $0xffff, v7;
	_ =	sdelay $0x1  }
0x129: {  	v7 =	vshrl.u32 v6, $0x8  }
0x12a: {  	v7 =	vand.u32 $0xFFF, v7;
	_ =	sdelay $0x1  }
0x12b: {  	s24 =	spop (v2sf)  }
0x12c: {  	s1 =	sadd.s32 s21, s24;
	v8, _, _ =	vpop (xrf0)  }
0x12d: {  	p1 =	slt.s32 s1, $0x8000;
	(v2sf) =	vpush v8, $0xF;
	s4 =	smov.u32 s1  }
0x12e: {  	[tilespmem:v7+s2+$0x0] =	vst.idx.add.s32.msk vm0, v2;
	s4 =	simm.s32 @!p1 $0x8000  }
0x12f: {  	[tilespmem:s4+$0x8080] =	vst.msk vm0, v6  }
0x130: {  	v6 =	vld [tilespmem:s23+$0xFFFFFFE0];
	_ =	sdelay $0x4  }
0x131: {  	v7 =	vshra.s32 v6, $0x1F  }
0x132: {  	v7 =	vor.u32 v4, v7  }
0x133: {  	v6 =	vxor.u32 v6, v7  }
0x134: {  	v7 =	vshrl.u32 v6, $0x14  }
0x135: {  	v8 =	vshrl.u32 v6, $0x8;
	vm0 =	veq.s32 v7, v5  }
0x136: {  	v7 =	vand.u32 $0xFFF, v8;
	v8 =	vsel vm0, $0x1, v1  }
0x137: {  	(xrf0) =	vadd.scan.msk.s32 $0xffff, v8  }
0x138: {  	s25 =	spop (v2sf)  }
0x139: {  	s1 =	sadd.s32 s1, s25  }
0x13a: {  	p1 =	slt.s32 s1, $0x8000;
	s4 =	smov.u32 s1  }
0x13b: {  	[tilespmem:v7+s2+$0x0] =	vst.idx.add.s32.msk vm0, v2;
	s4 =	simm.s32 @!p1 $0x8000  }
0x13c: {  	[tilespmem:s4+$0x8080] =	vst.msk vm0, v6  }
0x13d: {  	v6 =	vld [tilespmem:s23+$0xFFFFFFF0];
	v7, _, _ =	vpop (xrf0)  }
0x13e: {  	(v2sf) =	vpush v7, $0xF;
	_ =	sdelay $0x3  }
0x13f: {  	v7 =	vshra.s32 v6, $0x1F  }
0x140: {  	v7 =	vor.u32 v4, v7  }
0x141: {  	v6 =	vxor.u32 v6, v7  }
0x142: {  	v7 =	vshrl.u32 v6, $0x14  }
0x143: {  	vm0 =	veq.s32 v7, v5  }
0x144: {  	v7 =	vsel vm0, $0x1, v1  }
0x145: {  	(xrf0) =	vadd.scan.msk.s32 $0xffff, v7;
	_ =	sdelay $0x1  }
0x146: {  	v7 =	vshrl.u32 v6, $0x8  }
0x147: {  	v7 =	vand.u32 $0xFFF, v7;
	_ =	sdelay $0x1  }
0x148: {  	s26 =	spop (v2sf)  }
0x149: {  	s1 =	sadd.s32 s1, s26;
	v8, _, _ =	vpop (xrf0)  }
0x14a: {  	p1 =	slt.s32 s1, $0x8000;
	(v2sf) =	vpush v8, $0xF;
	s4 =	smov.u32 s1  }
0x14b: {  	[tilespmem:v7+s2+$0x0] =	vst.idx.add.s32.msk vm0, v2;
	s4 =	simm.s32 @!p1 $0x8000  }
0x14c: {  	[tilespmem:s4+$0x8080] =	vst.msk vm0, v6  }
0x14d: {  	v6 =	vld [tilespmem:s23+$0x0];
	_ =	sdelay $0x4  }
0x14e: {  	v7 =	vshra.s32 v6, $0x1F  }
0x14f: {  	v7 =	vor.u32 v4, v7  }
0x150: {  	v6 =	vxor.u32 v6, v7  }
0x151: {  	v7 =	vshrl.u32 v6, $0x14  }
0x152: {  	v8 =	vshrl.u32 v6, $0x8;
	vm0 =	veq.s32 v7, v5  }
0x153: {  	v7 =	vand.u32 $0xFFF, v8;
	v8 =	vsel vm0, $0x1, v1  }
0x154: {  	(xrf0) =	vadd.scan.msk.s32 $0xffff, v8  }
0x155: {  	s28 =	spop (v2sf)  }
0x156: {  	s1 =	sadd.s32 s1, s28  }
0x157: {  	p1 =	slt.s32 s1, $0x8000;
	s4 =	smov.u32 s1  }
0x158: {  	[tilespmem:v7+s2+$0x0] =	vst.idx.add.s32.msk vm0, v2;
	s4 =	simm.s32 @!p1 $0x8000  }
0x159: {  	[tilespmem:s4+$0x8080] =	vst.msk vm0, v6  }
0x15a: {  	v6 =	vld [tilespmem:s23+$0x10];
	v7, _, _ =	vpop (xrf0)  }
0x15b: {  	(v2sf) =	vpush v7, $0xF;
	_ =	sdelay $0x3  }
0x15c: {  	v7 =	vshra.s32 v6, $0x1F  }
0x15d: {  	v7 =	vor.u32 v4, v7  }
0x15e: {  	v6 =	vxor.u32 v6, v7  }
0x15f: {  	v7 =	vshrl.u32 v6, $0x14  }
0x160: {  	vm0 =	veq.s32 v7, v5  }
0x161: {  	v7 =	vsel vm0, $0x1, v1  }
0x162: {  	(xrf0) =	vadd.scan.msk.s32 $0xffff, v7;
	_ =	sdelay $0x1  }
0x163: {  	v7 =	vshrl.u32 v6, $0x8  }
0x164: {  	v7 =	vand.u32 $0xFFF, v7;
	_ =	sdelay $0x1  }
0x165: {  	s29 =	spop (v2sf)  }
0x166: {  	s1 =	sadd.s32 s1, s29;
	v8, _, _ =	vpop (xrf0)  }
0x167: {  	p1 =	slt.s32 s1, $0x8000;
	(v2sf) =	vpush v8, $0xF;
	s4 =	smov.u32 s1  }
0x168: {  	[tilespmem:v7+s2+$0x0] =	vst.idx.add.s32.msk vm0, v2;
	s4 =	simm.s32 @!p1 $0x8000  }
0x169: {  	[tilespmem:s4+$0x8080] =	vst.msk vm0, v6  }
0x16a: {  	v6 =	vld [tilespmem:s23+$0x20];
	_ =	sdelay $0x4  }
0x16b: {  	v7 =	vshra.s32 v6, $0x1F  }
0x16c: {  	v7 =	vor.u32 v4, v7  }
0x16d: {  	v6 =	vxor.u32 v6, v7  }
0x16e: {  	v7 =	vshrl.u32 v6, $0x14  }
0x16f: {  	v8 =	vshrl.u32 v6, $0x8;
	vm0 =	veq.s32 v7, v5  }
0x170: {  	v7 =	vand.u32 $0xFFF, v8;
	v8 =	vsel vm0, $0x1, v1  }
0x171: {  	(xrf0) =	vadd.scan.msk.s32 $0xffff, v8  }
0x172: {  	s30 =	spop (v2sf)  }
0x173: {  	s1 =	sadd.s32 s1, s30  }
0x174: {  	p1 =	slt.s32 s1, $0x8000;
	s4 =	smov.u32 s1  }
0x175: {  	[tilespmem:v7+s2+$0x0] =	vst.idx.add.s32.msk vm0, v2;
	s4 =	simm.s32 @!p1 $0x8000  }
0x176: {  	[tilespmem:s4+$0x8080] =	vst.msk vm0, v6  }
0x177: {  	v6 =	vld [tilespmem:s23+$0x30];
	v7, _, _ =	vpop (xrf0)  }
0x178: {  	(v2sf) =	vpush v7, $0xF;
	_ =	sdelay $0x3  }
0x179: {  	v7 =	vshra.s32 v6, $0x1F  }
0x17a: {  	v7 =	vor.u32 v4, v7  }
0x17b: {  	v6 =	vxor.u32 v6, v7  }
0x17c: {  	v7 =	vshrl.u32 v6, $0x14  }
0x17d: {  	vm0 =	veq.s32 v7, v5  }
0x17e: {  	v7 =	vsel vm0, $0x1, v1  }
0x17f: {  	(xrf0) =	vadd.scan.msk.s32 $0xffff, v7;
	_ =	sdelay $0x1  }
0x180: {  	v7 =	vshrl.u32 v6, $0x8  }
0x181: {  	v7 =	vand.u32 $0xFFF, v7;
	_ =	sdelay $0x1  }
0x182: {  	s31 =	spop (v2sf)  }
0x183: {  	v8, _, _ =	vpop (xrf0);
	s0 =	sadd.s32 s1, s31  }
0x184: {  	(v2sf) =	vpush v8, $0xF;
	p1 =	slt.s32 s0, $0x8000;
	s1 =	smov.u32 s0  }
0x185: {  	[tilespmem:v7+s2+$0x0] =	vst.idx.add.s32.msk vm0, v2;
	s1 =	simm.s32 @!p1 $0x8000  }
0x186: {  	s21 =	simm.s32 $0x10C0;
	[tilespmem:s1+$0x8080] =	vst.msk vm0, v6  }
0x187: {  	v6 =	vld [tilespmem:s21+$0xFFFFFFC0];
	_ =	sdelay $0x4  }
0x188: {  	v7 =	vshra.s32 v6, $0x1F  }
0x189: {  	v7 =	vor.u32 v4, v7  }
0x18a: {  	v6 =	vxor.u32 v6, v7  }
0x18b: {  	v7 =	vshrl.u32 v6, $0x14  }
0x18c: {  	vm0 =	veq.s32 v7, v5;
	v7 =	vshrl.u32 v6, $0x8  }
0x18d: {  	v8 =	vsel vm0, $0x1, v1;
	v7 =	vand.u32 $0xFFF, v7  }
0x18e: {  	(xrf0) =	vadd.scan.msk.s32 $0xffff, v8  }
0x18f: {  	s22 =	simm.s32 $0x8;
	s1 =	spop (v2sf)  }
.LBB2_15:
0x190: {  	s22 =	sadd.s32 $0x8, s22;
	s0 =	sadd.s32 s0, s1  }
0x191: {  	p1 =	slt.u32 s22, $0x1F8;
	p2 =	slt.s32 s0, $0x8000;
	s1 =	smov.u32 s0  }
0x192: {  	[tilespmem:v7+s2+$0x0] =	vst.idx.add.s32.msk vm0, v2;
	s1 =	simm.s32 @!p2 $0x8000  }
0x193: {  	[tilespmem:s1+$0x8080] =	vst.msk vm0, v6  }
0x194: {  	v6 =	vld [tilespmem:s21+$0xFFFFFFD0];
	v7, _, _ =	vpop (xrf0)  }
0x195: {  	(v2sf) =	vpush v7, $0xF;
	_ =	sdelay $0x3  }
0x196: {  	v7 =	vshra.s32 v6, $0x1F  }
0x197: {  	v7 =	vor.u32 v4, v7  }
0x198: {  	v6 =	vxor.u32 v6, v7  }
0x199: {  	v7 =	vshrl.u32 v6, $0x14;
	v8 =	vshrl.u32 v6, $0x8  }
0x19a: {  	vm0 =	veq.s32 v7, v5  }
0x19b: {  	v7 =	vsel vm0, $0x1, v1  }
0x19c: {  	(xrf0) =	vadd.scan.msk.s32 $0xffff, v7;
	_ =	sdelay $0x2  }
0x19d: {  	v7 =	vand.u32 $0xFFF, v8;
	_ =	sdelay $0x1  }
0x19e: {  	s1 =	spop (v2sf)  }
0x19f: {  	s0 =	sadd.s32 s0, s1;
	v8, _, _ =	vpop (xrf0)  }
0x1a0: {  	p2 =	slt.s32 s0, $0x8000;
	(v2sf) =	vpush v8, $0xF;
	s1 =	smov.u32 s0  }
0x1a1: {  	[tilespmem:v7+s2+$0x0] =	vst.idx.add.s32.msk vm0, v2;
	s1 =	simm.s32 @!p2 $0x8000  }
0x1a2: {  	[tilespmem:s1+$0x8080] =	vst.msk vm0, v6  }
0x1a3: {  	v6 =	vld [tilespmem:s21+$0xFFFFFFE0];
	_ =	sdelay $0x4  }
0x1a4: {  	v7 =	vshra.s32 v6, $0x1F  }
0x1a5: {  	v7 =	vor.u32 v4, v7  }
0x1a6: {  	v6 =	vxor.u32 v6, v7  }
0x1a7: {  	v7 =	vshrl.u32 v6, $0x14;
	v8 =	vshrl.u32 v6, $0x8  }
0x1a8: {  	vm0 =	veq.s32 v7, v5  }
0x1a9: {  	v7 =	vand.u32 $0xFFF, v8;
	v8 =	vsel vm0, $0x1, v1  }
0x1aa: {  	(xrf0) =	vadd.scan.msk.s32 $0xffff, v8  }
0x1ab: {  	s1 =	spop (v2sf)  }
0x1ac: {  	s0 =	sadd.s32 s0, s1  }
0x1ad: {  	p2 =	slt.s32 s0, $0x8000;
	s1 =	smov.u32 s0  }
0x1ae: {  	[tilespmem:v7+s2+$0x0] =	vst.idx.add.s32.msk vm0, v2;
	s1 =	simm.s32 @!p2 $0x8000  }
0x1af: {  	[tilespmem:s1+$0x8080] =	vst.msk vm0, v6  }
0x1b0: {  	v6 =	vld [tilespmem:s21+$0xFFFFFFF0];
	v7, _, _ =	vpop (xrf0)  }
0x1b1: {  	(v2sf) =	vpush v7, $0xF;
	_ =	sdelay $0x3  }
0x1b2: {  	v7 =	vshra.s32 v6, $0x1F  }
0x1b3: {  	v7 =	vor.u32 v4, v7  }
0x1b4: {  	v6 =	vxor.u32 v6, v7  }
0x1b5: {  	v7 =	vshrl.u32 v6, $0x14;
	v8 =	vshrl.u32 v6, $0x8  }
0x1b6: {  	vm0 =	veq.s32 v7, v5  }
0x1b7: {  	v7 =	vsel vm0, $0x1, v1  }
0x1b8: {  	(xrf0) =	vadd.scan.msk.s32 $0xffff, v7;
	_ =	sdelay $0x2  }
0x1b9: {  	v7 =	vand.u32 $0xFFF, v8;
	_ =	sdelay $0x1  }
0x1ba: {  	s1 =	spop (v2sf)  }
0x1bb: {  	s0 =	sadd.s32 s0, s1;
	v8, _, _ =	vpop (xrf0)  }
0x1bc: {  	p2 =	slt.s32 s0, $0x8000;
	(v2sf) =	vpush v8, $0xF;
	s1 =	smov.u32 s0  }
0x1bd: {  	[tilespmem:v7+s2+$0x0] =	vst.idx.add.s32.msk vm0, v2;
	s1 =	simm.s32 @!p2 $0x8000  }
0x1be: {  	[tilespmem:s1+$0x8080] =	vst.msk vm0, v6  }
0x1bf: {  	v6 =	vld [tilespmem:s21+$0x0];
	_ =	sdelay $0x4  }
0x1c0: {  	v7 =	vshra.s32 v6, $0x1F  }
0x1c1: {  	v7 =	vor.u32 v4, v7  }
0x1c2: {  	v6 =	vxor.u32 v6, v7  }
0x1c3: {  	v7 =	vshrl.u32 v6, $0x14;
	v8 =	vshrl.u32 v6, $0x8  }
0x1c4: {  	vm0 =	veq.s32 v7, v5  }
0x1c5: {  	v7 =	vand.u32 $0xFFF, v8;
	v8 =	vsel vm0, $0x1, v1  }
0x1c6: {  	(xrf0) =	vadd.scan.msk.s32 $0xffff, v8  }
0x1c7: {  	s1 =	spop (v2sf)  }
0x1c8: {  	s0 =	sadd.s32 s0, s1  }
0x1c9: {  	p2 =	slt.s32 s0, $0x8000;
	s1 =	smov.u32 s0  }
0x1ca: {  	[tilespmem:v7+s2+$0x0] =	vst.idx.add.s32.msk vm0, v2;
	s1 =	simm.s32 @!p2 $0x8000  }
0x1cb: {  	[tilespmem:s1+$0x8080] =	vst.msk vm0, v6  }
0x1cc: {  	v6 =	vld [tilespmem:s21+$0x10];
	v7, _, _ =	vpop (xrf0)  }
0x1cd: {  	(v2sf) =	vpush v7, $0xF;
	_ =	sdelay $0x3  }
0x1ce: {  	v7 =	vshra.s32 v6, $0x1F  }
0x1cf: {  	v7 =	vor.u32 v4, v7  }
0x1d0: {  	v6 =	vxor.u32 v6, v7  }
0x1d1: {  	v7 =	vshrl.u32 v6, $0x14;
	v8 =	vshrl.u32 v6, $0x8  }
0x1d2: {  	vm0 =	veq.s32 v7, v5  }
0x1d3: {  	v7 =	vand.u32 $0xFFF, v8;
	v8 =	vsel vm0, $0x1, v1  }
0x1d4: {  	(xrf0) =	vadd.scan.msk.s32 $0xffff, v8;
	_ =	sdelay $0x3  }
0x1d5: {  	[tilespmem:v7+s2+$0x0] =	vst.idx.add.s32.msk vm0, v2  }
0x1d6: {  	s1 =	spop (v2sf)  }
0x1d7: {  	s0 =	sadd.s32 s0, s1;
	v7, _, _ =	vpop (xrf0)  }
0x1d8: {  	p2 =	slt.s32 s0, $0x8000;
	(v2sf) =	vpush v7, $0xF;
	s1 =	smov.u32 s0  }
0x1d9: {  	s1 =	simm.s32 @!p2 $0x8000  }
0x1da: {  	[tilespmem:s1+$0x8080] =	vst.msk vm0, v6  }
0x1db: {  	v6 =	vld [tilespmem:s21+$0x20];
	_ =	sdelay $0x4  }
0x1dc: {  	v7 =	vshra.s32 v6, $0x1F  }
0x1dd: {  	v7 =	vor.u32 v4, v7  }
0x1de: {  	v6 =	vxor.u32 v6, v7  }
0x1df: {  	v7 =	vshrl.u32 v6, $0x14;
	v8 =	vshrl.u32 v6, $0x8  }
0x1e0: {  	vm0 =	veq.s32 v7, v5  }
0x1e1: {  	v7 =	vand.u32 $0xFFF, v8;
	v8 =	vsel vm0, $0x1, v1  }
0x1e2: {  	(xrf0) =	vadd.scan.msk.s32 $0xffff, v8  }
0x1e3: {  	s1 =	spop (v2sf)  }
0x1e4: {  	s0 =	sadd.s32 s0, s1  }
0x1e5: {  	p2 =	slt.s32 s0, $0x8000;
	s1 =	smov.u32 s0  }
0x1e6: {  	[tilespmem:v7+s2+$0x0] =	vst.idx.add.s32.msk vm0, v2;
	s1 =	simm.s32 @!p2 $0x8000  }
0x1e7: {  	[tilespmem:s1+$0x8080] =	vst.msk vm0, v6  }
0x1e8: {  	v6 =	vld [tilespmem:s21+$0x30];
	v7, _, _ =	vpop (xrf0)  }
0x1e9: {  	(v2sf) =	vpush v7, $0xF;
	_ =	sdelay $0x3  }
0x1ea: {  	v7 =	vshra.s32 v6, $0x1F  }
0x1eb: {  	v7 =	vor.u32 v4, v7  }
0x1ec: {  	v6 =	vxor.u32 v6, v7  }
0x1ed: {  	v7 =	vshrl.u32 v6, $0x14;
	v8 =	vshrl.u32 v6, $0x8  }
0x1ee: {  	vm0 =	veq.s32 v7, v5  }
0x1ef: {  	v7 =	vand.u32 $0xFFF, v8;
	v8 =	vsel vm0, $0x1, v1  }
0x1f0: {  	(xrf0) =	vadd.scan.msk.s32 $0xffff, v8;
	_ =	sdelay $0x3  }
0x1f1: {  	[tilespmem:v7+s2+$0x0] =	vst.idx.add.s32.msk vm0, v2  }
0x1f2: {  	s1 =	spop (v2sf)  }
0x1f3: {  	s0 =	sadd.s32 s0, s1;
	v7, _, _ =	vpop (xrf0)  }
0x1f4: {  	p2 =	slt.s32 s0, $0x8000;
	(v2sf) =	vpush v7, $0xF;
	s1 =	smov.u32 s0  }
0x1f5: {  	s1 =	simm.s32 @!p2 $0x8000  }
0x1f6: {  	s21 =	sadd.s32 $0x80, s21;
	[tilespmem:s1+$0x8080] =	vst.msk vm0, v6  }
0x1f7: {  	v6 =	vld [tilespmem:s21+$0xFFFFFFC0];
	_ =	sdelay $0x4  }
0x1f8: {  	v7 =	vshra.s32 v6, $0x1F  }
0x1f9: {  	v7 =	vor.u32 v4, v7  }
0x1fa: {  	v6 =	vxor.u32 v6, v7  }
.Ltmp6:
0x1fb: {  	v7 =	vshrl.u32 v6, $0x14;
	v8 =	vshrl.u32 v6, $0x8;
	(pc) =	sbr.rel @p1 .LBB2_15-.Ltmp6, $4  }
0x1fc: {  	vm0 =	veq.s32 v7, v5  }
0x1fd: {  	v7 =	vand.u32 $0xFFF, v8;
	v8 =	vsel vm0, $0x1, v1  }
0x1fe: {  	(xrf0) =	vadd.scan.msk.s32 $0xffff, v8  }
0x1ff: {  	s1 =	spop (v2sf)  }
0x200: {  	_ =	sdelay $0x2  }
0x201: {  	s0 =	sadd.s32 s0, s1  }
0x202: {  	p1 =	slt.s32 s0, $0x8000;
	s1 =	smov.u32 s0  }
0x203: {  	[tilespmem:v7+s2+$0x0] =	vst.idx.add.s32.msk vm0, v2;
	s1 =	simm.s32 @!p1 $0x8000  }
0x204: {  	[tilespmem:s1+$0x8080] =	vst.msk vm0, v6  }
0x205: {  	v6 =	vld [tilespmem:s21+$0xFFFFFFD0];
	v7, _, _ =	vpop (xrf0)  }
0x206: {  	(v2sf) =	vpush v7, $0xF;
	_ =	sdelay $0x3  }
0x207: {  	v7 =	vshra.s32 v6, $0x1F  }
0x208: {  	v7 =	vor.u32 v4, v7  }
0x209: {  	v6 =	vxor.u32 v6, v7  }
0x20a: {  	v7 =	vshrl.u32 v6, $0x14  }
0x20b: {  	vm9 =	veq.s32 v7, v5  }
0x20c: {  	v7 =	vsel vm9, $0x1, v1  }
0x20d: {  	(xrf0) =	vadd.scan.msk.s32 $0xffff, v7;
	_ =	sdelay $0x1  }
0x20e: {  	v7 =	vshrl.u32 v6, $0x8  }
0x20f: {  	v7 =	vand.u32 $0xFFF, v7;
	_ =	sdelay $0x1  }
0x210: {  	s24 =	spop (v2sf)  }
0x211: {  	s0 =	sadd.s32 s0, s24;
	v8, _, _ =	vpop (xrf0)  }
0x212: {  	p1 =	slt.s32 s0, $0x8000;
	(v2sf) =	vpush v8, $0xF;
	s1 =	smov.u32 s0  }
0x213: {  	[tilespmem:v7+s2+$0x0] =	vst.idx.add.s32.msk vm9, v2;
	s1 =	simm.s32 @!p1 $0x8000  }
0x214: {  	[tilespmem:s1+$0x8080] =	vst.msk vm9, v6  }
0x215: {  	v6 =	vld [tilespmem:s21+$0xFFFFFFE0];
	_ =	sdelay $0x4  }
0x216: {  	v7 =	vshra.s32 v6, $0x1F  }
0x217: {  	v7 =	vor.u32 v4, v7  }
0x218: {  	v6 =	vxor.u32 v6, v7  }
0x219: {  	v7 =	vshrl.u32 v6, $0x14  }
0x21a: {  	v56 =	vshrl.u32 v6, $0x8;
	vm10 =	veq.s32 v7, v5  }
0x21b: {  	v7 =	vand.u32 $0xFFF, v56;
	v57 =	vsel vm10, $0x1, v1  }
0x21c: {  	(xrf0) =	vadd.scan.msk.s32 $0xffff, v57  }
0x21d: {  	s25 =	spop (v2sf)  }
0x21e: {  	s0 =	sadd.s32 s0, s25  }
0x21f: {  	p1 =	slt.s32 s0, $0x8000;
	s1 =	smov.u32 s0  }
0x220: {  	[tilespmem:v7+s2+$0x0] =	vst.idx.add.s32.msk vm10, v2;
	s1 =	simm.s32 @!p1 $0x8000  }
0x221: {  	[tilespmem:s1+$0x8080] =	vst.msk vm10, v6  }
0x222: {  	v6 =	vld [tilespmem:s21+$0xFFFFFFF0];
	v7, _, _ =	vpop (xrf0)  }
0x223: {  	(v2sf) =	vpush v7, $0xF;
	_ =	sdelay $0x3  }
0x224: {  	v7 =	vshra.s32 v6, $0x1F  }
0x225: {  	v7 =	vor.u32 v4, v7  }
0x226: {  	v6 =	vxor.u32 v6, v7  }
0x227: {  	v7 =	vshrl.u32 v6, $0x14  }
0x228: {  	vm11 =	veq.s32 v7, v5  }
0x229: {  	v7 =	vsel vm11, $0x1, v1  }
0x22a: {  	(xrf0) =	vadd.scan.msk.s32 $0xffff, v7;
	_ =	sdelay $0x1  }
0x22b: {  	v7 =	vshrl.u32 v6, $0x8  }
0x22c: {  	v7 =	vand.u32 $0xFFF, v7;
	_ =	sdelay $0x1  }
0x22d: {  	s26 =	spop (v2sf)  }
0x22e: {  	s0 =	sadd.s32 s0, s26;
	v58, _, _ =	vpop (xrf0)  }
0x22f: {  	p1 =	slt.s32 s0, $0x8000;
	(v2sf) =	vpush v58, $0xF;
	s1 =	smov.u32 s0  }
0x230: {  	[tilespmem:v7+s2+$0x0] =	vst.idx.add.s32.msk vm11, v2;
	s1 =	simm.s32 @!p1 $0x8000  }
0x231: {  	[tilespmem:s1+$0x8080] =	vst.msk vm11, v6  }
0x232: {  	v6 =	vld [tilespmem:s21+$0x0];
	_ =	sdelay $0x4  }
0x233: {  	v7 =	vshra.s32 v6, $0x1F  }
0x234: {  	v7 =	vor.u32 v4, v7  }
0x235: {  	v6 =	vxor.u32 v6, v7  }
0x236: {  	v7 =	vshrl.u32 v6, $0x14  }
0x237: {  	v59 =	vshrl.u32 v6, $0x8;
	vm12 =	veq.s32 v7, v5  }
0x238: {  	v7 =	vand.u32 $0xFFF, v59;
	v60 =	vsel vm12, $0x1, v1  }
0x239: {  	(xrf0) =	vadd.scan.msk.s32 $0xffff, v60  }
0x23a: {  	s28 =	spop (v2sf)  }
0x23b: {  	s0 =	sadd.s32 s0, s28  }
0x23c: {  	p1 =	slt.s32 s0, $0x8000;
	s1 =	smov.u32 s0  }
0x23d: {  	[tilespmem:v7+s2+$0x0] =	vst.idx.add.s32.msk vm12, v2;
	s1 =	simm.s32 @!p1 $0x8000  }
0x23e: {  	[tilespmem:s1+$0x8080] =	vst.msk vm12, v6  }
0x23f: {  	v6 =	vld [tilespmem:s21+$0x10];
	v7, _, _ =	vpop (xrf0)  }
0x240: {  	(v2sf) =	vpush v7, $0xF;
	_ =	sdelay $0x3  }
0x241: {  	v7 =	vshra.s32 v6, $0x1F  }
0x242: {  	v7 =	vor.u32 v4, v7  }
0x243: {  	v6 =	vxor.u32 v6, v7  }
0x244: {  	v7 =	vshrl.u32 v6, $0x14  }
0x245: {  	vm13 =	veq.s32 v7, v5  }
0x246: {  	v7 =	vsel vm13, $0x1, v1  }
0x247: {  	(xrf0) =	vadd.scan.msk.s32 $0xffff, v7;
	_ =	sdelay $0x1  }
0x248: {  	v7 =	vshrl.u32 v6, $0x8  }
0x249: {  	v7 =	vand.u32 $0xFFF, v7;
	_ =	sdelay $0x1  }
0x24a: {  	s29 =	spop (v2sf)  }
0x24b: {  	s0 =	sadd.s32 s0, s29;
	v61, _, _ =	vpop (xrf0)  }
0x24c: {  	p1 =	slt.s32 s0, $0x8000;
	(v2sf) =	vpush v61, $0xF;
	s1 =	smov.u32 s0  }
0x24d: {  	[tilespmem:v7+s2+$0x0] =	vst.idx.add.s32.msk vm13, v2;
	s1 =	simm.s32 @!p1 $0x8000  }
0x24e: {  	[tilespmem:s1+$0x8080] =	vst.msk vm13, v6  }
0x24f: {  	v6 =	vld [tilespmem:s21+$0x20];
	_ =	sdelay $0x4  }
0x250: {  	v7 =	vshra.s32 v6, $0x1F  }
0x251: {  	v7 =	vor.u32 v4, v7  }
0x252: {  	v6 =	vxor.u32 v6, v7  }
0x253: {  	v7 =	vshrl.u32 v6, $0x14  }
0x254: {  	v62 =	vshrl.u32 v6, $0x8;
	vm14 =	veq.s32 v7, v5  }
0x255: {  	v7 =	vand.u32 $0xFFF, v62;
	_ =	sdelay $0x1  }
0x256: {  	s30 =	spop (v2sf)  }
0x257: {  	s0 =	sadd.s32 s0, s30  }
0x258: {  	p1 =	slt.s32 s0, $0x8000;
	s1 =	smov.u32 s0  }
0x259: {  	[tilespmem:v7+s2+$0x0] =	vst.idx.add.s32.msk vm14, v2;
	s1 =	simm.s32 @!p1 $0x8000  }
0x25a: {  	[tilespmem:s1+$0x8080] =	vst.msk vm14, v6  }
0x25b: {  	v6 =	vld [tilespmem:s21+$0x30];
	_ =	sdelay $0x4  }
0x25c: {  	v7 =	vshra.s32 v6, $0x1F  }
0x25d: {  	v63 =	vsel vm14, $0x1, v1;
	v7 =	vor.u32 v4, v7  }
0x25e: {  	(xrf0) =	vadd.scan.msk.s32 $0xffff, v63;
	v6 =	vxor.u32 v6, v7  }
0x25f: {  	v7 =	vshrl.u32 v6, $0x14  }
0x260: {  	vm15 =	veq.s32 v7, v5  }
0x261: {  	v7 =	vsel vm15, $0x1, v1;
	_ =	sdelay $0x2  }
0x262: {  	(xrf0) =	vadd.scan.msk.s32 $0xffff, v7;
	v7, _, _ =	vpop (xrf0)  }
0x263: {  	(v2sf) =	vpush v7, $0xF;
	_ =	sdelay $0x5  }
0x264: {  	v7, _, _ =	vpop (xrf0)  }
0x265: {  	(v2sf) =	vpush v7, $0xF;
	_ =	sdelay $0x7  }
0x266: {  	s31 =	spop (v2sf)  }
0x267: {  	v7 =	vshrl.u32 v6, $0x8;
	s0 =	sadd.s32 s0, s31  }
0x268: {  	s20 =	sadd.s32 $0x1, s20;
	v7 =	vand.u32 $0xFFF, v7;
	p1 =	slt.s32 s0, $0x8000;
	s1 =	smov.u32 s0  }
0x269: {  	s1 =	simm.s32 @!p1 $0x8000;
	p1 =	sne.s32 s20, $0x93  }
.Ltmp7:
0x26a: {  	_ = 	snop;
	(pc) =	sbr.rel @p1 .LBB2_14-.Ltmp7, $3  }
0x26b: {  	_ =	sdelay $0x1  }
0x26c: {  	[tilespmem:v7+s2+$0x0] =	vst.idx.add.s32.msk vm15, v2;
	s4 =	spop (v2sf)  }
0x26d: {  	[tilespmem:s1+$0x8080] =	vst.msk vm15, v6;
	s21 =	sadd.s32 s0, s4  }
0x26e: {  	s0 =	simm.s32 $0x0  }
0x26f: {  	s1 =	rddreg [dreg:$0x4];
	s4 =	simm.s32 $0x80;
	s6 =	simm.s32 $0x400  }
0x270: {  	[spmem:s1] =	stream.strided.scatter [tilespmem:s0], [sflag:$0x1], $0x1000, s6, s4, $0x38;
	[tilespmem:$0x11180] =	vst v63  }
0x271: {  	_ =	swait.ge [sflag:s11], $0x1000  }
0x272: {  	[sflag:s11] =	ssyncset.done $0x0  }
0x273: {  	[sflag:s11] =	ssyncadd.s32 $0xFFFFF000  }
0x274: {  	[bflag:$0x0] =	sbarrier.arrive $0xFFFF  }
0x275: {  	s29 =	simm.s32 $0x200;
	s7 =	simm.s32 $0x4000;
	s28 =	rddreg [dreg:$0x5]  }
0x276: {  	[tilespmem:s7], [sflag:$0x1] =	stream.strided.gather [spmem:s28], $0x4000, s6, s29, $0x38;
	[tilespmem:$0x11180] =	vst v63  }
0x277: {  	s30 =	sand.u32 $0x70, s0;
	_ =	swait.ge [sflag:s11], $0x4000  }
0x278: {  	s31 =	sand.u32 $0x3E00, s0;
	s4 =	simm.s32 $0x10;
	[sflag:s11] =	ssyncset.done $0x0  }
0x279: {  	s1 =	simm.s32 $0x0;
	s6 =	sor.u32 s30, s31;
	[sflag:s11] =	ssyncadd.s32 $0xFFFFC000  }
.LBB2_18:
0x27a: {  	p1 =	sne.s32 s4, $0xFF0;
	v5 =	vld [tilespmem:s6+$0x4080]  }
0x27b: {  	v6 =	vld [tilespmem:s6+$0x4000]  }
0x27c: {  	v7 =	vld [tilespmem:s6+$0x4100]  }
0x27d: {  	v8 =	vld [tilespmem:s6+$0x4180];
	_ =	sdelay $0x1  }
.Ltmp8:
0x27e: {  	(pc) =	sbr.rel @p1 .LBB2_18-.Ltmp8, $4  }
0x27f: {  	v5 =	vadd.s32 v6, v5  }
0x280: {  	s0 =	sadd.s32 $0x40, s0;
	v5 =	vadd.s32 v7, v5  }
0x281: {  	s1 =	sshra.s32 s1, $0x2;
	s7 =	sand.u32 $0x3E00, s0;
	s6 =	sand.u32 $0x70, s4;
	v5 =	vadd.s32 v8, v5  }
0x282: {  	s4 =	sadd.s32 $0x10, s4;
	s6 =	sor.u32 s6, s7;
	[tilespmem:s1+$0x3000] =	vst v5;
	s1 =	smov.u32 s0  }
0x283: {  	v5 =	vld [tilespmem:s6+$0x4080]  }
0x284: {  	v6 =	vld [tilespmem:s6+$0x4000]  }
0x285: {  	v7 =	vld [tilespmem:s6+$0x4100]  }
0x286: {  	v8 =	vld [tilespmem:s6+$0x4180];
	_ =	sdelay $0x2  }
0x287: {  	v5 =	vadd.s32 v6, v5  }
0x288: {  	v5 =	vadd.s32 v7, v5  }
0x289: {  	s0 =	sshra.s32 s1, $0x2;
	v5 =	vadd.s32 v8, v5  }
0x28a: {  	[tilespmem:s0+$0x3000] =	vst v5  }
0x28b: {  	s23 =	simm.s32 $0x3000;
	[bflag:$0x0] =	sbarrier.arrive $0xFFFF  }
0x28c: {  	v6 =	vld [tilespmem:s23+$0x0];
	_ =	sdelay $0x2  }
0x28d: {  	s24 =	simm.s32 $0x3010  }
0x28e: {  	v10 =	vld [tilespmem:s24+$0x0]  }
0x28f: {  	(xrf0) =	vadd.scan.msk.s32 $0xffff, v6;
	_ =	sdelay $0x3  }
0x290: {  	(xrf0) =	vadd.scan.msk.s32 $0xffff, v10;
	_ =	sdelay $0x1  }
0x291: {  	v7, _, _ =	vpop (xrf0)  }
0x292: {  	(v2sf) =	vpush v7, $0xF;
	_ =	sdelay $0x2  }
0x293: {  	v8, _, _ =	vpop (xrf0)  }
0x294: {  	(v2sf) =	vpush v8, $0xF  }
0x295: {  	s26 =	ssub.s32 $0x422666, s19;
	s23 =	simm.s32 $0x0  }
0x296: {  	s25 =	simm.s32 $0x3020;
	v5 =	vmov s26;
	v7 =	vadd.s32 s23, v7  }
0x297: {  	v11 =	vld [tilespmem:s25+$0x0];
	vm0 =	vge.s32 v7, v5  }
0x298: {  	v7 =	vnsel vm0, $0x80000010, v3  }
0x299: {  	(xrf0) =	vmin.scan.msk.u32 $0xffff, v7;
	_ =	sdelay $0x2  }
0x29a: {  	(xrf0) =	vadd.scan.msk.s32 $0xffff, v11;
	_ =	sdelay $0x2  }
0x29b: {  	s6 =	simm.s32 $0x3030;
	v7, _, _ =	vpop (xrf0);
	s4 =	spop (v2sf)  }
0x29c: {  	v9 =	vld [tilespmem:s6+$0x0];
	(v2sf) =	vpush v7, $0xF;
	s25 =	sadd.s32 $0x0, s4  }
0x29d: {  	v8 =	vadd.s32 s25, v8  }
0x29e: {  	v7, _, _ =	vpop (xrf0);
	vm2 =	vge.s32 v8, v5  }
0x29f: {  	(v2sf) =	vpush v7, $0xF;
	s7 =	spop (v2sf);
	v8 =	vnsel vm2, $0x80000010, v3  }
0x2a0: {  	s24 =	sadd.s32 s25, s7;
	(xrf0) =	vmin.scan.msk.u32 $0xffff, v8  }
0x2a1: {  	v7 =	vadd.s32 s24, v7;
	(xrf0) =	vadd.scan.msk.s32 $0xffff, v9  }
0x2a2: {  	vm1 =	vge.s32 v7, v5  }
0x2a3: {  	v7 =	vnsel vm1, $0x80000010, v3  }
0x2a4: {  	(xrf0) =	vmin.scan.msk.u32 $0xffff, v7;
	_ =	sdelay $0x1  }
0x2a5: {  	s8 =	simm.s32 $0x3040;
	v8, _, _ =	vpop (xrf0)  }
0x2a6: {  	v7 =	vld [tilespmem:s8+$0x0];
	(v2sf) =	vpush v8, $0xF;
	v8, _, _ =	vpop (xrf0)  }
0x2a7: {  	(v2sf) =	vpush v8, $0xF;
	_ =	sdelay $0x1  }
0x2a8: {  	v14, _, _ =	vpop (xrf0)  }
0x2a9: {  	s9 =	spop (v2sf);
	(v2sf) =	vpush v14, $0xF  }
0x2aa: {  	(xrf0) =	vadd.scan.msk.s32 $0xffff, v7;
	_ =	sdelay $0x1  }
0x2ab: {  	vm0 =	vmmov vm0;
	s10 =	sxor.u32 $0x80000000, s9;
	s4 =	spop (v2sf)  }
0x2ac: {  	[dreg:$0x9] =	wrdreg s26;
	vm0 =	vmmov vm0;
	v13 =	vmov s10;
	s26 =	sadd.s32 s24, s4  }
0x2ad: {  	v12 =	vsel vm0, $0x1, v1;
	vm0 =	vgt.s32 v13, v0;
	v8 =	vadd.s32 s26, v8  }
0x2ae: {  	(xrf0) =	vadd.scan.msk.s32 $0xffff, v12;
	v53 =	vnsel vm0, $0x0, v6;
	vm0 =	vge.s32 v8, v5  }
0x2af: {  	s12 =	simm.s32 $0x3050;
	(xrf0) =	vadd.scan.msk.s32 $0xffff, v53;
	v8 =	vnsel vm0, $0x80000010, v3;
	v54, _, _ =	vpop (xrf0)  }
0x2b0: {  	v6 =	vld [tilespmem:s12+$0x0];
	(xrf0) =	vmin.scan.msk.u32 $0xffff, v8;
	(v2sf) =	vpush v54, $0xF;
	_ =	sdelay $0x2  }
0x2b1: {  	vm2 =	vmmov vm2;
	s13 =	spop (v2sf)  }
0x2b2: {  	vm2 =	vmmov vm2;
	v8, _, _ =	vpop (xrf0);
	s14 =	sxor.u32 $0x80000000, s13;
	s15 =	spop (v2sf)  }
0x2b3: {  	v15 =	vsel vm2, $0x1, v1;
	(xrf0) =	vadd.scan.msk.s32 $0xffff, v6;
	(v2sf) =	vpush v8, $0xF;
	v8, _, _ =	vpop (xrf0);
	v56 =	vmov s14;
	s28 =	sadd.s32 s26, s15  }
0x2b4: {  	s7 =	simm.s32 $0x3060;
	(v2sf) =	vpush v8, $0xF;
	v8, _, _ =	vpop (xrf0);
	vm2 =	vgt.s32 v56, v0;
	v12 =	vadd.s32 s28, v54  }
0x2b5: {  	(xrf0) =	vadd.scan.msk.s32 $0xffff, v15;
	(v2sf) =	vpush v8, $0xF;
	v8 =	vld [tilespmem:s7+$0x0];
	s16 =	spop (v2sf);
	v10 =	vnsel vm2, $0x0, v10;
	vm2 =	vge.s32 v12, v5  }
0x2b6: {  	vm1 =	vmmov vm1;
	s17 =	sxor.u32 $0x80000000, s16;
	(xrf0) =	vadd.scan.msk.s32 $0xffff, v10;
	v10 =	vnsel vm2, $0x80000010, v3  }
0x2b7: {  	vm1 =	vmmov vm1;
	(xrf0) =	vmin.scan.msk.u32 $0xffff, v10;
	v10 =	vmov s17  }
0x2b8: {  	v57 =	vsel vm1, $0x1, v1;
	vm1 =	vgt.s32 v10, v0  }
0x2b9: {  	v55, _, _ =	vpop (xrf0);
	v10 =	vnsel vm1, $0x0, v11  }
0x2ba: {  	(v2sf) =	vpush v55, $0xF;
	(xrf0) =	vadd.scan.msk.s32 $0xffff, v8  }
0x2bb: {  	(xrf0) =	vadd.scan.msk.s32 $0xffff, v57  }
0x2bc: {  	(xrf0) =	vadd.scan.msk.s32 $0xffff, v10;
	v10, _, _ =	vpop (xrf0)  }
0x2bd: {  	s19 =	spop (v2sf);
	(v2sf) =	vpush v10, $0xF  }
0x2be: {  	s4 =	sadd.s32 $0x80000010, s13;
	s13 =	sadd.s32 s28, s19;
	v11, _, _ =	vpop (xrf0)  }
0x2bf: {  	(v2sf) =	vpush v11, $0xF;
	v11 =	vadd.s32 s13, v55;
	_ =	sdelay $0x1  }
0x2c0: {  	s30 =	simm.s32 $0x80000050;
	v58, _, _ =	vpop (xrf0)  }
0x2c1: {  	s29 =	simm.s32 $0x80000060;
	s7 =	sadd.s32 $0x80000000, s9;
	s9 =	simm.s32 $0x3070;
	(v2sf) =	vpush v58, $0xF;
	vm4 =	vge.s32 v11, v5;
	v11, _, _ =	vpop (xrf0)  }
0x2c2: {  	s31 =	simm.s32 $0x80000070;
	s20 =	spop (v2sf);
	v10 =	vld [tilespmem:s9+$0x0];
	v59 =	vnsel vm4, $0x80000010, v3;
	(v2sf) =	vpush v11, $0xF;
	v60, _, _ =	vpop (xrf0)  }
0x2c3: {  	p2 =	por $0x1, $0x1;
	s0 =	simm.s32 $0x80000040;
	s14 =	simm.s32 $0x80000080;
	(xrf0) =	vmin.scan.msk.u32 $0xffff, v59;
	(v2sf) =	vpush v60, $0xF;
	v61, _, _ =	vpop (xrf0)  }
0x2c4: {  	s19 =	simm.s32 $0x0;
	p1 =	sgt.s32 s20, $0x0;
	s22 =	spop (v2sf);
	(v2sf) =	vpush v61, $0xF  }
0x2c5: {  	vm0 =	vmmov vm0;
	p2 =	por !p2, !p1;
	s6 =	sadd.s32 $0x0, s22;
	s8 =	spop (v2sf)  }
0x2c6: {  	vm0 =	vmmov vm0;
	p2 =	por !p2, !p2;
	s22 =	simm.s32 $0x0;
	s10 =	sxor.u32 $0x80000000, s8  }
0x2c7: {  	v62 =	vsel vm0, $0x1, v1;
	s1 =	sadd.s32 $0x80000020, s16;
	vm1 =	vmmov vm2;
	s19 =	smov.u32 @p2 s7;
	s22 =	smov.u32 @p2 s6;
	v63 =	vmov s10;
	(xrf0) =	vadd.scan.msk.s32 $0xffff, v10  }
0x2c8: {  	vm1 =	vmmov vm1;
	s8 =	sadd.s32 $0x80000030, s8;
	s10 =	smov.u32 s13;
	vm3 =	vgt.s32 v63, v0;
	vm0 =	vmmov vm4;
	s6 =	spop (v2sf);
	(xrf0) =	vadd.scan.msk.s32 $0xffff, v62  }
.LBB2_20:
0x2c9: {  	p2 =	sne.s32 s14, $0x80000FF0;
	s13 =	sadd.s32 s13, s6;
	v12, _, _ =	vpop (xrf0)  }
0x2ca: {  	v13 =	vnsel vm3, $0x0, v9;
	v9 =	vmovc v7;
	v7 =	vmovc v6;
	v6 =	vmov v8;
	v8 =	vmov v10;
	s6 =	smov.u32 s0;
	s0 =	smov.u32 s30;
	s30 =	smov.u32 s29  }
0x2cb: {  	s9 =	sadd.s32 $0x10, s9;
	s23 =	simm.s32 @p1 $0x1;
	v14 =	vadd.s32 s13, v11;
	(v2sf) =	vpush v12, $0xF;
	(xrf0) =	vadd.scan.msk.s32 $0xffff, v13;
	s7 =	spop (v2sf)  }
0x2cc: {  	s29 =	smov.u32 s31;
	p3 =	seq.s32 s23, $0x0;
	v10 =	vld [tilespmem:s9+$0x0];
	vm2 =	vge.s32 v14, v5;
	p1 =	sgt.s32 s7, $0x0  }
0x2cd: {  	s31 =	smov.u32 s14;
	v11, _, _ =	vpop (xrf0);
	v13 =	vnsel vm2, $0x80000010, v3;
	p3 =	por !p3, !p1;
	s7 =	spop (v2sf)  }
0x2ce: {  	(v2sf) =	vpush v11, $0xF;
	(xrf0) =	vmin.scan.msk.u32 $0xffff, v13;
	s7 =	sadd.s32 s25, s7;
	p3 =	por !p3, !p3;
	s25 =	smov.u32 s24  }
.Ltmp9:
0x2cf: {  	v12, _, _ =	vpop (xrf0);
	s19 =	smov.u32 @p3 s4;
	s22 =	smov.u32 @p3 s7;
	(pc) =	sbr.rel @p2 .LBB2_20-.Ltmp9, $4  }
0x2d0: {  	s24 =	smov.u32 s26;
	s26 =	smov.u32 s28;
	s4 =	spop (v2sf);
	(v2sf) =	vpush v12, $0xF  }
0x2d1: {  	s28 =	smov.u32 s10;
	(xrf0) =	vadd.scan.msk.s32 $0xffff, v10;
	s7 =	sxor.u32 $0x80000000, s4;
	s12 =	sadd.s32 s6, s4;
	v12, _, _ =	vpop (xrf0)  }
0x2d2: {  	v13 =	vsel vm1, $0x1, v1;
	s10 =	smov.u32 s13;
	s4 =	smov.u32 s1;
	s1 =	smov.u32 s8;
	v14 =	vmov s7;
	(v2sf) =	vpush v12, $0xF  }
0x2d3: {  	s14 =	sadd.s32 $0x10, s14;
	vm1 =	vmmov vm0;
	vm0 =	vmmov vm2;
	s8 =	smov.u32 s12;
	s6 =	spop (v2sf);
	vm3 =	vgt.s32 v14, v0;
	(xrf0) =	vadd.scan.msk.s32 $0xffff, v13  }
0x2d4: {  	_ =	sdelay $0x5  }
0x2d5: {  	s14 =	sadd.s32 s13, s6;
	s15 =	spop (v2sf)  }
0x2d6: {  	v11 =	vadd.s32 s14, v11;
	s16 =	spop (v2sf)  }
0x2d7: {  	v9 =	vnsel vm3, $0x0, v9;
	vm2 =	vge.s32 v11, v5;
	[dreg:$0xd] =	wrdreg s16;
	s16 =	spop (v2sf)  }
0x2d8: {  	v61, _, _ =	vpop (xrf0);
	(xrf0) =	vadd.scan.msk.s32 $0xffff, v9;
	v60 =	vnsel vm2, $0x80000010, v3;
	s7 =	sxor.u32 $0x80000000, s16;
	s12 =	spop (v2sf)  }
0x2d9: {  	v62, _, _ =	vpop (xrf0);
	(xrf0) =	vmin.scan.msk.u32 $0xffff, v60;
	v12 =	vmov s7;
	s17 =	sadd.s32 s14, s12  }
0x2da: {  	v13 =	vsel vm1, $0x1, v1;
	vm10 =	vgt.s32 v12, v0;
	v63 =	vadd.s32 s17, v62  }
0x2db: {  	(xrf0) =	vadd.scan.msk.s32 $0xffff, v13;
	v7 =	vnsel vm10, $0x0, v7;
	vm11 =	vge.s32 v63, v5  }
0x2dc: {  	(v2sf) =	vpush v61, $0xF;
	v5, _, _ =	vpop (xrf0);
	(xrf0) =	vadd.scan.msk.s32 $0xffff, v7;
	v7 =	vnsel vm11, $0x80000010, v3  }
0x2dd: {  	(v2sf) =	vpush v62, $0xF;
	(xrf0) =	vmin.scan.msk.u32 $0xffff, v7  }
0x2de: {  	(v2sf) =	vpush v5, $0xF;
	v5, _, _ =	vpop (xrf0)  }
0x2df: {  	(v2sf) =	vpush v5, $0xF;
	v5, _, _ =	vpop (xrf0)  }
0x2e0: {  	(v2sf) =	vpush v5, $0xF  }
0x2e1: {  	v5, _, _ =	vpop (xrf0)  }
0x2e2: {  	(v2sf) =	vpush v5, $0xF;
	v5, _, _ =	vpop (xrf0)  }
0x2e3: {  	(v2sf) =	vpush v5, $0xF;
	v5, _, _ =	vpop (xrf0)  }
0x2e4: {  	(v2sf) =	vpush v5, $0xF;
	_ =	sdelay $0x4  }
0x2e5: {  	s12 =	spop (v2sf)  }
0x2e6: {  	s20 =	spop (v2sf)  }
0x2e7: {  	[dreg:$0xb] =	wrdreg s17;
	s17 =	spop (v2sf)  }
0x2e8: {  	s6 =	spop (v2sf)  }
0x2e9: {  	vm0 =	vmmov vm0;
	s7 =	sxor.u32 $0x80000000, s17;
	s13 =	spop (v2sf)  }
0x2ea: {  	v7 =	vsel vm0, $0x1, v1;
	v5 =	vmov s7;
	s7 =	spop (v2sf)  }
0x2eb: {  	[dreg:$0xf] =	wrdreg s15;
	(xrf0) =	vadd.scan.msk.s32 $0xffff, v7;
	vm12 =	vgt.s32 v5, v0;
	s15 =	spop (v2sf)  }
0x2ec: {  	vm2 =	vmmov vm2;
	v5 =	vnsel vm12, $0x0, v6;
	s9 =	sxor.u32 $0x80000000, s15  }
0x2ed: {  	vm2 =	vmmov vm2;
	(xrf0) =	vadd.scan.msk.s32 $0xffff, v5;
	s6 =	spop (v2sf);
	v6 =	vmov s9  }
0x2ee: {  	vm13 =	vmmov vm11;
	v5 =	vsel vm2, $0x1, v1;
	vm14 =	vgt.s32 v6, v0;
	s9 =	spop (v2sf)  }
0x2ef: {  	vm0 =	vmmov vm13;
	(xrf0) =	vadd.scan.msk.s32 $0xffff, v5;
	[dreg:$0x10] =	wrdreg s7;
	v5 =	vnsel vm14, $0x0, v8;
	s7 =	spop (v2sf)  }
0x2f0: {  	[dreg:$0x11] =	wrdreg s20;
	(xrf0) =	vadd.scan.msk.s32 $0xffff, v5;
	v5 =	vsel vm0, $0x1, v1;
	s20 =	sxor.u32 $0x80000000, s7  }
0x2f1: {  	v6, _, _ =	vpop (xrf0);
	(xrf0) =	vadd.scan.msk.s32 $0xffff, v5;
	v5 =	vmov s20  }
0x2f2: {  	(v2sf) =	vpush v6, $0xF;
	vm15 =	vgt.s32 v5, v0  }
0x2f3: {  	v7, _, _ =	vpop (xrf0);
	v6 =	vnsel vm15, $0x0, v10  }
0x2f4: {  	s0 =	sadd.s32 s0, s16;
	s16 =	rddreg [dreg:$0x10];
	(v2sf) =	vpush v7, $0xF;
	(xrf0) =	vadd.scan.msk.s32 $0xffff, v6  }
0x2f5: {  	s23 =	simm.s32 @p1 $0x1;
	s20 =	rddreg [dreg:$0xf];
	v5, _, _ =	vpop (xrf0)  }
0x2f6: {  	p2 =	seq.s32 s23, $0x0;
	p1 =	sgt.s32 s20, $0x0;
	s20 =	rddreg [dreg:$0xd];
	(v2sf) =	vpush v5, $0xF;
	v5, _, _ =	vpop (xrf0)  }
0x2f7: {  	p4 =	sgt.s32 s6, $0x0;
	p2 =	por !p2, !p1;
	s20 =	sadd.s32 s25, s20;
	(v2sf) =	vpush v5, $0xF;
	v5, _, _ =	vpop (xrf0)  }
0x2f8: {  	s23 =	simm.s32 @p1 $0x1;
	p1 =	sgt.s32 s12, $0x0;
	p2 =	por !p2, !p2;
	(v2sf) =	vpush v5, $0xF  }
0x2f9: {  	p5 =	seq.s32 s23, $0x0;
	s23 =	simm.s32 @p1 $0x1;
	s19 =	smov.u32 @p2 s4  }
0x2fa: {  	s22 =	smov.u32 @p2 s20;
	p2 =	por !p5, !p1;
	p1 =	sgt.s32 s13, $0x0;
	v5, _, _ =	vpop (xrf0)  }
0x2fb: {  	p3 =	seq.s32 s23, $0x0;
	s13 =	rddreg [dreg:$0x11];
	p2 =	por !p2, !p2;
	(v2sf) =	vpush v5, $0xF  }
0x2fc: {  	s4 =	sadd.s32 s24, s13;
	s23 =	simm.s32 @p1 $0x1;
	p1 =	por !p3, !p1  }
0x2fd: {  	s19 =	smov.u32 @p2 s1;
	p6 =	seq.s32 s23, $0x0;
	s22 =	smov.u32 @p2 s4  }
0x2fe: {  	p1 =	por !p1, !p1;
	s1 =	sadd.s32 s26, s16;
	s4 =	sadd.s32 s30, s17  }
0x2ff: {  	s23 =	simm.s32 @p4 $0x1;
	p5 =	por !p6, !p4;
	s19 =	smov.u32 @p1 s8  }
0x300: {  	s22 =	smov.u32 @p1 s1;
	p6 =	seq.s32 s23, $0x0;
	p2 =	por !p5, !p5  }
0x301: {  	s19 =	smov.u32 @p2 s0;
	s0 =	sadd.s32 s28, s9;
	s20 =	spop (v2sf)  }
0x302: {  	s22 =	smov.u32 @p2 s0;
	s0 =	simm.s32 $0x40;
	p1 =	sgt.s32 s20, $0x0  }
0x303: {  	s24 =	spop (v2sf);
	p3 =	por !p6, !p1;
	s23 =	simm.s32 @p1 $0x1  }
0x304: {  	s1 =	sadd.s32 s10, s24;
	p4 =	seq.s32 s23, $0x0;
	p2 =	por !p3, !p3  }
0x305: {  	s19 =	smov.u32 @p2 s4;
	s22 =	smov.u32 @p2 s1;
	s25 =	spop (v2sf)  }
0x306: {  	[tilespmem:s0+$0xFFFFFFC0] =	vst v1;
	s1 =	sadd.s32 s29, s15;
	s4 =	sadd.s32 s31, s7;
	s26 =	spop (v2sf)  }
0x307: {  	[tilespmem:s0+$0x30] =	vst v1;
	s31 =	rddreg [dreg:$0xb];
	p1 =	sgt.s32 s25, $0x0;
	s28 =	spop (v2sf)  }
0x308: {  	[tilespmem:s0+$0x20] =	vst v1;
	s23 =	simm.s32 @p1 $0x1;
	p1 =	por !p4, !p1;
	s6 =	sadd.s32 s14, s26  }
0x309: {  	[tilespmem:s0+$0x10] =	vst v1;
	p6 =	sgt.s32 s28, $0x0;
	p5 =	seq.s32 s23, $0x0;
	p1 =	por !p1, !p1  }
0x30a: {  	[tilespmem:s0+$0x0] =	vst v1;
	p6 =	por !p5, !p6;
	s19 =	smov.u32 @p1 s1;
	s30 =	spop (v2sf)  }
0x30b: {  	[tilespmem:s0+$0xFFFFFFF0] =	vst v1;
	s22 =	smov.u32 @p1 s6;
	p1 =	por !p6, !p6;
	s1 =	sadd.s32 s31, s30  }
0x30c: {  	[tilespmem:s0+$0xFFFFFFE0] =	vst v1;
	s19 =	smov.u32 @p1 s4;
	s22 =	smov.u32 @p1 s1;
	s1 =	simm.s32 $0x0  }
.LBB2_22:
0x30d: {  	s1 =	sadd.s32 $0x8, s1;
	[tilespmem:s0+$0xFFFFFFD0] =	vst v1;
	s0 =	sadd.s32 $0x80, s0  }
0x30e: {  	[tilespmem:s0+$0xFFFFFFC0] =	vst v1;
	p1 =	slt.u32 s1, $0xF8  }
0x30f: {  	[tilespmem:s0+$0x30] =	vst v1  }
.Ltmp10:
0x310: {  	[tilespmem:s0+$0x20] =	vst v1;
	(pc) =	sbr.rel @p1 .LBB2_22-.Ltmp10, $4  }
0x311: {  	[tilespmem:s0+$0x10] =	vst v1  }
0x312: {  	[tilespmem:s0+$0x0] =	vst v1  }
0x313: {  	[tilespmem:s0+$0xFFFFFFF0] =	vst v1  }
0x314: {  	[tilespmem:s0+$0xFFFFFFE0] =	vst v1  }
0x315: {  	p1 =	sgt.s32 s21, $0x8000  }
.Ltmp11:
0x316: {  	_ = 	snop;
	(pc) =	sbr.rel @p1 .LBB2_26-.Ltmp11, $2  }
0x317: {  	_ =	sdelay $0x2  }
0x318: {  	[tilespmem:s0+$0xFFFFFFD0] =	vst v1;
	s16 =	simm.s32 $0x1000  }
0x319: {  	v4 =	vmov s19;
	v5 =	vmov s21;
	s0 =	simm.s32 $0xFFFFFFF8;
	s1 =	simm.s32 $0x70;
	s4 =	simm.s32 $0x80C0  }
.LBB2_25:
0x31a: {  	v6 =	vld [tilespmem:s4+$0xFFFFFFC0];
	_ =	sdelay $0x4  }
0x31b: {  	s6 =	sadd.s32 $0xFFFFFF90, s1;
	v7 =	vshrl.u32 v6, $0x8  }
0x31c: {  	v8 =	vor.u32 s6, v0;
	v7 =	vand.u32 $0xFFF, v7  }
0x31d: {  	vm0 =	vlt.s32 v8, v5;
	vm1 =	veq.s32 v7, v4  }
0x31e: {  	vm0 =	vmand vm0, vm1  }
0x31f: {  	v6 =	vand.u32 $0xFF, v6;
	_ =	sdelay $0x4  }
0x320: {  	[tilespmem:v6+s2+$0x0] =	vst.idx.add.s32.msk vm0, v2  }
0x321: {  	v6 =	vld [tilespmem:s4+$0xFFFFFFD0];
	_ =	sdelay $0x4  }
0x322: {  	s25 =	sadd.s32 $0xFFFFFFA0, s1;
	v7 =	vshrl.u32 v6, $0x8  }
0x323: {  	v57 =	vor.u32 s25, v0;
	v7 =	vand.u32 $0xFFF, v7  }
0x324: {  	vm14 =	vlt.s32 v57, v5;
	vm15 =	veq.s32 v7, v4  }
0x325: {  	vm0 =	vmand vm14, vm15  }
0x326: {  	v6 =	vand.u32 $0xFF, v6;
	_ =	sdelay $0x4  }
0x327: {  	[tilespmem:v6+s2+$0x0] =	vst.idx.add.s32.msk vm0, v2  }
0x328: {  	v6 =	vld [tilespmem:s4+$0xFFFFFFE0];
	_ =	sdelay $0x4  }
0x329: {  	s26 =	sadd.s32 $0xFFFFFFB0, s1;
	v7 =	vshrl.u32 v6, $0x8  }
0x32a: {  	v58 =	vor.u32 s26, v0;
	v7 =	vand.u32 $0xFFF, v7  }
0x32b: {  	vm4 =	vlt.s32 v58, v5;
	vm5 =	veq.s32 v7, v4  }
0x32c: {  	vm0 =	vmand vm4, vm5  }
0x32d: {  	v6 =	vand.u32 $0xFF, v6;
	_ =	sdelay $0x4  }
0x32e: {  	[tilespmem:v6+s2+$0x0] =	vst.idx.add.s32.msk vm0, v2  }
0x32f: {  	v6 =	vld [tilespmem:s4+$0xFFFFFFF0];
	_ =	sdelay $0x4  }
0x330: {  	s28 =	sadd.s32 $0xFFFFFFC0, s1;
	v7 =	vshrl.u32 v6, $0x8  }
0x331: {  	v59 =	vor.u32 s28, v0;
	v7 =	vand.u32 $0xFFF, v7  }
0x332: {  	vm6 =	vlt.s32 v59, v5;
	vm7 =	veq.s32 v7, v4  }
0x333: {  	vm0 =	vmand vm6, vm7  }
0x334: {  	v6 =	vand.u32 $0xFF, v6;
	_ =	sdelay $0x4  }
0x335: {  	[tilespmem:v6+s2+$0x0] =	vst.idx.add.s32.msk vm0, v2  }
0x336: {  	v6 =	vld [tilespmem:s4+$0x0];
	_ =	sdelay $0x4  }
0x337: {  	s29 =	sadd.s32 $0xFFFFFFD0, s1;
	v7 =	vshrl.u32 v6, $0x8  }
0x338: {  	v60 =	vor.u32 s29, v0;
	v7 =	vand.u32 $0xFFF, v7  }
0x339: {  	vm8 =	vlt.s32 v60, v5;
	vm9 =	veq.s32 v7, v4  }
0x33a: {  	vm0 =	vmand vm8, vm9  }
0x33b: {  	v6 =	vand.u32 $0xFF, v6;
	_ =	sdelay $0x4  }
0x33c: {  	[tilespmem:v6+s2+$0x0] =	vst.idx.add.s32.msk vm0, v2  }
0x33d: {  	v6 =	vld [tilespmem:s4+$0x10];
	_ =	sdelay $0x4  }
0x33e: {  	s30 =	sadd.s32 $0xFFFFFFE0, s1;
	v7 =	vshrl.u32 v6, $0x8  }
0x33f: {  	v61 =	vor.u32 s30, v0;
	v7 =	vand.u32 $0xFFF, v7  }
0x340: {  	vm10 =	vlt.s32 v61, v5;
	vm11 =	veq.s32 v7, v4  }
0x341: {  	vm0 =	vmand vm10, vm11  }
0x342: {  	v6 =	vand.u32 $0xFF, v6;
	_ =	sdelay $0x4  }
0x343: {  	[tilespmem:v6+s2+$0x0] =	vst.idx.add.s32.msk vm0, v2  }
0x344: {  	v6 =	vld [tilespmem:s4+$0x20];
	_ =	sdelay $0x4  }
0x345: {  	s31 =	sadd.s32 $0xFFFFFFF0, s1;
	v7 =	vshrl.u32 v6, $0x8  }
0x346: {  	v62 =	vor.u32 s31, v0;
	v7 =	vand.u32 $0xFFF, v7  }
0x347: {  	vm12 =	vlt.s32 v62, v5;
	vm13 =	veq.s32 v7, v4  }
0x348: {  	vm0 =	vmand vm12, vm13  }
0x349: {  	v6 =	vand.u32 $0xFF, v6;
	_ =	sdelay $0x4  }
0x34a: {  	[tilespmem:v6+s2+$0x0] =	vst.idx.add.s32.msk vm0, v2  }
0x34b: {  	v6 =	vld [tilespmem:s4+$0x30];
	_ =	sdelay $0x4  }
0x34c: {  	v7 =	vshrl.u32 v6, $0x8  }
0x34d: {  	v63 =	vor.u32 s1, v0;
	v7 =	vand.u32 $0xFFF, v7  }
0x34e: {  	vm14 =	vlt.s32 v63, v5;
	vm15 =	veq.s32 v7, v4  }
0x34f: {  	s0 =	sadd.s32 $0x8, s0;
	vm0 =	vmand vm14, vm15  }
0x350: {  	p1 =	slt.u32 s0, $0x7F8;
	v6 =	vand.u32 $0xFF, v6  }
.Ltmp12:
0x351: {  	_ = 	snop;
	(pc) =	sbr.rel @p1 .LBB2_25-.Ltmp12, $2  }
0x352: {  	_ =	sdelay $0x2  }
0x353: {  	s1 =	sadd.s32 $0x80, s1;
	s4 =	sadd.s32 $0x80, s4;
	[tilespmem:v6+s2+$0x0] =	vst.idx.add.s32.msk vm0, v2  }
.Ltmp13:
0x354: {  	_ = 	snop;
	(pc) =	sbr.rel .LBB2_30-.Ltmp13, $1  }
0x355: {  	_ =	sdelay $0x3  }
.LBB2_26:
0x356: {  	s0 =	sshll.u32 s18, $0xC  }
0x357: {  	s0 =	sor.u32 s0, s19  }
0x358: {  	v5 =	vmov s0;
	s0 =	simm.s32 $0x0  }
.LBB2_27:
0x359: {  	s1 =	sshll.u32 s0, $0xD  }
0x35a: {  	s1 =	sadd.s32 s5, s1  }
0x35b: {  	s1 =	sshrl.u32 s1, $0x3  }
0x35c: {  	s1 =	sadd.s32 s3, s1  }
0x35d: {  	[tilespmem:s16], [sflag:$0x1] =	stream.linear.gather [hbm4b:s1+s2], $0x2000, $0x38;
	[tilespmem:$0x11180] =	vst v63  }
0x35e: {  	_ =	swait.ge [sflag:s11], $0x2000  }
0x35f: {  	[sflag:s11] =	ssyncset.done $0x0  }
0x360: {  	s4 =	simm.s32 $0x1040;
	s1 =	simm.s32 $0xFFFFFFF8;
	[sflag:s11] =	ssyncadd.s32 $0xFFFFE000  }
.LBB2_28:
0x361: {  	v6 =	vld [tilespmem:s4+$0xFFFFFFC0];
	_ =	sdelay $0x4  }
0x362: {  	v7 =	vshra.s32 v6, $0x1F  }
0x363: {  	v7 =	vor.u32 v4, v7  }
0x364: {  	v6 =	vxor.u32 v6, v7  }
0x365: {  	v7 =	vshrl.u32 v6, $0x8  }
0x366: {  	vm0 =	veq.s32 v7, v5  }
0x367: {  	v6 =	vand.u32 $0xFF, v6;
	_ =	sdelay $0x4  }
0x368: {  	[tilespmem:v6+s2+$0x0] =	vst.idx.add.s32.msk vm0, v2  }
0x369: {  	v6 =	vld [tilespmem:s4+$0xFFFFFFD0];
	_ =	sdelay $0x4  }
0x36a: {  	v7 =	vshra.s32 v6, $0x1F  }
0x36b: {  	v7 =	vor.u32 v4, v7  }
0x36c: {  	v6 =	vxor.u32 v6, v7  }
0x36d: {  	v7 =	vshrl.u32 v6, $0x8  }
0x36e: {  	vm9 =	veq.s32 v7, v5  }
0x36f: {  	v6 =	vand.u32 $0xFF, v6;
	_ =	sdelay $0x4  }
0x370: {  	[tilespmem:v6+s2+$0x0] =	vst.idx.add.s32.msk vm9, v2  }
0x371: {  	v6 =	vld [tilespmem:s4+$0xFFFFFFE0];
	_ =	sdelay $0x4  }
0x372: {  	v7 =	vshra.s32 v6, $0x1F  }
0x373: {  	v7 =	vor.u32 v4, v7  }
0x374: {  	v6 =	vxor.u32 v6, v7  }
0x375: {  	v7 =	vshrl.u32 v6, $0x8  }
0x376: {  	vm10 =	veq.s32 v7, v5  }
0x377: {  	v6 =	vand.u32 $0xFF, v6;
	_ =	sdelay $0x4  }
0x378: {  	[tilespmem:v6+s2+$0x0] =	vst.idx.add.s32.msk vm10, v2  }
0x379: {  	v6 =	vld [tilespmem:s4+$0xFFFFFFF0];
	_ =	sdelay $0x4  }
0x37a: {  	v7 =	vshra.s32 v6, $0x1F  }
0x37b: {  	v7 =	vor.u32 v4, v7  }
0x37c: {  	v6 =	vxor.u32 v6, v7  }
0x37d: {  	v7 =	vshrl.u32 v6, $0x8  }
0x37e: {  	vm11 =	veq.s32 v7, v5  }
0x37f: {  	v6 =	vand.u32 $0xFF, v6;
	_ =	sdelay $0x4  }
0x380: {  	[tilespmem:v6+s2+$0x0] =	vst.idx.add.s32.msk vm11, v2  }
0x381: {  	v6 =	vld [tilespmem:s4+$0x0];
	_ =	sdelay $0x4  }
0x382: {  	v7 =	vshra.s32 v6, $0x1F  }
0x383: {  	v7 =	vor.u32 v4, v7  }
0x384: {  	v6 =	vxor.u32 v6, v7  }
0x385: {  	v7 =	vshrl.u32 v6, $0x8  }
0x386: {  	vm12 =	veq.s32 v7, v5  }
0x387: {  	v6 =	vand.u32 $0xFF, v6;
	_ =	sdelay $0x4  }
0x388: {  	[tilespmem:v6+s2+$0x0] =	vst.idx.add.s32.msk vm12, v2  }
0x389: {  	v6 =	vld [tilespmem:s4+$0x10];
	_ =	sdelay $0x4  }
0x38a: {  	v7 =	vshra.s32 v6, $0x1F  }
0x38b: {  	v7 =	vor.u32 v4, v7  }
0x38c: {  	v6 =	vxor.u32 v6, v7  }
0x38d: {  	v7 =	vshrl.u32 v6, $0x8  }
0x38e: {  	vm13 =	veq.s32 v7, v5  }
0x38f: {  	v6 =	vand.u32 $0xFF, v6;
	_ =	sdelay $0x4  }
0x390: {  	[tilespmem:v6+s2+$0x0] =	vst.idx.add.s32.msk vm13, v2  }
0x391: {  	v6 =	vld [tilespmem:s4+$0x20];
	_ =	sdelay $0x4  }
0x392: {  	v7 =	vshra.s32 v6, $0x1F  }
0x393: {  	v7 =	vor.u32 v4, v7  }
0x394: {  	v6 =	vxor.u32 v6, v7  }
0x395: {  	v7 =	vshrl.u32 v6, $0x8  }
0x396: {  	vm14 =	veq.s32 v7, v5  }
0x397: {  	v6 =	vand.u32 $0xFF, v6;
	_ =	sdelay $0x4  }
0x398: {  	[tilespmem:v6+s2+$0x0] =	vst.idx.add.s32.msk vm14, v2  }
0x399: {  	v6 =	vld [tilespmem:s4+$0x30];
	_ =	sdelay $0x4  }
0x39a: {  	v7 =	vshra.s32 v6, $0x1F  }
0x39b: {  	v7 =	vor.u32 v4, v7  }
0x39c: {  	v6 =	vxor.u32 v6, v7  }
0x39d: {  	v7 =	vshrl.u32 v6, $0x8  }
0x39e: {  	s1 =	sadd.s32 $0x8, s1;
	vm15 =	veq.s32 v7, v5  }
0x39f: {  	p1 =	slt.u32 s1, $0x1F8;
	v6 =	vand.u32 $0xFF, v6  }
.Ltmp14:
0x3a0: {  	_ = 	snop;
	(pc) =	sbr.rel @p1 .LBB2_28-.Ltmp14, $2  }
0x3a1: {  	_ =	sdelay $0x2  }
0x3a2: {  	s4 =	sadd.s32 $0x80, s4;
	[tilespmem:v6+s2+$0x0] =	vst.idx.add.s32.msk vm15, v2  }
0x3a3: {  	s0 =	sadd.s32 $0x1, s0  }
0x3a4: {  	p1 =	sne.s32 s0, $0x93  }
.Ltmp15:
0x3a5: {  	_ = 	snop;
	(pc) =	sbr.rel @p1 .LBB2_27-.Ltmp15, $1  }
0x3a6: {  	_ =	sdelay $0x3  }
.LBB2_30:
0x3a7: {  	s0 =	simm.s32 $0x0  }
0x3a8: {  	s1 =	rddreg [dreg:$0x4];
	s4 =	simm.s32 $0x80;
	s6 =	simm.s32 $0x400  }
0x3a9: {  	[spmem:s1] =	stream.strided.scatter [tilespmem:s0], [sflag:$0x1], $0x1000, s6, s4, $0x38;
	[tilespmem:$0x11180] =	vst v63  }
0x3aa: {  	_ =	swait.ge [sflag:s11], $0x1000  }
0x3ab: {  	[sflag:s11] =	ssyncset.done $0x0  }
0x3ac: {  	[sflag:s11] =	ssyncadd.s32 $0xFFFFF000  }
0x3ad: {  	s28 =	simm.s32 $0x200;
	[bflag:$0x0] =	sbarrier.arrive $0xFFFF  }
0x3ae: {  	s7 =	simm.s32 $0x4000;
	s30 =	sand.u32 $0x70, s0;
	s26 =	rddreg [dreg:$0x5]  }
0x3af: {  	[tilespmem:s7], [sflag:$0x1] =	stream.strided.gather [spmem:s26], $0x4000, s6, s28, $0x38;
	[tilespmem:$0x11180] =	vst v63  }
0x3b0: {  	s31 =	sand.u32 $0x3E00, s0;
	s4 =	simm.s32 $0x0;
	_ =	swait.ge [sflag:s11], $0x4000  }
0x3b1: {  	s7 =	sor.u32 s30, s31;
	s29 =	rddreg [dreg:$0x9];
	[sflag:s11] =	ssyncset.done $0x0  }
0x3b2: {  	s6 =	simm.s32 $0x10;
	s1 =	ssub.s32 s29, s22;
	[sflag:s11] =	ssyncadd.s32 $0xFFFFC000  }
.LBB2_31:
0x3b3: {  	p1 =	sne.s32 s6, $0xFF0;
	v4 =	vld [tilespmem:s7+$0x4080]  }
0x3b4: {  	v5 =	vld [tilespmem:s7+$0x4000]  }
0x3b5: {  	v6 =	vld [tilespmem:s7+$0x4100]  }
0x3b6: {  	v7 =	vld [tilespmem:s7+$0x4180];
	_ =	sdelay $0x1  }
.Ltmp16:
0x3b7: {  	(pc) =	sbr.rel @p1 .LBB2_31-.Ltmp16, $4  }
0x3b8: {  	v4 =	vadd.s32 v5, v4  }
0x3b9: {  	s0 =	sadd.s32 $0x40, s0;
	v4 =	vadd.s32 v6, v4  }
0x3ba: {  	s4 =	sshra.s32 s4, $0x2;
	s8 =	sand.u32 $0x3E00, s0;
	s7 =	sand.u32 $0x70, s6;
	v4 =	vadd.s32 v7, v4  }
0x3bb: {  	s6 =	sadd.s32 $0x10, s6;
	s7 =	sor.u32 s7, s8;
	[tilespmem:s4+$0x3000] =	vst v4;
	s4 =	smov.u32 s0  }
0x3bc: {  	v4 =	vld [tilespmem:s7+$0x4080]  }
0x3bd: {  	v5 =	vld [tilespmem:s7+$0x4000]  }
0x3be: {  	v6 =	vld [tilespmem:s7+$0x4100]  }
0x3bf: {  	v7 =	vld [tilespmem:s7+$0x4180];
	_ =	sdelay $0x2  }
0x3c0: {  	v4 =	vadd.s32 v5, v4  }
0x3c1: {  	v4 =	vadd.s32 v6, v4  }
0x3c2: {  	s0 =	sshra.s32 s4, $0x2;
	v4 =	vadd.s32 v7, v4  }
0x3c3: {  	[tilespmem:s0+$0x3000] =	vst v4  }
0x3c4: {  	s22 =	simm.s32 $0x3000;
	[bflag:$0x0] =	sbarrier.arrive $0xFFFF  }
0x3c5: {  	v4 =	vld [tilespmem:s22+$0x0];
	_ =	sdelay $0x2  }
0x3c6: {  	s23 =	simm.s32 $0x3010  }
0x3c7: {  	v5 =	vld [tilespmem:s23+$0x0]  }
0x3c8: {  	(xrf0) =	vadd.scan.msk.s32 $0xffff, v4;
	_ =	sdelay $0x3  }
0x3c9: {  	(xrf0) =	vadd.scan.msk.s32 $0xffff, v5;
	_ =	sdelay $0x1  }
0x3ca: {  	s0 =	simm.s32 $0x0;
	v5, _, _ =	vpop (xrf0)  }
0x3cb: {  	(v2sf) =	vpush v5, $0xF;
	v5 =	vadd.s32 s0, v5;
	_ =	sdelay $0x1  }
0x3cc: {  	v4 =	vmov s1  }
0x3cd: {  	vm0 =	vge.s32 v5, v4;
	v5, _, _ =	vpop (xrf0)  }
0x3ce: {  	(v2sf) =	vpush v5, $0xF;
	_ =	sdelay $0x2  }
0x3cf: {  	s24 =	simm.s32 $0x3020;
	v7 =	vsel vm0, $0x1, v1  }
0x3d0: {  	v6 =	vld [tilespmem:s24+$0x0];
	(xrf0) =	vadd.scan.msk.s32 $0xffff, v7;
	_ =	sdelay $0x1  }
0x3d1: {  	v8 =	vnsel vm0, $0x80000010, v3  }
0x3d2: {  	(xrf0) =	vmin.scan.msk.u32 $0xffff, v8;
	_ =	sdelay $0x1  }
0x3d3: {  	(xrf0) =	vadd.scan.msk.s32 $0xffff, v6  }
0x3d4: {  	v6, _, _ =	vpop (xrf0)  }
0x3d5: {  	(v2sf) =	vpush v6, $0xF;
	s25 =	spop (v2sf)  }
0x3d6: {  	s1 =	sadd.s32 $0x0, s25  }
0x3d7: {  	s26 =	simm.s32 $0x3030;
	v6, _, _ =	vpop (xrf0);
	v5 =	vadd.s32 s1, v5  }
0x3d8: {  	v7 =	vld [tilespmem:s26+$0x0];
	(v2sf) =	vpush v6, $0xF;
	vm14 =	vge.s32 v5, v4  }
0x3d9: {  	v6, _, _ =	vpop (xrf0);
	s28 =	spop (v2sf);
	v5 =	vsel vm14, $0x1, v1  }
0x3da: {  	(v2sf) =	vpush v6, $0xF;
	v8 =	vnsel vm14, $0x80000010, v3;
	s29 =	sadd.s32 s1, s28;
	(xrf0) =	vadd.scan.msk.s32 $0xffff, v5  }
0x3db: {  	v5 =	vadd.s32 s29, v6;
	(xrf0) =	vmin.scan.msk.u32 $0xffff, v8  }
0x3dc: {  	vm15 =	vge.s32 v5, v4  }
0x3dd: {  	(xrf0) =	vadd.scan.msk.s32 $0xffff, v7;
	v5 =	vsel vm15, $0x1, v1;
	_ =	sdelay $0x2  }
0x3de: {  	(xrf0) =	vadd.scan.msk.s32 $0xffff, v5;
	v5, _, _ =	vpop (xrf0)  }
0x3df: {  	s6 =	simm.s32 $0x3040;
	(v2sf) =	vpush v5, $0xF;
	v5, _, _ =	vpop (xrf0)  }
0x3e0: {  	v6 =	vld [tilespmem:s6+$0x0];
	(v2sf) =	vpush v5, $0xF  }
0x3e1: {  	v5, _, _ =	vpop (xrf0)  }
0x3e2: {  	v7 =	vnsel vm15, $0x80000010, v3;
	s30 =	spop (v2sf);
	(v2sf) =	vpush v5, $0xF  }
0x3e3: {  	s10 =	simm.s32 $0x80000010;
	(xrf0) =	vmin.scan.msk.u32 $0xffff, v7  }
0x3e4: {  	s9 =	simm.s32 $0x80000020;
	s8 =	simm.s32 $0x80000030  }
0x3e5: {  	s13 =	simm.s32 $0x0;
	p2 =	por $0x1, $0x1;
	s12 =	spop (v2sf);
	(xrf0) =	vadd.scan.msk.s32 $0xffff, v6  }
0x3e6: {  	s1 =	simm.s32 $0x80000040;
	p1 =	sgt.s32 s30, $0x0;
	s4 =	sadd.s32 $0x80000000, s12  }
0x3e7: {  	s31 =	spop (v2sf);
	s13 =	smov.u32 @p1 s4;
	s4 =	simm.s32 $0x0  }
0x3e8: {  	s12 =	simm.s32 $0x80000050;
	s7 =	sadd.s32 s29, s31;
	s4 =	smov.u32 @p2 s13;
	v6, _, _ =	vpop (xrf0)  }
.LBB2_33:
0x3e9: {  	p2 =	sne.s32 s12, $0x80000FF0;
	s6 =	sadd.s32 $0x10, s6;
	v8 =	vadd.s32 s7, v5;
	(v2sf) =	vpush v6, $0xF;
	v6, _, _ =	vpop (xrf0);
	s13 =	smov.u32 s10  }
0x3ea: {  	s10 =	smov.u32 s9;
	s9 =	smov.u32 s8;
	s8 =	smov.u32 s1;
	v7 =	vld [tilespmem:s6+$0x0];
	vm0 =	vge.s32 v8, v4;
	(v2sf) =	vpush v6, $0xF  }
0x3eb: {  	s1 =	smov.u32 s12;
	v5, _, _ =	vpop (xrf0);
	v6 =	vsel vm0, $0x1, v1  }
0x3ec: {  	v8 =	vnsel vm0, $0x80000010, v3;
	(v2sf) =	vpush v5, $0xF;
	(xrf0) =	vadd.scan.msk.s32 $0xffff, v6  }
0x3ed: {  	(xrf0) =	vmin.scan.msk.u32 $0xffff, v8  }
.Ltmp17:
0x3ee: {  	s14 =	spop (v2sf);
	(pc) =	sbr.rel @p2 .LBB2_33-.Ltmp17, $4  }
0x3ef: {  	s0 =	simm.s32 @p1 $0x1;
	(xrf0) =	vadd.scan.msk.s32 $0xffff, v7;
	s15 =	spop (v2sf)  }
0x3f0: {  	p1 =	sgt.s32 s14, $0x0;
	s13 =	sadd.s32 s13, s15;
	s15 =	smov.u32 s4  }
0x3f1: {  	p3 =	seq.s32 s0, $0x0;
	s14 =	spop (v2sf);
	s15 =	smov.u32 @p1 s13  }
0x3f2: {  	s12 =	sadd.s32 $0x10, s12;
	s7 =	sadd.s32 s7, s14;
	v6, _, _ =	vpop (xrf0);
	s4 =	smov.u32 @p3 s15  }
0x3f3: {  	_ =	sdelay $0x4  }
0x3f4: {  	v5 =	vadd.s32 s7, v5  }
0x3f5: {  	s6 =	spop (v2sf)  }
0x3f6: {  	s12 =	spop (v2sf)  }
0x3f7: {  	vm0 =	vge.s32 v5, v4;
	v5, _, _ =	vpop (xrf0);
	s13 =	spop (v2sf)  }
0x3f8: {  	v7 =	vsel vm0, $0x1, v1;
	v61, _, _ =	vpop (xrf0);
	s21 =	sadd.s32 s7, s13  }
0x3f9: {  	v8 =	vnsel vm0, $0x80000010, v3;
	(xrf0) =	vadd.scan.msk.s32 $0xffff, v7;
	v62 =	vadd.s32 s21, v61  }
0x3fa: {  	(xrf0) =	vmin.scan.msk.u32 $0xffff, v8;
	vm15 =	vge.s32 v62, v4  }
0x3fb: {  	v4 =	vsel vm15, $0x1, v1  }
0x3fc: {  	v63 =	vnsel vm15, $0x80000010, v3;
	(xrf0) =	vadd.scan.msk.s32 $0xffff, v4  }
0x3fd: {  	(v2sf) =	vpush v6, $0xF;
	(xrf0) =	vmin.scan.msk.u32 $0xffff, v63  }
0x3fe: {  	(v2sf) =	vpush v5, $0xF  }
0x3ff: {  	(v2sf) =	vpush v61, $0xF;
	v4, _, _ =	vpop (xrf0)  }
0x400: {  	v5, _, _ =	vpop (xrf0);
	(v2sf) =	vpush v4, $0xF  }
0x401: {  	(v2sf) =	vpush v5, $0xF  }
0x402: {  	v4, _, _ =	vpop (xrf0)  }
0x403: {  	(v2sf) =	vpush v4, $0xF;
	v4, _, _ =	vpop (xrf0)  }
0x404: {  	(v2sf) =	vpush v4, $0xF;
	_ =	sdelay $0x4  }
0x405: {  	s0 =	simm.s32 @p1 $0x1  }
0x406: {  	p2 =	sgt.s32 s6, $0x0;
	s6 =	sadd.s32 s10, s12;
	s7 =	smov.u32 s4  }
0x407: {  	p1 =	seq.s32 s0, $0x0;
	s7 =	smov.u32 @p2 s6  }
0x408: {  	s0 =	simm.s32 @p2 $0x1;
	s4 =	smov.u32 @p1 s7;
	s22 =	spop (v2sf)  }
0x409: {  	p2 =	seq.s32 s0, $0x0;
	s7 =	smov.u32 s4;
	s23 =	spop (v2sf)  }
0x40a: {  	p1 =	sgt.s32 s22, $0x0;
	s6 =	sadd.s32 s9, s23;
	s24 =	spop (v2sf)  }
0x40b: {  	s0 =	simm.s32 @p1 $0x1;
	s7 =	smov.u32 @p1 s6;
	s25 =	spop (v2sf)  }
0x40c: {  	p1 =	seq.s32 s0, $0x0;
	s4 =	smov.u32 @p2 s7;
	s26 =	spop (v2sf)  }
0x40d: {  	s7 =	smov.u32 s4;
	p2 =	sgt.s32 s25, $0x0;
	s6 =	sadd.s32 s8, s26  }
0x40e: {  	s0 =	simm.s32 @p2 $0x1;
	s7 =	smov.u32 @p2 s6;
	s28 =	spop (v2sf)  }
0x40f: {  	p2 =	seq.s32 s0, $0x0;
	s4 =	smov.u32 @p1 s7;
	s29 =	spop (v2sf)  }
0x410: {  	p1 =	sgt.s32 s28, $0x0;
	s0 =	smov.u32 s4;
	s1 =	sadd.s32 s1, s29  }
0x411: {  	s6 =	sshll.u32 @!p0 s19, $0x8;
	s0 =	smov.u32 @p1 s1;
	s1 =	sshll.u32 @!p0 s18, $0x14  }
0x412: {  	s4 =	smov.u32 @p2 s0;
	s0 =	sor.u32 @!p0 s1, s6  }
0x413: {  	s0 =	sor.u32 @!p0 s4, s0  }
0x414: {  	v4 =	vmov @!p0 s0  }
0x415: {  	s1 =	simm.s32 @!p0 $0x8000;
	s4 =	rddreg [dreg:$0x6];
	s0 =	simm.s32 @!p0 $0x0;
	[tilespmem:$0x8000] =	vst @!p0 v4  }
0x416: {  	[hbm4b:s4+s0] =	stream.linear.scatter @!p0 [tilespmem:s1], [sflag:$0x1], $0x80, $0x38;
	[tilespmem:$0x11180] =	vst v63  }
0x417: {  	s0 =	simm.s32 @!p0 $0x1  }
0x418: {  	_ =	swait.ge @!p0 [sflag:s0], $0x80  }
0x419: {  	s30 =	rddreg [dreg:$0x8]  }
0x41a: {  	s31 =	rddreg [dreg:$0x7];
	s4 =	sadd.s32 $0x1, s30  }
0x41b: {  	p1 =	sne.s32 s4, s31  }
.Ltmp18:
0x41c: {  	_ = 	snop;
	(pc) =	sbr.rel @p1 .LBB2_1-.Ltmp18, $3  }
0x41d: {  	_ =	sdelay $0x1  }
0x41e: {  	[sflag:s0] =	ssyncset.done @!p0 $0x0  }
0x41f: {  	[sflag:s0] =	ssyncadd.s32 @!p0 $0xFFFFFF80  }
0x420: {  	_ =	sfence.sel $0x180000  }
0x421: {  	[bflag:$0x0] =	sbarrier.arrive $0xFFFF  }
0x422: {  	_ =	strace $0x90000047  }
0x423: {  	s0 =	stileid.u32;
	[bflag:$0x2] =	sbarrier.arrive $0xFFFF  }
0x424: {  	p0 =	sne.s32 s0, $0x0;
	s0 =	rddreg [dreg:$0x2]  }
0x425: {  	s0 =	sadd.s32 @!p0 $0x100000, s0  }
0x426: {  	[sflag:s0] =	ssyncadd.tile.s32 @!p0 $0x1;
	_ =	shalt  }
.Lfunc_end2:
_tile_overlayer_lowered:
.L_overlay_start_2:
0x427: {  	(tag) =	ssettag $0x2  }
0x428: {  	s0 =	rddreg [dreg:$0x0];
	s2 =	stileid.u32  }
0x429: {  	s1 =	rddreg [dreg:$0x1];
	p0 =	sne.s32 s2, $0x0  }
0x42a: {  	s3 =	rddreg [dreg:$0x2];
	[bflag:$0x3] =	sbarrier.arrive $0xFFFF;
	s2 =	simm.s32 @!p0 $0x1C01  }
0x42b: {  	[timem:s3], [sflag:s2] =	dma.local @!p0 [hbm:s0], s1  }
0x42c: {  	s0 =	simm.s32 @!p0 $0x1  }
0x42d: {  	_ =	swait.ge @!p0 [sflag:s0], s1  }
0x42e: {  	s1 =	ssub.s32 @!p0 $0x0, s1;
	[sflag:s0] =	ssyncset.done @!p0 $0x0  }
0x42f: {  	[sflag:s0] =	ssyncadd.s32 @!p0 s1  }
0x430: {  	[bflag:$0x3] =	sbarrier.arrive $0xFFFF  }
0x431: {  	_ =	shalt  }

</sc_bundles>
